<compile_context>
chip_gen: v7x
topology: tpu7x:2x2x1
jax: 0.10.2.dev20260603
libtpu: 0.0.44.dev20260713+nightly
codegen_flags: <defaults>
</compile_context>

<pallas_src>
import functools

import jax
import jax.numpy as jnp
from jax import lax
from jax.experimental import pallas as pl
from jax.experimental.pallas import tpu as pltpu
from jax.experimental.pallas import tpu_sc as plsc

Q = 1024
D = 64
KDB = 100000
KPAD = 100352
CHUNK = 2048
SUB = 512
NSUB = KPAD // SUB
NSUBPAD = 256
QB = 256
TOPK = 50
B = 256
BPAD = B + 16
NG16 = KPAD // 16
QPW = 32
INF = float('inf')


def _ksq_body(k_ref, out_ref):
    kblk = k_ref[...]
    out_ref[...] = jnp.sum(kblk * kblk, axis=1, keepdims=True)


def _ksq(kpad):
    return pl.pallas_call(
        _ksq_body,
        grid=(KPAD // CHUNK,),
        in_specs=[pl.BlockSpec((CHUNK, D), lambda kc: (kc, 0))],
        out_specs=pl.BlockSpec((CHUNK, 1), lambda kc: (kc, 0)),
        out_shape=jax.ShapeDtypeStruct((KPAD, 1), jnp.float32),
    )(kpad)


def _dist_body(q_ref, k_ref, qsq_ref, ksq_ref, out_ref, m16_ref):
    qblk = q_ref[...]
    kblk = k_ref[...]
    dots = jax.lax.dot_general(
        qblk.astype(jnp.bfloat16), kblk.astype(jnp.bfloat16),
        (((1,), (1,)), ((), ())),
        preferred_element_type=jnp.float32)
    dists = (qsq_ref[...] + ksq_ref[...]) - 2.0 * dots
    out_ref[...] = dists
    m16 = dists[:, 0:128]
    for s in range(1, 16):
        m16 = jnp.minimum(m16, dists[:, s * 128:(s + 1) * 128])
    m16_ref[...] = m16


def _dists(q, kpad, qsq, ksq_row):
    return pl.pallas_call(
        _dist_body,
        grid=(KPAD // CHUNK, Q // QB),
        in_specs=[
            pl.BlockSpec((QB, D), lambda kc, qb: (qb, 0)),
            pl.BlockSpec((CHUNK, D), lambda kc, qb: (kc, 0)),
            pl.BlockSpec((QB, 1), lambda kc, qb: (qb, 0)),
            pl.BlockSpec((1, CHUNK), lambda kc, qb: (0, kc)),
        ],
        out_specs=[
            pl.BlockSpec((QB, CHUNK), lambda kc, qb: (qb, kc)),
            pl.BlockSpec((QB, 128), lambda kc, qb: (qb, kc)),
        ],
        out_shape=[
            jax.ShapeDtypeStruct((Q, KPAD), jnp.float32),
            jax.ShapeDtypeStruct((Q, NG16), jnp.float32),
        ],
    )(q, kpad, qsq, ksq_row)


def _lo_body(cm_ref, out_ref):
    g = cm_ref[...]
    cells = [jnp.min(g[:, i * 32:(i + 1) * 32], axis=1, keepdims=True)
             for i in range(NG16 // 32)]
    cells.append(jnp.full((QB, NSUBPAD - NG16 // 32), INF, jnp.float32))
    a = jnp.concatenate(cells, axis=1)
    m = jnp.min(a, axis=1, keepdims=True)
    for _ in range(TOPK - 1):
        a = jnp.where(a == m, INF, a)
        m = jnp.min(a, axis=1, keepdims=True)
    out_ref[...] = m


def _lo(cm):
    return pl.pallas_call(
        _lo_body,
        grid=(Q // QB,),
        in_specs=[pl.BlockSpec((QB, NG16), lambda qb: (qb, 0))],
        out_specs=pl.BlockSpec((QB, 1), lambda qb: (qb, 0)),
        out_shape=jax.ShapeDtypeStruct((Q, 1), jnp.float32),
    )(cm)


def _sc_compact(sflat, m16, upb):
    info = plsc.get_sparse_core_info()
    mesh = plsc.VectorSubcoreMesh(core_axis_name="c", subcore_axis_name="s")

    @functools.partial(
        pl.kernel, mesh=mesh,
        compiler_params=pltpu.CompilerParams(needs_layout_passes=False),
        out_type=[
            jax.ShapeDtypeStruct((Q, B), jnp.float32),
            jax.ShapeDtypeStruct((Q, B), jnp.int32),
        ],
        scratch_types=[
            pltpu.VMEM((NG16,), jnp.float32),
            pltpu.VMEM((BPAD,), jnp.int32),
            pltpu.VMEM((BPAD * 16,), jnp.float32),
            pltpu.VMEM((BPAD,), jnp.float32),
            pltpu.VMEM((BPAD,), jnp.int32),
            pltpu.VMEM((16,), jnp.float32),
            pltpu.SemaphoreType.DMA,
            pltpu.SemaphoreType.DMA,
        ],
    )
    def body(s_hbm, m16_hbm, up_hbm, cv_hbm, ci_hbm,
             m16_v, gl_v, gb_v, cv_v, ci_v, up_v, sem, gsem):
        wid = lax.axis_index("s") * info.num_cores + lax.axis_index("c")
        q0 = wid * QPW
        iota = lax.iota(jnp.int32, 16)

        def per_query(t, _):
            qi = q0 + t
            pltpu.sync_copy(up_hbm.at[qi], up_v)
            upb = up_v[...]
            pltpu.sync_copy(m16_hbm.at[qi], m16_v)
            neg = jnp.full((16,), INF, jnp.float32)
            zer = jnp.zeros((16,), jnp.int32)

            def init(b16, _):
                cv_v[pl.ds(b16 * 16, 16)] = neg
                ci_v[pl.ds(b16 * 16, 16)] = zer
                return 0

            lax.fori_loop(0, BPAD // 16, init, 0)

            def scan_m16(i, ng):
                v = m16_v[pl.ds(i * 16, 16)]
                m = v <= upb
                c = plsc.cumsum(jnp.where(m, 1, 0).astype(jnp.int32))
                pos = ng + c - 1
                plsc.store_scatter(gl_v, [pos], iota + i * 16, mask=m)
                cnt = plsc.all_reduce_population_count(m)[0]
                return jnp.minimum(ng + cnt, B)

            ng = lax.fori_loop(0, NG16 // 16, scan_m16, jnp.int32(0))

            qflat = qi * KPAD

            def fire(j, _):
                gid = plsc.load_gather(
                    gl_v, [jnp.broadcast_to(j, (16,)).astype(jnp.int32)])[0]
                base = qflat + (gid // 128) * CHUNK + (gid % 128)
                idxv = base + iota * 128
                pltpu.async_copy(
                    s_hbm.at[idxv], gb_v.at[pl.ds(j * 16, 16)], gsem)
                return 0

            lax.fori_loop(0, ng, fire, 0)

            def drain(j, _):
                pltpu.make_async_copy(
                    s_hbm.at[iota], gb_v.at[pl.ds(0, 16)], gsem).wait()
                return 0

            lax.fori_loop(0, ng, drain, 0)

            def scan_groups(j, off):
                gid = plsc.load_gather(
                    gl_v, [jnp.broadcast_to(j, (16,)).astype(jnp.int32)])[0]
                v = gb_v[pl.ds(j * 16, 16)]
                m = v <= upb
                idxv = (gid // 128) * CHUNK + (gid % 128) + iota * 128
                c = plsc.cumsum(jnp.where(m, 1, 0).astype(jnp.int32))
                pos = off + c - 1
                plsc.store_scatter(cv_v, [pos], v, mask=m)
                plsc.store_scatter(ci_v, [pos], idxv, mask=m)
                cnt = plsc.all_reduce_population_count(m)[0]
                return jnp.minimum(off + cnt, B)

            lax.fori_loop(0, ng, scan_groups, jnp.int32(0))
            pltpu.sync_copy(cv_v.at[pl.ds(0, B)], cv_hbm.at[qi])
            pltpu.sync_copy(ci_v.at[pl.ds(0, B)], ci_hbm.at[qi])
            return 0

        lax.fori_loop(0, QPW, per_query, 0)

    return body(sflat, m16, upb)


def _final_body(cv_ref, ci_ref, out_ref):
    a = cv_ref[...]
    idx = ci_ref[...]
    outs = []
    for _ in range(TOPK):
        m = jnp.min(a, axis=1, keepdims=True)
        sel = a == m
        cand = jnp.max(jnp.where(sel, idx, -1), axis=1, keepdims=True)
        outs.append(cand)
        a = jnp.where(sel & (idx == cand), INF, a)
    out_ref[...] = jnp.concatenate(outs, axis=1)


def _final(cv, ci):
    return pl.pallas_call(
        _final_body,
        grid=(Q // QB,),
        in_specs=[
            pl.BlockSpec((QB, B), lambda qb: (qb, 0)),
            pl.BlockSpec((QB, B), lambda qb: (qb, 0)),
        ],
        out_specs=pl.BlockSpec((QB, TOPK), lambda qb: (qb, 0)),
        out_shape=jax.ShapeDtypeStruct((Q, TOPK), jnp.int32),
    )(cv, ci)


def kernel(input_embeddings, index_embeddings, top_k):
    kpad = jnp.concatenate(
        [index_embeddings,
         jnp.full((KPAD - KDB, D), 1e4, jnp.float32)], axis=0)
    qsq = jnp.sum(input_embeddings * input_embeddings, axis=1, keepdims=True)
    ksq_row = _ksq(kpad).reshape(1, KPAD)
    dists, m16 = _dists(input_embeddings, kpad, qsq, ksq_row)
    up = _lo(m16)
    upb = jnp.broadcast_to(up, (Q, 16))
    cv, ci = _sc_compact(dists.reshape(Q * KPAD), m16, upb)
    return _final(cv, ci)

# --- scband reference (transcript-rebuilt; emitter-appended) ---
"""Pipeline reference for scband-recommender-search-index-64707977281802 (READ-ONLY COPY).

The authoritative reference and input builder live on the scoring server;
editing this copy changes nothing except your own understanding.
"""

import jax, jax.numpy as jnp
import numpy as np


def setup_inputs(seed: int = 0) -> dict:
    key = jax.random.key(seed)
    k1, k2 = jax.random.split(key)
    input_embeddings = jax.random.normal(k1, (1024, 64), dtype=jnp.float32)
    # index_embeddings plays the role of the trained/added faiss database (learned state)
    index_embeddings = jax.random.normal(k2, (100000, 64), dtype=jnp.float32)
    top_k = 50
    return {"input_embeddings": input_embeddings, "index_embeddings": index_embeddings, "top_k": top_k}


def reference(input_embeddings, index_embeddings, top_k):
    # faiss IVF-PQ index.search approximates exact L2 nearest-neighbor search.
    # Reference semantics: exact L2 kNN over the full database, returning indices
    # of the top_k nearest vectors per query (same contract as index.search).
    q_sq = jnp.sum(input_embeddings * input_embeddings, axis=1, keepdims=True)  # [Q, 1]
    k_sq = jnp.sum(index_embeddings * index_embeddings, axis=1)  # [K]
    dots = input_embeddings @ index_embeddings.T  # [Q, K]
    dists = q_sq + k_sq[None, :] - 2.0 * dots  # squared L2 distances [Q, K]
    top_k = jnp.asarray(top_k)
    _, indices = jax.lax.top_k(-dists, 50)  # nearest = largest negative distance
    indices = indices + (top_k - top_k).astype(indices.dtype)
    return indices

if __name__ == "__main__":
    import jax
    _d = setup_inputs()
    print(jax.jit(kernel)(*tuple(_d.values())))

</pallas_src>

<mosaic_0001>
#map = affine_map<(d0, d1) -> (0)>
#map1 = affine_map<(d0, d1) -> (0, 0)>
module attributes {stable_mosaic.version = 14 : i64} {
  func.func @body(%arg0: i32, %arg1: i32, %arg2: memref<102760448xf32, #tpu.memory_space<hbm>>, %arg3: memref<1024x6272xf32, #tpu.memory_space<hbm>>, %arg4: memref<1024x16xf32, #tpu.memory_space<hbm>>, %arg5: memref<1024x256xf32, #tpu.memory_space<hbm>>, %arg6: memref<1024x256xi32, #tpu.memory_space<hbm>>, %arg7: memref<6272xf32, #tpu.memory_space<vmem>>, %arg8: memref<272xi32, #tpu.memory_space<vmem>>, %arg9: memref<4352xf32, #tpu.memory_space<vmem>>, %arg10: memref<272xf32, #tpu.memory_space<vmem>>, %arg11: memref<272xi32, #tpu.memory_space<vmem>>, %arg12: memref<16xf32, #tpu.memory_space<vmem>>, %arg13: memref<!tpu.dma_semaphore, #tpu.memory_space<semaphore_mem>>, %arg14: memref<!tpu.dma_semaphore, #tpu.memory_space<semaphore_mem>>) attributes {dimension_semantics = [#tpu.dimension_semantics<core_parallel>, #tpu.dimension_semantics<subcore_parallel>], iteration_bounds = array<i64: 2, 16>, scalar_prefetch = 0 : i64, scratch_operands = 8 : i64, tpu.core_type = #tpu.core_type<sc_vector_subcore>, window_params = [{transform_indices = #map}, {transform_indices = #map1}, {transform_indices = #map1}, {transform_indices = #map1}, {transform_indices = #map1}]} {
    %mul3A = arith.constant 2 : i32
    %mul3A_0 = arith.muli %arg1, %mul3A : i32
    %add3A = arith.addi %mul3A_0, %arg0 : i32
    %mul3A_1 = arith.constant 32 : i32
    %mul3A_2 = arith.muli %add3A, %mul3A_1 : i32
    %iota3A = tpu.iota {dimensions = array<i32: 0>} : vector<16xi32>
    %scan3A = arith.constant 0 : i32
    %scan3A_3 = arith.constant 0 : i32
    %scan3A_4 = arith.constant 32 : i32
    %scan3A_5 = arith.addi %scan3A_3, %scan3A_4 : i32
    %scan3A_6 = arith.constant 1 : i32
    %scan3A_7 = scf.for %scan3A_9 = %scan3A_3 to %scan3A_5 step %scan3A_6 iter_args(%scan3A_10 = %scan3A) -> (i32)  : i32 {
      %add3A_11 = arith.addi %mul3A_2, %scan3A_9 : i32
      "tpu.region"() ({
        %run_scoped3A = tpu.sem_alloc : memref<!tpu.dma_semaphore, #tpu.memory_space<semaphore_mem>>
        %dma_start3A = arith.constant 0 : i32
        %dma_start3A_68 = tpu.memref_slice %arg4[%add3A_11, %dma_start3A] : memref<1024x16xf32, #tpu.memory_space<hbm>> -> memref<1x16xf32, #tpu.memory_space<hbm>>
        %dma_start3A_69 = tpu.memref_squeeze %dma_start3A_68 : memref<1x16xf32, #tpu.memory_space<hbm>> -> memref<16xf32, #tpu.memory_space<hbm>>
        %dma_start3A_70 = arith.constant 0 : i32
        %dma_start3A_71 = tpu.memref_slice %arg4[%add3A_11, %dma_start3A_70] : memref<1024x16xf32, #tpu.memory_space<hbm>> -> memref<1x16xf32, #tpu.memory_space<hbm>>
        %dma_start3A_72 = tpu.memref_squeeze %dma_start3A_71 : memref<1x16xf32, #tpu.memory_space<hbm>> -> memref<16xf32, #tpu.memory_space<hbm>>
        tpu.enqueue_dma source(%dma_start3A_72 : memref<16xf32, #tpu.memory_space<hbm>>) target(%arg12 : memref<16xf32, #tpu.memory_space<vmem>>) target_semaphore(%run_scoped3A : memref<!tpu.dma_semaphore, #tpu.memory_space<semaphore_mem>>)
        %dma_wait3A = arith.constant 0 : i32
        %dma_wait3A_73 = tpu.memref_slice %arg4[%add3A_11, %dma_wait3A] : memref<1024x16xf32, #tpu.memory_space<hbm>> -> memref<1x16xf32, #tpu.memory_space<hbm>>
        %dma_wait3A_74 = tpu.memref_squeeze %dma_wait3A_73 : memref<1x16xf32, #tpu.memory_space<hbm>> -> memref<16xf32, #tpu.memory_space<hbm>>
        %dma_wait3A_75 = arith.constant 0 : i32
        %dma_wait3A_76 = tpu.memref_slice %arg4[%add3A_11, %dma_wait3A_75] : memref<1024x16xf32, #tpu.memory_space<hbm>> -> memref<1x16xf32, #tpu.memory_space<hbm>>
        %dma_wait3A_77 = tpu.memref_squeeze %dma_wait3A_76 : memref<1x16xf32, #tpu.memory_space<hbm>> -> memref<16xf32, #tpu.memory_space<hbm>>
        tpu.wait_dma2 semaphore(%run_scoped3A : memref<!tpu.dma_semaphore, #tpu.memory_space<semaphore_mem>>) src(%dma_wait3A_77 : memref<16xf32, #tpu.memory_space<hbm>>) dst(%arg12 : memref<16xf32, #tpu.memory_space<vmem>>)
        tpu.yield
      }) : () -> ()
      %get3A = arith.constant 0 : index
      %get3A_12 = tpu.vector_load %arg12[%get3A] {strides = array<i32>} : memref<16xf32, #tpu.memory_space<vmem>>, vector<16xf32>,
      "tpu.region"() ({
        %run_scoped3A = tpu.sem_alloc : memref<!tpu.dma_semaphore, #tpu.memory_space<semaphore_mem>>
        %dma_start3A = arith.constant 0 : i32
        %dma_start3A_68 = tpu.memref_slice %arg3[%add3A_11, %dma_start3A] : memref<1024x6272xf32, #tpu.memory_space<hbm>> -> memref<1x6272xf32, #tpu.memory_space<hbm>>
        %dma_start3A_69 = tpu.memref_squeeze %dma_start3A_68 : memref<1x6272xf32, #tpu.memory_space<hbm>> -> memref<6272xf32, #tpu.memory_space<hbm>>
        %dma_start3A_70 = arith.constant 0 : i32
        %dma_start3A_71 = tpu.memref_slice %arg3[%add3A_11, %dma_start3A_70] : memref<1024x6272xf32, #tpu.memory_space<hbm>> -> memref<1x6272xf32, #tpu.memory_space<hbm>>
        %dma_start3A_72 = tpu.memref_squeeze %dma_start3A_71 : memref<1x6272xf32, #tpu.memory_space<hbm>> -> memref<6272xf32, #tpu.memory_space<hbm>>
        tpu.enqueue_dma source(%dma_start3A_72 : memref<6272xf32, #tpu.memory_space<hbm>>) target(%arg7 : memref<6272xf32, #tpu.memory_space<vmem>>) target_semaphore(%run_scoped3A : memref<!tpu.dma_semaphore, #tpu.memory_space<semaphore_mem>>)
        %dma_wait3A = arith.constant 0 : i32
        %dma_wait3A_73 = tpu.memref_slice %arg3[%add3A_11, %dma_wait3A] : memref<1024x6272xf32, #tpu.memory_space<hbm>> -> memref<1x6272xf32, #tpu.memory_space<hbm>>
        %dma_wait3A_74 = tpu.memref_squeeze %dma_wait3A_73 : memref<1x6272xf32, #tpu.memory_space<hbm>> -> memref<6272xf32, #tpu.memory_space<hbm>>
        %dma_wait3A_75 = arith.constant 0 : i32
        %dma_wait3A_76 = tpu.memref_slice %arg3[%add3A_11, %dma_wait3A_75] : memref<1024x6272xf32, #tpu.memory_space<hbm>> -> memref<1x6272xf32, #tpu.memory_space<hbm>>
        %dma_wait3A_77 = tpu.memref_squeeze %dma_wait3A_76 : memref<1x6272xf32, #tpu.memory_space<hbm>> -> memref<6272xf32, #tpu.memory_space<hbm>>
        tpu.wait_dma2 semaphore(%run_scoped3A : memref<!tpu.dma_semaphore, #tpu.memory_space<semaphore_mem>>) src(%dma_wait3A_77 : memref<6272xf32, #tpu.memory_space<hbm>>) dst(%arg7 : memref<6272xf32, #tpu.memory_space<vmem>>)
        tpu.yield
      }) : () -> ()
      %broadcast_in_dim3A = arith.constant 0x7F800000 : f32
      %broadcast_in_dim3A_13 = vector.broadcast %broadcast_in_dim3A : f32 to vector<16xf32>
      %broadcast_in_dim3A_14 = arith.constant 0 : i32
      %broadcast_in_dim3A_15 = vector.broadcast %broadcast_in_dim3A_14 : i32 to vector<16xi32>
      %scan3A_16 = arith.constant 0 : i32
      %scan3A_17 = arith.constant 0 : i32
      %scan3A_18 = arith.constant 17 : i32
      %scan3A_19 = arith.addi %scan3A_17, %scan3A_18 : i32
      %scan3A_20 = arith.constant 1 : i32
      %scan3A_21 = scf.for %scan3A_68 = %scan3A_17 to %scan3A_19 step %scan3A_20 iter_args(%scan3A_69 = %scan3A_16) -> (i32)  : i32 {
        %mul3A_70 = arith.constant 16 : i32
        %mul3A_71 = arith.muli %scan3A_68, %mul3A_70 : i32
        %swap3A = arith.index_cast %mul3A_71 : i32 to index
        %swap3A_72 = tpu.vector_load %arg10[%swap3A] {strides = array<i32>} : memref<272xf32, #tpu.memory_space<vmem>>, vector<16xf32>,
        tpu.vector_store %arg10[%swap3A], %broadcast_in_dim3A_13 {strides = array<i32>} : memref<272xf32, #tpu.memory_space<vmem>>, vector<16xf32>,
        %mul3A_73 = arith.constant 16 : i32
        %mul3A_74 = arith.muli %scan3A_68, %mul3A_73 : i32
        %swap3A_75 = arith.index_cast %mul3A_74 : i32 to index
        %swap3A_76 = tpu.vector_load %arg11[%swap3A_75] {strides = array<i32>} : memref<272xi32, #tpu.memory_space<vmem>>, vector<16xi32>,
        tpu.vector_store %arg11[%swap3A_75], %broadcast_in_dim3A_15 {strides = array<i32>} : memref<272xi32, #tpu.memory_space<vmem>>, vector<16xi32>,
        %scan3A_77 = arith.constant 0 : i32
        scf.yield %scan3A_77 : i32
      }
      %scan3A_22 = arith.constant 17 : i32
      %scan3A_23 = arith.constant 0 : i32
      %scan3A_24 = arith.constant 0 : i32
      %scan3A_25 = arith.constant 392 : i32
      %scan3A_26 = arith.addi %scan3A_24, %scan3A_25 : i32
      %scan3A_27 = arith.constant 1 : i32
      %scan3A_28 = scf.for %scan3A_68 = %scan3A_24 to %scan3A_26 step %scan3A_27 iter_args(%scan3A_69 = %scan3A_23) -> (i32)  : i32 {
        %mul3A_70 = arith.constant 16 : i32
        %mul3A_71 = arith.muli %scan3A_68, %mul3A_70 : i32
        %get3A_72 = arith.index_cast %mul3A_71 : i32 to index
        %get3A_73 = tpu.vector_load %arg7[%get3A_72] {strides = array<i32>} : memref<6272xf32, #tpu.memory_space<vmem>>, vector<16xf32>,
        %le3A = arith.cmpf ole, %get3A_73, %get3A_12 : vector<16xf32>
        %jit3A = arith.constant 1 : i32
        %jit3A_74 = arith.constant 0 : i32
        %broadcast_in_dim3A_75 = vector.broadcast %jit3A : i32 to vector<16xi32>
        %broadcast_in_dim3A_76 = vector.broadcast %jit3A_74 : i32 to vector<16xi32>
        %select_n3A = arith.select %le3A, %broadcast_in_dim3A_75, %broadcast_in_dim3A_76 : vector<16xi1>, vector<16xi32>
        %broadcast_in_dim3A_77 = arith.constant true
        %broadcast_in_dim3A_78 = vector.broadcast %broadcast_in_dim3A_77 : i1 to vector<16xi1>
        %masked_cumsum3A = tpu.scan <sum>, %select_n3A masked %broadcast_in_dim3A_78 : vector<16xi32>, vector<16xi1> -> vector<16xi32>
        %add3A_79 = vector.broadcast %scan3A_69 : i32 to vector<16xi32>
        %add3A_80 = arith.addi %add3A_79, %masked_cumsum3A : vector<16xi32>
        %sub3A = arith.constant 1 : i32
        %sub3A_81 = vector.broadcast %sub3A : i32 to vector<16xi32>
        %sub3A_82 = arith.subi %add3A_80, %sub3A_81 : vector<16xi32>
        %mul3A_83 = arith.constant 16 : i32
        %mul3A_84 = arith.muli %scan3A_68, %mul3A_83 : i32
        %add3A_85 = vector.broadcast %mul3A_84 : i32 to vector<16xi32>
        %add3A_86 = arith.addi %iota3A, %add3A_85 : vector<16xi32>
        tpu.vector_store_idx %arg8[%sub3A_82], %add3A_86 masked %le3A : memref<272xi32, #tpu.memory_space<vmem>>[vector<16xi32>], vector<16xi32>, vector<16xi1>
        %all_reduce_population_count3A = tpu.all_reduce %le3A {dim = 0 : i64, kind = #tpu.reduction_kind<sum>} : vector<16xi1> -> vector<16xi32>
        %slice3A = vector.extract_strided_slice %all_reduce_population_count3A {offsets = [0], sizes = [1], strides = [1]} : vector<16xi32> to vector<1xi32>
        %squeeze3A = vector.extract %slice3A[0] : i32 from vector<1xi32>
        %add3A_87 = arith.addi %scan3A_69, %squeeze3A : i32
        %min3A = arith.constant 256 : i32
        %min3A_88 = arith.minsi %add3A_87, %min3A : i32
        scf.yield %min3A_88 : i32
      }
      %scan3A_29 = arith.constant 392 : i32
      %mul3A_30 = arith.constant 100352 : i32
      %mul3A_31 = arith.muli %add3A_11, %mul3A_30 : i32
      %while3A = arith.constant 0 : i32
      %while3A_32 = arith.constant 0 : i32
      %while3A_33 = arith.subi %scan3A_28, %while3A : i32
      %while3A_34 = arith.addi %while3A, %while3A_33 : i32
      %while3A_35 = arith.constant 1 : i32
      %while3A_36 = arith.divsi %while3A_33, %while3A_35 : i32
      %while3A_37 = arith.muli %while3A_36, %while3A_35 : i32
      %while3A_38 = arith.addi %while3A, %while3A_37 : i32
      %while3A_39 = arith.constant 1 : i32
      %while3A_40 = scf.for %while3A_68 = %while3A to %while3A_38 step %while3A_39 iter_args(%while3A_69 = %while3A_32) -> (i32)  : i32 {
        %broadcast_in_dim3A_70 = vector.broadcast %while3A_68 : i32 to vector<16xi32>
        %gather3A = tpu.vector_load_idx %arg8[%broadcast_in_dim3A_70] : memref<272xi32, #tpu.memory_space<vmem>>[vector<16xi32>], vector<16xi32>,
        %slice3A = vector.extract_strided_slice %gather3A {offsets = [0], sizes = [1], strides = [1]} : vector<16xi32> to vector<1xi32>
        %squeeze3A = vector.extract %slice3A[0] : i32 from vector<1xi32>
        %jit3A = arith.constant 128 : i32
        %div3A = arith.divsi %squeeze3A, %jit3A : i32
        %sign3A = arith.constant 0 : i32
        %sign3A_71 = arith.cmpi sgt, %squeeze3A, %sign3A : i32
        %sign3A_72 = arith.extui %sign3A_71 : i1 to i32
        %sign3A_73 = arith.constant 0 : i32
        %sign3A_74 = arith.cmpi slt, %squeeze3A, %sign3A_73 : i32
        %sign3A_75 = arith.extui %sign3A_74 : i1 to i32
        %sign3A_76 = arith.subi %sign3A_72, %sign3A_75 : i32
        %sign3A_77 = arith.constant 0 : i32
        %sign3A_78 = arith.cmpi sgt, %jit3A, %sign3A_77 : i32
        %sign3A_79 = arith.extui %sign3A_78 : i1 to i32
        %sign3A_80 = arith.constant 0 : i32
        %sign3A_81 = arith.cmpi slt, %jit3A, %sign3A_80 : i32
        %sign3A_82 = arith.extui %sign3A_81 : i1 to i32
        %sign3A_83 = arith.subi %sign3A_79, %sign3A_82 : i32
        %ne3A = arith.cmpi ne, %sign3A_76, %sign3A_83 : i32
        %rem3A = arith.remsi %squeeze3A, %jit3A : i32
        %ne3A_84 = arith.constant 0 : i32
        %ne3A_85 = arith.cmpi ne, %rem3A, %ne3A_84 : i32
        %and3A = arith.andi %ne3A, %ne3A_85 : i1
        %sub3A = arith.constant 1 : i32
        %sub3A_86 = arith.subi %div3A, %sub3A : i32
        %select_n3A = arith.select %and3A, %sub3A_86, %div3A : i32
        %mul3A_87 = arith.constant 2048 : i32
        %mul3A_88 = arith.muli %select_n3A, %mul3A_87 : i32
        %add3A_89 = arith.addi %mul3A_31, %mul3A_88 : i32
        %jit3A_90 = arith.constant 128 : i32
        %eq3A = arith.constant 0 : i32
        %eq3A_91 = arith.cmpi eq, %jit3A_90, %eq3A : i32
        %jit3A_92 = arith.constant 1 : i32
        %select_n3A_93 = arith.select %eq3A_91, %jit3A_92, %jit3A_90 : i32
        %rem3A_94 = arith.remsi %squeeze3A, %select_n3A_93 : i32
        %ne3A_95 = arith.constant 0 : i32
        %ne3A_96 = arith.cmpi ne, %rem3A_94, %ne3A_95 : i32
        %lt3A = arith.constant 0 : i32
        %lt3A_97 = arith.cmpi slt, %rem3A_94, %lt3A : i32
        %lt3A_98 = arith.constant 0 : i32
        %lt3A_99 = arith.cmpi slt, %select_n3A_93, %lt3A_98 : i32
        %ne3A_100 = arith.xori %lt3A_97, %lt3A_99 : i1
        %and3A_101 = arith.andi %ne3A_100, %ne3A_96 : i1
        %add3A_102 = arith.addi %rem3A_94, %select_n3A_93 : i32
        %select_n3A_103 = arith.select %and3A_101, %add3A_102, %rem3A_94 : i32
        %add3A_104 = arith.addi %add3A_89, %select_n3A_103 : i32
        %mul3A_105 = arith.constant 128 : i32
        %mul3A_106 = vector.broadcast %mul3A_105 : i32 to vector<16xi32>
        %mul3A_107 = arith.muli %iota3A, %mul3A_106 : vector<16xi32>
        %add3A_108 = vector.broadcast %add3A_104 : i32 to vector<16xi32>
        %add3A_109 = arith.addi %add3A_108, %mul3A_107 : vector<16xi32>
        %mul3A_110 = arith.constant 16 : i32
        %mul3A_111 = arith.muli %while3A_68, %mul3A_110 : i32
        %dma_start3A = tpu.memref_slice %arg9[%mul3A_111] : memref<4352xf32, #tpu.memory_space<vmem>> -> memref<16xf32, #tpu.memory_space<vmem>>
        %dma_start3A_112 = arith.constant 0 : i32
        %dma_start3A_113 = tpu.memref_slice %arg2[%dma_start3A_112] : memref<102760448xf32, #tpu.memory_space<hbm>> -> memref<102760448xf32, #tpu.memory_space<hbm>>
        tpu.enqueue_indirect_dma source(%dma_start3A_113 : memref<102760448xf32, #tpu.memory_space<hbm>>) target(%dma_start3A : memref<16xf32, #tpu.memory_space<vmem>>) offsets(%add3A_109 : vector<16xi32>) semaphore(%arg14 : memref<!tpu.dma_semaphore, #tpu.memory_space<semaphore_mem>>)
        %while3A_114 = arith.constant 0 : i32
        scf.yield %while3A_114 : i32
      }
      %while3A_41 = arith.constant 1 : i32
      %while3A_42 = scf.for %while3A_68 = %while3A_38 to %while3A_34 step %while3A_41 iter_args(%while3A_69 = %while3A_40) -> (i32)  : i32 {
        %broadcast_in_dim3A_70 = vector.broadcast %while3A_68 : i32 to vector<16xi32>
        %gather3A = tpu.vector_load_idx %arg8[%broadcast_in_dim3A_70] : memref<272xi32, #tpu.memory_space<vmem>>[vector<16xi32>], vector<16xi32>,
        %slice3A = vector.extract_strided_slice %gather3A {offsets = [0], sizes = [1], strides = [1]} : vector<16xi32> to vector<1xi32>
        %squeeze3A = vector.extract %slice3A[0] : i32 from vector<1xi32>
        %jit3A = arith.constant 128 : i32
        %div3A = arith.divsi %squeeze3A, %jit3A : i32
        %sign3A = arith.constant 0 : i32
        %sign3A_71 = arith.cmpi sgt, %squeeze3A, %sign3A : i32
        %sign3A_72 = arith.extui %sign3A_71 : i1 to i32
        %sign3A_73 = arith.constant 0 : i32
        %sign3A_74 = arith.cmpi slt, %squeeze3A, %sign3A_73 : i32
        %sign3A_75 = arith.extui %sign3A_74 : i1 to i32
        %sign3A_76 = arith.subi %sign3A_72, %sign3A_75 : i32
        %sign3A_77 = arith.constant 0 : i32
        %sign3A_78 = arith.cmpi sgt, %jit3A, %sign3A_77 : i32
        %sign3A_79 = arith.extui %sign3A_78 : i1 to i32
        %sign3A_80 = arith.constant 0 : i32
        %sign3A_81 = arith.cmpi slt, %jit3A, %sign3A_80 : i32
        %sign3A_82 = arith.extui %sign3A_81 : i1 to i32
        %sign3A_83 = arith.subi %sign3A_79, %sign3A_82 : i32
        %ne3A = arith.cmpi ne, %sign3A_76, %sign3A_83 : i32
        %rem3A = arith.remsi %squeeze3A, %jit3A : i32
        %ne3A_84 = arith.constant 0 : i32
        %ne3A_85 = arith.cmpi ne, %rem3A, %ne3A_84 : i32
        %and3A = arith.andi %ne3A, %ne3A_85 : i1
        %sub3A = arith.constant 1 : i32
        %sub3A_86 = arith.subi %div3A, %sub3A : i32
        %select_n3A = arith.select %and3A, %sub3A_86, %div3A : i32
        %mul3A_87 = arith.constant 2048 : i32
        %mul3A_88 = arith.muli %select_n3A, %mul3A_87 : i32
        %add3A_89 = arith.addi %mul3A_31, %mul3A_88 : i32
        %jit3A_90 = arith.constant 128 : i32
        %eq3A = arith.constant 0 : i32
        %eq3A_91 = arith.cmpi eq, %jit3A_90, %eq3A : i32
        %jit3A_92 = arith.constant 1 : i32
        %select_n3A_93 = arith.select %eq3A_91, %jit3A_92, %jit3A_90 : i32
        %rem3A_94 = arith.remsi %squeeze3A, %select_n3A_93 : i32
        %ne3A_95 = arith.constant 0 : i32
        %ne3A_96 = arith.cmpi ne, %rem3A_94, %ne3A_95 : i32
        %lt3A = arith.constant 0 : i32
        %lt3A_97 = arith.cmpi slt, %rem3A_94, %lt3A : i32
        %lt3A_98 = arith.constant 0 : i32
        %lt3A_99 = arith.cmpi slt, %select_n3A_93, %lt3A_98 : i32
        %ne3A_100 = arith.xori %lt3A_97, %lt3A_99 : i1
        %and3A_101 = arith.andi %ne3A_100, %ne3A_96 : i1
        %add3A_102 = arith.addi %rem3A_94, %select_n3A_93 : i32
        %select_n3A_103 = arith.select %and3A_101, %add3A_102, %rem3A_94 : i32
        %add3A_104 = arith.addi %add3A_89, %select_n3A_103 : i32
        %mul3A_105 = arith.constant 128 : i32
        %mul3A_106 = vector.broadcast %mul3A_105 : i32 to vector<16xi32>
        %mul3A_107 = arith.muli %iota3A, %mul3A_106 : vector<16xi32>
        %add3A_108 = vector.broadcast %add3A_104 : i32 to vector<16xi32>
        %add3A_109 = arith.addi %add3A_108, %mul3A_107 : vector<16xi32>
        %mul3A_110 = arith.constant 16 : i32
        %mul3A_111 = arith.muli %while3A_68, %mul3A_110 : i32
        %dma_start3A = tpu.memref_slice %arg9[%mul3A_111] : memref<4352xf32, #tpu.memory_space<vmem>> -> memref<16xf32, #tpu.memory_space<vmem>>
        %dma_start3A_112 = arith.constant 0 : i32
        %dma_start3A_113 = tpu.memref_slice %arg2[%dma_start3A_112] : memref<102760448xf32, #tpu.memory_space<hbm>> -> memref<102760448xf32, #tpu.memory_space<hbm>>
        tpu.enqueue_indirect_dma source(%dma_start3A_113 : memref<102760448xf32, #tpu.memory_space<hbm>>) target(%dma_start3A : memref<16xf32, #tpu.memory_space<vmem>>) offsets(%add3A_109 : vector<16xi32>) semaphore(%arg14 : memref<!tpu.dma_semaphore, #tpu.memory_space<semaphore_mem>>)
        %while3A_114 = arith.constant 0 : i32
        scf.yield %while3A_114 : i32
      }
      %while3A_43 = arith.constant 0 : i32
      %while3A_44 = arith.constant 0 : i32
      %while3A_45 = arith.subi %scan3A_28, %while3A_43 : i32
      %while3A_46 = arith.addi %while3A_43, %while3A_45 : i32
      %while3A_47 = arith.constant 1 : i32
      %while3A_48 = arith.divsi %while3A_45, %while3A_47 : i32
      %while3A_49 = arith.muli %while3A_48, %while3A_47 : i32
      %while3A_50 = arith.addi %while3A_43, %while3A_49 : i32
      %while3A_51 = arith.constant 1 : i32
      %while3A_52 = scf.for %while3A_68 = %while3A_43 to %while3A_50 step %while3A_51 iter_args(%while3A_69 = %while3A_44) -> (i32)  : i32 {
        %dma_wait3A = arith.constant 0 : i32
        %dma_wait3A_70 = tpu.memref_slice %arg9[%dma_wait3A] : memref<4352xf32, #tpu.memory_space<vmem>> -> memref<16xf32, #tpu.memory_space<vmem>>
        %dma_wait3A_71 = arith.constant 0 : i32
        %dma_wait3A_72 = tpu.memref_slice %arg2[%dma_wait3A_71] : memref<102760448xf32, #tpu.memory_space<hbm>> -> memref<102760448xf32, #tpu.memory_space<hbm>>
        tpu.wait_indirect_dma semaphore(%arg14 : memref<!tpu.dma_semaphore, #tpu.memory_space<semaphore_mem>>) src(%dma_wait3A_72 : memref<102760448xf32, #tpu.memory_space<hbm>>) dst(%dma_wait3A_70 : memref<16xf32, #tpu.memory_space<vmem>>)
        %while3A_73 = arith.constant 0 : i32
        scf.yield %while3A_73 : i32
      }
      %while3A_53 = arith.constant 1 : i32
      %while3A_54 = scf.for %while3A_68 = %while3A_50 to %while3A_46 step %while3A_53 iter_args(%while3A_69 = %while3A_52) -> (i32)  : i32 {
        %dma_wait3A = arith.constant 0 : i32
        %dma_wait3A_70 = tpu.memref_slice %arg9[%dma_wait3A] : memref<4352xf32, #tpu.memory_space<vmem>> -> memref<16xf32, #tpu.memory_space<vmem>>
        %dma_wait3A_71 = arith.constant 0 : i32
        %dma_wait3A_72 = tpu.memref_slice %arg2[%dma_wait3A_71] : memref<102760448xf32, #tpu.memory_space<hbm>> -> memref<102760448xf32, #tpu.memory_space<hbm>>
        tpu.wait_indirect_dma semaphore(%arg14 : memref<!tpu.dma_semaphore, #tpu.memory_space<semaphore_mem>>) src(%dma_wait3A_72 : memref<102760448xf32, #tpu.memory_space<hbm>>) dst(%dma_wait3A_70 : memref<16xf32, #tpu.memory_space<vmem>>)
        %while3A_73 = arith.constant 0 : i32
        scf.yield %while3A_73 : i32
      }
      %while3A_55 = arith.constant 0 : i32
      %while3A_56 = arith.constant 0 : i32
      %while3A_57 = arith.subi %scan3A_28, %while3A_55 : i32
      %while3A_58 = arith.addi %while3A_55, %while3A_57 : i32
      %while3A_59 = arith.constant 1 : i32
      %while3A_60 = arith.divsi %while3A_57, %while3A_59 : i32
      %while3A_61 = arith.muli %while3A_60, %while3A_59 : i32
      %while3A_62 = arith.addi %while3A_55, %while3A_61 : i32
      %while3A_63 = arith.constant 1 : i32
      %while3A_64 = scf.for %while3A_68 = %while3A_55 to %while3A_62 step %while3A_63 iter_args(%while3A_69 = %while3A_56) -> (i32)  : i32 {
        %broadcast_in_dim3A_70 = vector.broadcast %while3A_68 : i32 to vector<16xi32>
        %gather3A = tpu.vector_load_idx %arg8[%broadcast_in_dim3A_70] : memref<272xi32, #tpu.memory_space<vmem>>[vector<16xi32>], vector<16xi32>,
        %slice3A = vector.extract_strided_slice %gather3A {offsets = [0], sizes = [1], strides = [1]} : vector<16xi32> to vector<1xi32>
        %squeeze3A = vector.extract %slice3A[0] : i32 from vector<1xi32>
        %mul3A_71 = arith.constant 16 : i32
        %mul3A_72 = arith.muli %while3A_68, %mul3A_71 : i32
        %get3A_73 = arith.index_cast %mul3A_72 : i32 to index
        %get3A_74 = tpu.vector_load %arg9[%get3A_73] {strides = array<i32>} : memref<4352xf32, #tpu.memory_space<vmem>>, vector<16xf32>,
        %le3A = arith.cmpf ole, %get3A_74, %get3A_12 : vector<16xf32>
        %jit3A = arith.constant 128 : i32
        %div3A = arith.divsi %squeeze3A, %jit3A : i32
        %sign3A = arith.constant 0 : i32
        %sign3A_75 = arith.cmpi sgt, %squeeze3A, %sign3A : i32
        %sign3A_76 = arith.extui %sign3A_75 : i1 to i32
        %sign3A_77 = arith.constant 0 : i32
        %sign3A_78 = arith.cmpi slt, %squeeze3A, %sign3A_77 : i32
        %sign3A_79 = arith.extui %sign3A_78 : i1 to i32
        %sign3A_80 = arith.subi %sign3A_76, %sign3A_79 : i32
        %sign3A_81 = arith.constant 0 : i32
        %sign3A_82 = arith.cmpi sgt, %jit3A, %sign3A_81 : i32
        %sign3A_83 = arith.extui %sign3A_82 : i1 to i32
        %sign3A_84 = arith.constant 0 : i32
        %sign3A_85 = arith.cmpi slt, %jit3A, %sign3A_84 : i32
        %sign3A_86 = arith.extui %sign3A_85 : i1 to i32
        %sign3A_87 = arith.subi %sign3A_83, %sign3A_86 : i32
        %ne3A = arith.cmpi ne, %sign3A_80, %sign3A_87 : i32
        %rem3A = arith.remsi %squeeze3A, %jit3A : i32
        %ne3A_88 = arith.constant 0 : i32
        %ne3A_89 = arith.cmpi ne, %rem3A, %ne3A_88 : i32
        %and3A = arith.andi %ne3A, %ne3A_89 : i1
        %sub3A = arith.constant 1 : i32
        %sub3A_90 = arith.subi %div3A, %sub3A : i32
        %select_n3A = arith.select %and3A, %sub3A_90, %div3A : i32
        %mul3A_91 = arith.constant 2048 : i32
        %mul3A_92 = arith.muli %select_n3A, %mul3A_91 : i32
        %jit3A_93 = arith.constant 128 : i32
        %eq3A = arith.constant 0 : i32
        %eq3A_94 = arith.cmpi eq, %jit3A_93, %eq3A : i32
        %jit3A_95 = arith.constant 1 : i32
        %select_n3A_96 = arith.select %eq3A_94, %jit3A_95, %jit3A_93 : i32
        %rem3A_97 = arith.remsi %squeeze3A, %select_n3A_96 : i32
        %ne3A_98 = arith.constant 0 : i32
        %ne3A_99 = arith.cmpi ne, %rem3A_97, %ne3A_98 : i32
        %lt3A = arith.constant 0 : i32
        %lt3A_100 = arith.cmpi slt, %rem3A_97, %lt3A : i32
        %lt3A_101 = arith.constant 0 : i32
        %lt3A_102 = arith.cmpi slt, %select_n3A_96, %lt3A_101 : i32
        %ne3A_103 = arith.xori %lt3A_100, %lt3A_102 : i1
        %and3A_104 = arith.andi %ne3A_103, %ne3A_99 : i1
        %add3A_105 = arith.addi %rem3A_97, %select_n3A_96 : i32
        %select_n3A_106 = arith.select %and3A_104, %add3A_105, %rem3A_97 : i32
        %add3A_107 = arith.addi %mul3A_92, %select_n3A_106 : i32
        %mul3A_108 = arith.constant 128 : i32
        %mul3A_109 = vector.broadcast %mul3A_108 : i32 to vector<16xi32>
        %mul3A_110 = arith.muli %iota3A, %mul3A_109 : vector<16xi32>
        %add3A_111 = vector.broadcast %add3A_107 : i32 to vector<16xi32>
        %add3A_112 = arith.addi %add3A_111, %mul3A_110 : vector<16xi32>
        %jit3A_113 = arith.constant 1 : i32
        %jit3A_114 = arith.constant 0 : i32
        %broadcast_in_dim3A_115 = vector.broadcast %jit3A_113 : i32 to vector<16xi32>
        %broadcast_in_dim3A_116 = vector.broadcast %jit3A_114 : i32 to vector<16xi32>
        %select_n3A_117 = arith.select %le3A, %broadcast_in_dim3A_115, %broadcast_in_dim3A_116 : vector<16xi1>, vector<16xi32>
        %broadcast_in_dim3A_118 = arith.constant true
        %broadcast_in_dim3A_119 = vector.broadcast %broadcast_in_dim3A_118 : i1 to vector<16xi1>
        %masked_cumsum3A = tpu.scan <sum>, %select_n3A_117 masked %broadcast_in_dim3A_119 : vector<16xi32>, vector<16xi1> -> vector<16xi32>
        %add3A_120 = vector.broadcast %while3A_69 : i32 to vector<16xi32>
        %add3A_121 = arith.addi %add3A_120, %masked_cumsum3A : vector<16xi32>
        %sub3A_122 = arith.constant 1 : i32
        %sub3A_123 = vector.broadcast %sub3A_122 : i32 to vector<16xi32>
        %sub3A_124 = arith.subi %add3A_121, %sub3A_123 : vector<16xi32>
        tpu.vector_store_idx %arg10[%sub3A_124], %get3A_74 masked %le3A : memref<272xf32, #tpu.memory_space<vmem>>[vector<16xi32>], vector<16xf32>, vector<16xi1>
        tpu.vector_store_idx %arg11[%sub3A_124], %add3A_112 masked %le3A : memref<272xi32, #tpu.memory_space<vmem>>[vector<16xi32>], vector<16xi32>, vector<16xi1>
        %all_reduce_population_count3A = tpu.all_reduce %le3A {dim = 0 : i64, kind = #tpu.reduction_kind<sum>} : vector<16xi1> -> vector<16xi32>
        %slice3A_125 = vector.extract_strided_slice %all_reduce_population_count3A {offsets = [0], sizes = [1], strides = [1]} : vector<16xi32> to vector<1xi32>
        %squeeze3A_126 = vector.extract %slice3A_125[0] : i32 from vector<1xi32>
        %add3A_127 = arith.addi %while3A_69, %squeeze3A_126 : i32
        %min3A = arith.constant 256 : i32
        %min3A_128 = arith.minsi %add3A_127, %min3A : i32
        scf.yield %min3A_128 : i32
      }
      %while3A_65 = arith.constant 1 : i32
      %while3A_66 = scf.for %while3A_68 = %while3A_62 to %while3A_58 step %while3A_65 iter_args(%while3A_69 = %while3A_64) -> (i32)  : i32 {
        %broadcast_in_dim3A_70 = vector.broadcast %while3A_68 : i32 to vector<16xi32>
        %gather3A = tpu.vector_load_idx %arg8[%broadcast_in_dim3A_70] : memref<272xi32, #tpu.memory_space<vmem>>[vector<16xi32>], vector<16xi32>,
        %slice3A = vector.extract_strided_slice %gather3A {offsets = [0], sizes = [1], strides = [1]} : vector<16xi32> to vector<1xi32>
        %squeeze3A = vector.extract %slice3A[0] : i32 from vector<1xi32>
        %mul3A_71 = arith.constant 16 : i32
        %mul3A_72 = arith.muli %while3A_68, %mul3A_71 : i32
        %get3A_73 = arith.index_cast %mul3A_72 : i32 to index
        %get3A_74 = tpu.vector_load %arg9[%get3A_73] {strides = array<i32>} : memref<4352xf32, #tpu.memory_space<vmem>>, vector<16xf32>,
        %le3A = arith.cmpf ole, %get3A_74, %get3A_12 : vector<16xf32>
        %jit3A = arith.constant 128 : i32
        %div3A = arith.divsi %squeeze3A, %jit3A : i32
        %sign3A = arith.constant 0 : i32
        %sign3A_75 = arith.cmpi sgt, %squeeze3A, %sign3A : i32
        %sign3A_76 = arith.extui %sign3A_75 : i1 to i32
        %sign3A_77 = arith.constant 0 : i32
        %sign3A_78 = arith.cmpi slt, %squeeze3A, %sign3A_77 : i32
        %sign3A_79 = arith.extui %sign3A_78 : i1 to i32
        %sign3A_80 = arith.subi %sign3A_76, %sign3A_79 : i32
        %sign3A_81 = arith.constant 0 : i32
        %sign3A_82 = arith.cmpi sgt, %jit3A, %sign3A_81 : i32
        %sign3A_83 = arith.extui %sign3A_82 : i1 to i32
        %sign3A_84 = arith.constant 0 : i32
        %sign3A_85 = arith.cmpi slt, %jit3A, %sign3A_84 : i32
        %sign3A_86 = arith.extui %sign3A_85 : i1 to i32
        %sign3A_87 = arith.subi %sign3A_83, %sign3A_86 : i32
        %ne3A = arith.cmpi ne, %sign3A_80, %sign3A_87 : i32
        %rem3A = arith.remsi %squeeze3A, %jit3A : i32
        %ne3A_88 = arith.constant 0 : i32
        %ne3A_89 = arith.cmpi ne, %rem3A, %ne3A_88 : i32
        %and3A = arith.andi %ne3A, %ne3A_89 : i1
        %sub3A = arith.constant 1 : i32
        %sub3A_90 = arith.subi %div3A, %sub3A : i32
        %select_n3A = arith.select %and3A, %sub3A_90, %div3A : i32
        %mul3A_91 = arith.constant 2048 : i32
        %mul3A_92 = arith.muli %select_n3A, %mul3A_91 : i32
        %jit3A_93 = arith.constant 128 : i32
        %eq3A = arith.constant 0 : i32
        %eq3A_94 = arith.cmpi eq, %jit3A_93, %eq3A : i32
        %jit3A_95 = arith.constant 1 : i32
        %select_n3A_96 = arith.select %eq3A_94, %jit3A_95, %jit3A_93 : i32
        %rem3A_97 = arith.remsi %squeeze3A, %select_n3A_96 : i32
        %ne3A_98 = arith.constant 0 : i32
        %ne3A_99 = arith.cmpi ne, %rem3A_97, %ne3A_98 : i32
        %lt3A = arith.constant 0 : i32
        %lt3A_100 = arith.cmpi slt, %rem3A_97, %lt3A : i32
        %lt3A_101 = arith.constant 0 : i32
        %lt3A_102 = arith.cmpi slt, %select_n3A_96, %lt3A_101 : i32
        %ne3A_103 = arith.xori %lt3A_100, %lt3A_102 : i1
        %and3A_104 = arith.andi %ne3A_103, %ne3A_99 : i1
        %add3A_105 = arith.addi %rem3A_97, %select_n3A_96 : i32
        %select_n3A_106 = arith.select %and3A_104, %add3A_105, %rem3A_97 : i32
        %add3A_107 = arith.addi %mul3A_92, %select_n3A_106 : i32
        %mul3A_108 = arith.constant 128 : i32
        %mul3A_109 = vector.broadcast %mul3A_108 : i32 to vector<16xi32>
        %mul3A_110 = arith.muli %iota3A, %mul3A_109 : vector<16xi32>
        %add3A_111 = vector.broadcast %add3A_107 : i32 to vector<16xi32>
        %add3A_112 = arith.addi %add3A_111, %mul3A_110 : vector<16xi32>
        %jit3A_113 = arith.constant 1 : i32
        %jit3A_114 = arith.constant 0 : i32
        %broadcast_in_dim3A_115 = vector.broadcast %jit3A_113 : i32 to vector<16xi32>
        %broadcast_in_dim3A_116 = vector.broadcast %jit3A_114 : i32 to vector<16xi32>
        %select_n3A_117 = arith.select %le3A, %broadcast_in_dim3A_115, %broadcast_in_dim3A_116 : vector<16xi1>, vector<16xi32>
        %broadcast_in_dim3A_118 = arith.constant true
        %broadcast_in_dim3A_119 = vector.broadcast %broadcast_in_dim3A_118 : i1 to vector<16xi1>
        %masked_cumsum3A = tpu.scan <sum>, %select_n3A_117 masked %broadcast_in_dim3A_119 : vector<16xi32>, vector<16xi1> -> vector<16xi32>
        %add3A_120 = vector.broadcast %while3A_69 : i32 to vector<16xi32>
        %add3A_121 = arith.addi %add3A_120, %masked_cumsum3A : vector<16xi32>
        %sub3A_122 = arith.constant 1 : i32
        %sub3A_123 = vector.broadcast %sub3A_122 : i32 to vector<16xi32>
        %sub3A_124 = arith.subi %add3A_121, %sub3A_123 : vector<16xi32>
        tpu.vector_store_idx %arg10[%sub3A_124], %get3A_74 masked %le3A : memref<272xf32, #tpu.memory_space<vmem>>[vector<16xi32>], vector<16xf32>, vector<16xi1>
        tpu.vector_store_idx %arg11[%sub3A_124], %add3A_112 masked %le3A : memref<272xi32, #tpu.memory_space<vmem>>[vector<16xi32>], vector<16xi32>, vector<16xi1>
        %all_reduce_population_count3A = tpu.all_reduce %le3A {dim = 0 : i64, kind = #tpu.reduction_kind<sum>} : vector<16xi1> -> vector<16xi32>
        %slice3A_125 = vector.extract_strided_slice %all_reduce_population_count3A {offsets = [0], sizes = [1], strides = [1]} : vector<16xi32> to vector<1xi32>
        %squeeze3A_126 = vector.extract %slice3A_125[0] : i32 from vector<1xi32>
        %add3A_127 = arith.addi %while3A_69, %squeeze3A_126 : i32
        %min3A = arith.constant 256 : i32
        %min3A_128 = arith.minsi %add3A_127, %min3A : i32
        scf.yield %min3A_128 : i32
      }
      "tpu.region"() ({
        %run_scoped3A = tpu.sem_alloc : memref<!tpu.dma_semaphore, #tpu.memory_space<semaphore_mem>>
        %dma_start3A = arith.constant 0 : i32
        %dma_start3A_68 = tpu.memref_slice %arg10[%dma_start3A] : memref<272xf32, #tpu.memory_space<vmem>> -> memref<256xf32, #tpu.memory_space<vmem>>
        %dma_start3A_69 = arith.constant 0 : i32
        %dma_start3A_70 = tpu.memref_slice %arg5[%add3A_11, %dma_start3A_69] : memref<1024x256xf32, #tpu.memory_space<hbm>> -> memref<1x256xf32, #tpu.memory_space<hbm>>
        %dma_start3A_71 = tpu.memref_squeeze %dma_start3A_70 : memref<1x256xf32, #tpu.memory_space<hbm>> -> memref<256xf32, #tpu.memory_space<hbm>>
        %dma_start3A_72 = arith.constant 0 : i32
        %dma_start3A_73 = tpu.memref_slice %arg5[%add3A_11, %dma_start3A_72] : memref<1024x256xf32, #tpu.memory_space<hbm>> -> memref<1x256xf32, #tpu.memory_space<hbm>>
        %dma_start3A_74 = tpu.memref_squeeze %dma_start3A_73 : memref<1x256xf32, #tpu.memory_space<hbm>> -> memref<256xf32, #tpu.memory_space<hbm>>
        %dma_start3A_75 = arith.constant 0 : i32
        %dma_start3A_76 = tpu.memref_slice %arg10[%dma_start3A_75] : memref<272xf32, #tpu.memory_space<vmem>> -> memref<256xf32, #tpu.memory_space<vmem>>
        tpu.enqueue_dma source(%dma_start3A_76 : memref<256xf32, #tpu.memory_space<vmem>>) target(%dma_start3A_74 : memref<256xf32, #tpu.memory_space<hbm>>) target_semaphore(%run_scoped3A : memref<!tpu.dma_semaphore, #tpu.memory_space<semaphore_mem>>)
        %dma_wait3A = arith.constant 0 : i32
        %dma_wait3A_77 = tpu.memref_slice %arg10[%dma_wait3A] : memref<272xf32, #tpu.memory_space<vmem>> -> memref<256xf32, #tpu.memory_space<vmem>>
        %dma_wait3A_78 = arith.constant 0 : i32
        %dma_wait3A_79 = tpu.memref_slice %arg5[%add3A_11, %dma_wait3A_78] : memref<1024x256xf32, #tpu.memory_space<hbm>> -> memref<1x256xf32, #tpu.memory_space<hbm>>
        %dma_wait3A_80 = tpu.memref_squeeze %dma_wait3A_79 : memref<1x256xf32, #tpu.memory_space<hbm>> -> memref<256xf32, #tpu.memory_space<hbm>>
        %dma_wait3A_81 = arith.constant 0 : i32
        %dma_wait3A_82 = tpu.memref_slice %arg5[%add3A_11, %dma_wait3A_81] : memref<1024x256xf32, #tpu.memory_space<hbm>> -> memref<1x256xf32, #tpu.memory_space<hbm>>
        %dma_wait3A_83 = tpu.memref_squeeze %dma_wait3A_82 : memref<1x256xf32, #tpu.memory_space<hbm>> -> memref<256xf32, #tpu.memory_space<hbm>>
        %dma_wait3A_84 = arith.constant 0 : i32
        %dma_wait3A_85 = tpu.memref_slice %arg10[%dma_wait3A_84] : memref<272xf32, #tpu.memory_space<vmem>> -> memref<256xf32, #tpu.memory_space<vmem>>
        tpu.wait_dma2 semaphore(%run_scoped3A : memref<!tpu.dma_semaphore, #tpu.memory_space<semaphore_mem>>) src(%dma_wait3A_85 : memref<256xf32, #tpu.memory_space<vmem>>) dst(%dma_wait3A_83 : memref<256xf32, #tpu.memory_space<hbm>>)
        tpu.yield
      }) : () -> ()
      "tpu.region"() ({
        %run_scoped3A = tpu.sem_alloc : memref<!tpu.dma_semaphore, #tpu.memory_space<semaphore_mem>>
        %dma_start3A = arith.constant 0 : i32
        %dma_start3A_68 = tpu.memref_slice %arg11[%dma_start3A] : memref<272xi32, #tpu.memory_space<vmem>> -> memref<256xi32, #tpu.memory_space<vmem>>
        %dma_start3A_69 = arith.constant 0 : i32
        %dma_start3A_70 = tpu.memref_slice %arg6[%add3A_11, %dma_start3A_69] : memref<1024x256xi32, #tpu.memory_space<hbm>> -> memref<1x256xi32, #tpu.memory_space<hbm>>
        %dma_start3A_71 = tpu.memref_squeeze %dma_start3A_70 : memref<1x256xi32, #tpu.memory_space<hbm>> -> memref<256xi32, #tpu.memory_space<hbm>>
        %dma_start3A_72 = arith.constant 0 : i32
        %dma_start3A_73 = tpu.memref_slice %arg6[%add3A_11, %dma_start3A_72] : memref<1024x256xi32, #tpu.memory_space<hbm>> -> memref<1x256xi32, #tpu.memory_space<hbm>>
        %dma_start3A_74 = tpu.memref_squeeze %dma_start3A_73 : memref<1x256xi32, #tpu.memory_space<hbm>> -> memref<256xi32, #tpu.memory_space<hbm>>
        %dma_start3A_75 = arith.constant 0 : i32
        %dma_start3A_76 = tpu.memref_slice %arg11[%dma_start3A_75] : memref<272xi32, #tpu.memory_space<vmem>> -> memref<256xi32, #tpu.memory_space<vmem>>
        tpu.enqueue_dma source(%dma_start3A_76 : memref<256xi32, #tpu.memory_space<vmem>>) target(%dma_start3A_74 : memref<256xi32, #tpu.memory_space<hbm>>) target_semaphore(%run_scoped3A : memref<!tpu.dma_semaphore, #tpu.memory_space<semaphore_mem>>)
        %dma_wait3A = arith.constant 0 : i32
        %dma_wait3A_77 = tpu.memref_slice %arg11[%dma_wait3A] : memref<272xi32, #tpu.memory_space<vmem>> -> memref<256xi32, #tpu.memory_space<vmem>>
        %dma_wait3A_78 = arith.constant 0 : i32
        %dma_wait3A_79 = tpu.memref_slice %arg6[%add3A_11, %dma_wait3A_78] : memref<1024x256xi32, #tpu.memory_space<hbm>> -> memref<1x256xi32, #tpu.memory_space<hbm>>
        %dma_wait3A_80 = tpu.memref_squeeze %dma_wait3A_79 : memref<1x256xi32, #tpu.memory_space<hbm>> -> memref<256xi32, #tpu.memory_space<hbm>>
        %dma_wait3A_81 = arith.constant 0 : i32
        %dma_wait3A_82 = tpu.memref_slice %arg6[%add3A_11, %dma_wait3A_81] : memref<1024x256xi32, #tpu.memory_space<hbm>> -> memref<1x256xi32, #tpu.memory_space<hbm>>
        %dma_wait3A_83 = tpu.memref_squeeze %dma_wait3A_82 : memref<1x256xi32, #tpu.memory_space<hbm>> -> memref<256xi32, #tpu.memory_space<hbm>>
        %dma_wait3A_84 = arith.constant 0 : i32
        %dma_wait3A_85 = tpu.memref_slice %arg11[%dma_wait3A_84] : memref<272xi32, #tpu.memory_space<vmem>> -> memref<256xi32, #tpu.memory_space<vmem>>
        tpu.wait_dma2 semaphore(%run_scoped3A : memref<!tpu.dma_semaphore, #tpu.memory_space<semaphore_mem>>) src(%dma_wait3A_85 : memref<256xi32, #tpu.memory_space<vmem>>) dst(%dma_wait3A_83 : memref<256xi32, #tpu.memory_space<hbm>>)
        tpu.yield
      }) : () -> ()
      %scan3A_67 = arith.constant 0 : i32
      scf.yield %scan3A_67 : i32
    }
    %scan3A_8 = arith.constant 32 : i32
    return
  }
}

module attributes {stable_mosaic.version = 14 : i64} {
  func.func @_ksq_body(%arg0: i32, %arg1: memref<2048x64xf32, #tpu.memory_space<vmem>>, %arg2: memref<2048x1xf32, #tpu.memory_space<vmem>>) attributes {dimension_semantics = [#tpu.dimension_semantics<arbitrary>], iteration_bounds = array<i64: 49>, scalar_prefetch = 0 : i64, scratch_operands = 0 : i64, tpu.core_type = #tpu.core_type<tc>, window_params = [{transform_indices = @transform_0, window_bounds = array<i64: 2048, 64>}, {transform_indices = @transform_1, window_bounds = array<i64: 2048, 1>}]} {
    %get3A = arith.constant 0 : index
    %get3A_0 = arith.constant 0 : index
    %get3A_1 = vector.load %arg1[%get3A, %get3A_0] : memref<2048x64xf32, #tpu.memory_space<vmem>>, vector<2048x64xf32>
    %mul3A = arith.mulf %get3A_1, %get3A_1 : vector<2048x64xf32>
    %reduce_sum3A = arith.constant dense<0.000000e+00> : vector<2048xf32>
    %reduce_sum3A_2 = vector.multi_reduction <add>, %mul3A, %reduce_sum3A [1] : vector<2048x64xf32> to vector<2048xf32>
    %broadcast_in_dim3A = vector.shape_cast %reduce_sum3A_2 : vector<2048xf32> to vector<2048x1xf32>
    %swap3A = arith.constant 0 : index
    %swap3A_3 = arith.constant 0 : index
    %swap3A_4 = vector.load %arg2[%swap3A, %swap3A_3] : memref<2048x1xf32, #tpu.memory_space<vmem>>, vector<2048x1xf32>
    tpu.vector_store %arg2[%swap3A, %swap3A_3], %broadcast_in_dim3A {strides = array<i32>} : memref<2048x1xf32, #tpu.memory_space<vmem>>, vector<2048x1xf32>,
    return
  }
  func.func @transform_0(%arg0: i32) -> (i32, i32) {
    %c0_i32 = arith.constant 0 : i32
    %c0_i32_0 = arith.constant 0 : i32
    return %arg0, %c0_i32 : i32, i32
  }
  func.func @transform_1(%arg0: i32) -> (i32, i32) {
    %c0_i32 = arith.constant 0 : i32
    %c0_i32_0 = arith.constant 0 : i32
    return %arg0, %c0_i32 : i32, i32
  }
}

module attributes {stable_mosaic.version = 14 : i64} {
  func.func @_dist_body(%arg0: i32, %arg1: i32, %arg2: memref<256x64xf32, #tpu.memory_space<vmem>>, %arg3: memref<2048x64xf32, #tpu.memory_space<vmem>>, %arg4: memref<256x1xf32, #tpu.memory_space<vmem>>, %arg5: memref<1x2048xf32, #tpu.memory_space<vmem>>, %arg6: memref<256x2048xf32, #tpu.memory_space<vmem>>, %arg7: memref<256x128xf32, #tpu.memory_space<vmem>>) attributes {dimension_semantics = [#tpu.dimension_semantics<arbitrary>, #tpu.dimension_semantics<arbitrary>], iteration_bounds = array<i64: 49, 4>, scalar_prefetch = 0 : i64, scratch_operands = 0 : i64, tpu.core_type = #tpu.core_type<tc>, window_params = [{transform_indices = @transform_0, window_bounds = array<i64: 256, 64>}, {transform_indices = @transform_1, window_bounds = array<i64: 2048, 64>}, {transform_indices = @transform_2, window_bounds = array<i64: 256, 1>}, {transform_indices = @transform_3, window_bounds = array<i64: 1, 2048>}, {transform_indices = @transform_4, window_bounds = array<i64: 256, 2048>}, {transform_indices = @transform_5, window_bounds = array<i64: 256, 128>}]} {
    %get3A = arith.constant 0 : index
    %get3A_0 = arith.constant 0 : index
    %get3A_1 = vector.load %arg2[%get3A, %get3A_0] : memref<256x64xf32, #tpu.memory_space<vmem>>, vector<256x64xf32>
    %get3A_2 = arith.constant 0 : index
    %get3A_3 = arith.constant 0 : index
    %get3A_4 = vector.load %arg3[%get3A_2, %get3A_3] : memref<2048x64xf32, #tpu.memory_space<vmem>>, vector<2048x64xf32>
    %convert_element_type3A = arith.truncf %get3A_1 : vector<256x64xf32> to vector<256x64xbf16>
    %convert_element_type3A_5 = arith.truncf %get3A_4 : vector<2048x64xf32> to vector<2048x64xbf16>
    %dot_general3A = arith.constant dense<0.000000e+00> : vector<256x2048xf32>
    %dot_general3A_6 = tpu.matmul %convert_element_type3A, %convert_element_type3A_5, %dot_general3A {dimension_numbers = #tpu.dot_dimension_numbers<[1], [1], [0], [0], [0, 0, 1, 0], [], []>, transpose_lhs_hint = false} : vector<256x64xbf16>, vector<2048x64xbf16>, vector<256x2048xf32> -> vector<256x2048xf32>
    %get3A_7 = arith.constant 0 : index
    %get3A_8 = arith.constant 0 : index
    %get3A_9 = vector.load %arg4[%get3A_7, %get3A_8] : memref<256x1xf32, #tpu.memory_space<vmem>>, vector<256x1xf32>
    %get3A_10 = arith.constant 0 : index
    %get3A_11 = arith.constant 0 : index
    %get3A_12 = vector.load %arg5[%get3A_10, %get3A_11] : memref<1x2048xf32, #tpu.memory_space<vmem>>, vector<1x2048xf32>
    %add3A = vector.broadcast %get3A_9 : vector<256x1xf32> to vector<256x2048xf32>
    %add3A_13 = vector.broadcast %get3A_12 : vector<1x2048xf32> to vector<256x2048xf32>
    %add3A_14 = arith.addf %add3A, %add3A_13 : vector<256x2048xf32>
    %mul3A = arith.constant 2.000000e+00 : f32
    %mul3A_15 = vector.broadcast %mul3A : f32 to vector<256x2048xf32>
    %mul3A_16 = arith.mulf %mul3A_15, %dot_general3A_6 : vector<256x2048xf32>
    %sub3A = arith.subf %add3A_14, %mul3A_16 : vector<256x2048xf32>
    %swap3A = arith.constant 0 : index
    %swap3A_17 = arith.constant 0 : index
    %swap3A_18 = vector.load %arg6[%swap3A, %swap3A_17] : memref<256x2048xf32, #tpu.memory_space<vmem>>, vector<256x2048xf32>
    tpu.vector_store %arg6[%swap3A, %swap3A_17], %sub3A {strides = array<i32>} : memref<256x2048xf32, #tpu.memory_space<vmem>>, vector<256x2048xf32>,
    %slice3A = vector.extract_strided_slice %sub3A {offsets = [0, 0], sizes = [256, 128], strides = [1, 1]} : vector<256x2048xf32> to vector<256x128xf32>
    %slice3A_19 = vector.extract_strided_slice %sub3A {offsets = [0, 128], sizes = [256, 128], strides = [1, 1]} : vector<256x2048xf32> to vector<256x128xf32>
    %min3A = arith.minimumf %slice3A, %slice3A_19 : vector<256x128xf32>
    %slice3A_20 = vector.extract_strided_slice %sub3A {offsets = [0, 256], sizes = [256, 128], strides = [1, 1]} : vector<256x2048xf32> to vector<256x128xf32>
    %min3A_21 = arith.minimumf %min3A, %slice3A_20 : vector<256x128xf32>
    %slice3A_22 = vector.extract_strided_slice %sub3A {offsets = [0, 384], sizes = [256, 128], strides = [1, 1]} : vector<256x2048xf32> to vector<256x128xf32>
    %min3A_23 = arith.minimumf %min3A_21, %slice3A_22 : vector<256x128xf32>
    %slice3A_24 = vector.extract_strided_slice %sub3A {offsets = [0, 512], sizes = [256, 128], strides = [1, 1]} : vector<256x2048xf32> to vector<256x128xf32>
    %min3A_25 = arith.minimumf %min3A_23, %slice3A_24 : vector<256x128xf32>
    %slice3A_26 = vector.extract_strided_slice %sub3A {offsets = [0, 640], sizes = [256, 128], strides = [1, 1]} : vector<256x2048xf32> to vector<256x128xf32>
    %min3A_27 = arith.minimumf %min3A_25, %slice3A_26 : vector<256x128xf32>
    %slice3A_28 = vector.extract_strided_slice %sub3A {offsets = [0, 768], sizes = [256, 128], strides = [1, 1]} : vector<256x2048xf32> to vector<256x128xf32>
    %min3A_29 = arith.minimumf %min3A_27, %slice3A_28 : vector<256x128xf32>
    %slice3A_30 = vector.extract_strided_slice %sub3A {offsets = [0, 896], sizes = [256, 128], strides = [1, 1]} : vector<256x2048xf32> to vector<256x128xf32>
    %min3A_31 = arith.minimumf %min3A_29, %slice3A_30 : vector<256x128xf32>
    %slice3A_32 = vector.extract_strided_slice %sub3A {offsets = [0, 1024], sizes = [256, 128], strides = [1, 1]} : vector<256x2048xf32> to vector<256x128xf32>
    %min3A_33 = arith.minimumf %min3A_31, %slice3A_32 : vector<256x128xf32>
    %slice3A_34 = vector.extract_strided_slice %sub3A {offsets = [0, 1152], sizes = [256, 128], strides = [1, 1]} : vector<256x2048xf32> to vector<256x128xf32>
    %min3A_35 = arith.minimumf %min3A_33, %slice3A_34 : vector<256x128xf32>
    %slice3A_36 = vector.extract_strided_slice %sub3A {offsets = [0, 1280], sizes = [256, 128], strides = [1, 1]} : vector<256x2048xf32> to vector<256x128xf32>
    %min3A_37 = arith.minimumf %min3A_35, %slice3A_36 : vector<256x128xf32>
    %slice3A_38 = vector.extract_strided_slice %sub3A {offsets = [0, 1408], sizes = [256, 128], strides = [1, 1]} : vector<256x2048xf32> to vector<256x128xf32>
    %min3A_39 = arith.minimumf %min3A_37, %slice3A_38 : vector<256x128xf32>
    %slice3A_40 = vector.extract_strided_slice %sub3A {offsets = [0, 1536], sizes = [256, 128], strides = [1, 1]} : vector<256x2048xf32> to vector<256x128xf32>
    %min3A_41 = arith.minimumf %min3A_39, %slice3A_40 : vector<256x128xf32>
    %slice3A_42 = vector.extract_strided_slice %sub3A {offsets = [0, 1664], sizes = [256, 128], strides = [1, 1]} : vector<256x2048xf32> to vector<256x128xf32>
    %min3A_43 = arith.minimumf %min3A_41, %slice3A_42 : vector<256x128xf32>
    %slice3A_44 = vector.extract_strided_slice %sub3A {offsets = [0, 1792], sizes = [256, 128], strides = [1, 1]} : vector<256x2048xf32> to vector<256x128xf32>
    %min3A_45 = arith.minimumf %min3A_43, %slice3A_44 : vector<256x128xf32>
    %slice3A_46 = vector.extract_strided_slice %sub3A {offsets = [0, 1920], sizes = [256, 128], strides = [1, 1]} : vector<256x2048xf32> to vector<256x128xf32>
    %min3A_47 = arith.minimumf %min3A_45, %slice3A_46 : vector<256x128xf32>
    %swap3A_48 = arith.constant 0 : index
    %swap3A_49 = arith.constant 0 : index
    %swap3A_50 = vector.load %arg7[%swap3A_48, %swap3A_49] : memref<256x128xf32, #tpu.memory_space<vmem>>, vector<256x128xf32>
    tpu.vector_store %arg7[%swap3A_48, %swap3A_49], %min3A_47 {strides = array<i32>} : memref<256x128xf32, #tpu.memory_space<vmem>>, vector<256x128xf32>,
    return
  }
  func.func @transform_0(%arg0: i32, %arg1: i32) -> (i32, i32) {
    %c0_i32 = arith.constant 0 : i32
    %c0_i32_0 = arith.constant 0 : i32
    return %arg1, %c0_i32 : i32, i32
  }
  func.func @transform_1(%arg0: i32, %arg1: i32) -> (i32, i32) {
    %c0_i32 = arith.constant 0 : i32
    %c0_i32_0 = arith.constant 0 : i32
    return %arg0, %c0_i32 : i32, i32
  }
  func.func @transform_2(%arg0: i32, %arg1: i32) -> (i32, i32) {
    %c0_i32 = arith.constant 0 : i32
    %c0_i32_0 = arith.constant 0 : i32
    return %arg1, %c0_i32 : i32, i32
  }
  func.func @transform_3(%arg0: i32, %arg1: i32) -> (i32, i32) {
    %c0_i32 = arith.constant 0 : i32
    %c0_i32_0 = arith.constant 0 : i32
    return %c0_i32, %arg0 : i32, i32
  }
  func.func @transform_4(%arg0: i32, %arg1: i32) -> (i32, i32) {
    %c0_i32 = arith.constant 0 : i32
    return %arg1, %arg0 : i32, i32
  }
  func.func @transform_5(%arg0: i32, %arg1: i32) -> (i32, i32) {
    %c0_i32 = arith.constant 0 : i32
    return %arg1, %arg0 : i32, i32
  }
}

module attributes {stable_mosaic.version = 14 : i64} {
  func.func @_lo_body(%arg0: i32, %arg1: memref<256x6272xf32, #tpu.memory_space<vmem>>, %arg2: memref<256x1xf32, #tpu.memory_space<vmem>>) attributes {dimension_semantics = [#tpu.dimension_semantics<arbitrary>], iteration_bounds = array<i64: 4>, scalar_prefetch = 0 : i64, scratch_operands = 0 : i64, tpu.core_type = #tpu.core_type<tc>, window_params = [{transform_indices = @transform_0, window_bounds = array<i64: 256, 6272>}, {transform_indices = @transform_1, window_bounds = array<i64: 256, 1>}]} {
    %get3A = arith.constant 0 : index
    %get3A_0 = arith.constant 0 : index
    %get3A_1 = vector.load %arg1[%get3A, %get3A_0] : memref<256x6272xf32, #tpu.memory_space<vmem>>, vector<256x6272xf32>
    %slice3A = vector.extract_strided_slice %get3A_1 {offsets = [0, 0], sizes = [256, 32], strides = [1, 1]} : vector<256x6272xf32> to vector<256x32xf32>
    %reduce_min3A = arith.constant dense<0x7F800000> : vector<256xf32>
    %reduce_min3A_2 = vector.multi_reduction <minimumf>, %slice3A, %reduce_min3A [1] : vector<256x32xf32> to vector<256xf32>
    %broadcast_in_dim3A = vector.shape_cast %reduce_min3A_2 : vector<256xf32> to vector<256x1xf32>
    %slice3A_3 = vector.extract_strided_slice %get3A_1 {offsets = [0, 32], sizes = [256, 32], strides = [1, 1]} : vector<256x6272xf32> to vector<256x32xf32>
    %reduce_min3A_4 = arith.constant dense<0x7F800000> : vector<256xf32>
    %reduce_min3A_5 = vector.multi_reduction <minimumf>, %slice3A_3, %reduce_min3A_4 [1] : vector<256x32xf32> to vector<256xf32>
    %broadcast_in_dim3A_6 = vector.shape_cast %reduce_min3A_5 : vector<256xf32> to vector<256x1xf32>
    %slice3A_7 = vector.extract_strided_slice %get3A_1 {offsets = [0, 64], sizes = [256, 32], strides = [1, 1]} : vector<256x6272xf32> to vector<256x32xf32>
    %reduce_min3A_8 = arith.constant dense<0x7F800000> : vector<256xf32>
    %reduce_min3A_9 = vector.multi_reduction <minimumf>, %slice3A_7, %reduce_min3A_8 [1] : vector<256x32xf32> to vector<256xf32>
    %broadcast_in_dim3A_10 = vector.shape_cast %reduce_min3A_9 : vector<256xf32> to vector<256x1xf32>
    %slice3A_11 = vector.extract_strided_slice %get3A_1 {offsets = [0, 96], sizes = [256, 32], strides = [1, 1]} : vector<256x6272xf32> to vector<256x32xf32>
    %reduce_min3A_12 = arith.constant dense<0x7F800000> : vector<256xf32>
    %reduce_min3A_13 = vector.multi_reduction <minimumf>, %slice3A_11, %reduce_min3A_12 [1] : vector<256x32xf32> to vector<256xf32>
    %broadcast_in_dim3A_14 = vector.shape_cast %reduce_min3A_13 : vector<256xf32> to vector<256x1xf32>
    %slice3A_15 = vector.extract_strided_slice %get3A_1 {offsets = [0, 128], sizes = [256, 32], strides = [1, 1]} : vector<256x6272xf32> to vector<256x32xf32>
    %reduce_min3A_16 = arith.constant dense<0x7F800000> : vector<256xf32>
    %reduce_min3A_17 = vector.multi_reduction <minimumf>, %slice3A_15, %reduce_min3A_16 [1] : vector<256x32xf32> to vector<256xf32>
    %broadcast_in_dim3A_18 = vector.shape_cast %reduce_min3A_17 : vector<256xf32> to vector<256x1xf32>
    %slice3A_19 = vector.extract_strided_slice %get3A_1 {offsets = [0, 160], sizes = [256, 32], strides = [1, 1]} : vector<256x6272xf32> to vector<256x32xf32>
    %reduce_min3A_20 = arith.constant dense<0x7F800000> : vector<256xf32>
    %reduce_min3A_21 = vector.multi_reduction <minimumf>, %slice3A_19, %reduce_min3A_20 [1] : vector<256x32xf32> to vector<256xf32>
    %broadcast_in_dim3A_22 = vector.shape_cast %reduce_min3A_21 : vector<256xf32> to vector<256x1xf32>
    %slice3A_23 = vector.extract_strided_slice %get3A_1 {offsets = [0, 192], sizes = [256, 32], strides = [1, 1]} : vector<256x6272xf32> to vector<256x32xf32>
    %reduce_min3A_24 = arith.constant dense<0x7F800000> : vector<256xf32>
    %reduce_min3A_25 = vector.multi_reduction <minimumf>, %slice3A_23, %reduce_min3A_24 [1] : vector<256x32xf32> to vector<256xf32>
    %broadcast_in_dim3A_26 = vector.shape_cast %reduce_min3A_25 : vector<256xf32> to vector<256x1xf32>
    %slice3A_27 = vector.extract_strided_slice %get3A_1 {offsets = [0, 224], sizes = [256, 32], strides = [1, 1]} : vector<256x6272xf32> to vector<256x32xf32>
    %reduce_min3A_28 = arith.constant dense<0x7F800000> : vector<256xf32>
    %reduce_min3A_29 = vector.multi_reduction <minimumf>, %slice3A_27, %reduce_min3A_28 [1] : vector<256x32xf32> to vector<256xf32>
    %broadcast_in_dim3A_30 = vector.shape_cast %reduce_min3A_29 : vector<256xf32> to vector<256x1xf32>
    %slice3A_31 = vector.extract_strided_slice %get3A_1 {offsets = [0, 256], sizes = [256, 32], strides = [1, 1]} : vector<256x6272xf32> to vector<256x32xf32>
    %reduce_min3A_32 = arith.constant dense<0x7F800000> : vector<256xf32>
    %reduce_min3A_33 = vector.multi_reduction <minimumf>, %slice3A_31, %reduce_min3A_32 [1] : vector<256x32xf32> to vector<256xf32>
    %broadcast_in_dim3A_34 = vector.shape_cast %reduce_min3A_33 : vector<256xf32> to vector<256x1xf32>
    %slice3A_35 = vector.extract_strided_slice %get3A_1 {offsets = [0, 288], sizes = [256, 32], strides = [1, 1]} : vector<256x6272xf32> to vector<256x32xf32>
    %reduce_min3A_36 = arith.constant dense<0x7F800000> : vector<256xf32>
    %reduce_min3A_37 = vector.multi_reduction <minimumf>, %slice3A_35, %reduce_min3A_36 [1] : vector<256x32xf32> to vector<256xf32>
    %broadcast_in_dim3A_38 = vector.shape_cast %reduce_min3A_37 : vector<256xf32> to vector<256x1xf32>
    %slice3A_39 = vector.extract_strided_slice %get3A_1 {offsets = [0, 320], sizes = [256, 32], strides = [1, 1]} : vector<256x6272xf32> to vector<256x32xf32>
    %reduce_min3A_40 = arith.constant dense<0x7F800000> : vector<256xf32>
    %reduce_min3A_41 = vector.multi_reduction <minimumf>, %slice3A_39, %reduce_min3A_40 [1] : vector<256x32xf32> to vector<256xf32>
    %broadcast_in_dim3A_42 = vector.shape_cast %reduce_min3A_41 : vector<256xf32> to vector<256x1xf32>
    %slice3A_43 = vector.extract_strided_slice %get3A_1 {offsets = [0, 352], sizes = [256, 32], strides = [1, 1]} : vector<256x6272xf32> to vector<256x32xf32>
    %reduce_min3A_44 = arith.constant dense<0x7F800000> : vector<256xf32>
    %reduce_min3A_45 = vector.multi_reduction <minimumf>, %slice3A_43, %reduce_min3A_44 [1] : vector<256x32xf32> to vector<256xf32>
    %broadcast_in_dim3A_46 = vector.shape_cast %reduce_min3A_45 : vector<256xf32> to vector<256x1xf32>
    %slice3A_47 = vector.extract_strided_slice %get3A_1 {offsets = [0, 384], sizes = [256, 32], strides = [1, 1]} : vector<256x6272xf32> to vector<256x32xf32>
    %reduce_min3A_48 = arith.constant dense<0x7F800000> : vector<256xf32>
    %reduce_min3A_49 = vector.multi_reduction <minimumf>, %slice3A_47, %reduce_min3A_48 [1] : vector<256x32xf32> to vector<256xf32>
    %broadcast_in_dim3A_50 = vector.shape_cast %reduce_min3A_49 : vector<256xf32> to vector<256x1xf32>
    %slice3A_51 = vector.extract_strided_slice %get3A_1 {offsets = [0, 416], sizes = [256, 32], strides = [1, 1]} : vector<256x6272xf32> to vector<256x32xf32>
    %reduce_min3A_52 = arith.constant dense<0x7F800000> : vector<256xf32>
    %reduce_min3A_53 = vector.multi_reduction <minimumf>, %slice3A_51, %reduce_min3A_52 [1] : vector<256x32xf32> to vector<256xf32>
    %broadcast_in_dim3A_54 = vector.shape_cast %reduce_min3A_53 : vector<256xf32> to vector<256x1xf32>
    %slice3A_55 = vector.extract_strided_slice %get3A_1 {offsets = [0, 448], sizes = [256, 32], strides = [1, 1]} : vector<256x6272xf32> to vector<256x32xf32>
    %reduce_min3A_56 = arith.constant dense<0x7F800000> : vector<256xf32>
    %reduce_min3A_57 = vector.multi_reduction <minimumf>, %slice3A_55, %reduce_min3A_56 [1] : vector<256x32xf32> to vector<256xf32>
    %broadcast_in_dim3A_58 = vector.shape_cast %reduce_min3A_57 : vector<256xf32> to vector<256x1xf32>
    %slice3A_59 = vector.extract_strided_slice %get3A_1 {offsets = [0, 480], sizes = [256, 32], strides = [1, 1]} : vector<256x6272xf32> to vector<256x32xf32>
    %reduce_min3A_60 = arith.constant dense<0x7F800000> : vector<256xf32>
    %reduce_min3A_61 = vector.multi_reduction <minimumf>, %slice3A_59, %reduce_min3A_60 [1] : vector<256x32xf32> to vector<256xf32>
    %broadcast_in_dim3A_62 = vector.shape_cast %reduce_min3A_61 : vector<256xf32> to vector<256x1xf32>
    %slice3A_63 = vector.extract_strided_slice %get3A_1 {offsets = [0, 512], sizes = [256, 32], strides = [1, 1]} : vector<256x6272xf32> to vector<256x32xf32>
    %reduce_min3A_64 = arith.constant dense<0x7F800000> : vector<256xf32>
    %reduce_min3A_65 = vector.multi_reduction <minimumf>, %slice3A_63, %reduce_min3A_64 [1] : vector<256x32xf32> to vector<256xf32>
    %broadcast_in_dim3A_66 = vector.shape_cast %reduce_min3A_65 : vector<256xf32> to vector<256x1xf32>
    %slice3A_67 = vector.extract_strided_slice %get3A_1 {offsets = [0, 544], sizes = [256, 32], strides = [1, 1]} : vector<256x6272xf32> to vector<256x32xf32>
    %reduce_min3A_68 = arith.constant dense<0x7F800000> : vector<256xf32>
    %reduce_min3A_69 = vector.multi_reduction <minimumf>, %slice3A_67, %reduce_min3A_68 [1] : vector<256x32xf32> to vector<256xf32>
    %broadcast_in_dim3A_70 = vector.shape_cast %reduce_min3A_69 : vector<256xf32> to vector<256x1xf32>
    %slice3A_71 = vector.extract_strided_slice %get3A_1 {offsets = [0, 576], sizes = [256, 32], strides = [1, 1]} : vector<256x6272xf32> to vector<256x32xf32>
    %reduce_min3A_72 = arith.constant dense<0x7F800000> : vector<256xf32>
    %reduce_min3A_73 = vector.multi_reduction <minimumf>, %slice3A_71, %reduce_min3A_72 [1] : vector<256x32xf32> to vector<256xf32>
    %broadcast_in_dim3A_74 = vector.shape_cast %reduce_min3A_73 : vector<256xf32> to vector<256x1xf32>
    %slice3A_75 = vector.extract_strided_slice %get3A_1 {offsets = [0, 608], sizes = [256, 32], strides = [1, 1]} : vector<256x6272xf32> to vector<256x32xf32>
    %reduce_min3A_76 = arith.constant dense<0x7F800000> : vector<256xf32>
    %reduce_min3A_77 = vector.multi_reduction <minimumf>, %slice3A_75, %reduce_min3A_76 [1] : vector<256x32xf32> to vector<256xf32>
    %broadcast_in_dim3A_78 = vector.shape_cast %reduce_min3A_77 : vector<256xf32> to vector<256x1xf32>
    %slice3A_79 = vector.extract_strided_slice %get3A_1 {offsets = [0, 640], sizes = [256, 32], strides = [1, 1]} : vector<256x6272xf32> to vector<256x32xf32>
    %reduce_min3A_80 = arith.constant dense<0x7F800000> : vector<256xf32>
    %reduce_min3A_81 = vector.multi_reduction <minimumf>, %slice3A_79, %reduce_min3A_80 [1] : vector<256x32xf32> to vector<256xf32>
    %broadcast_in_dim3A_82 = vector.shape_cast %reduce_min3A_81 : vector<256xf32> to vector<256x1xf32>
    %slice3A_83 = vector.extract_strided_slice %get3A_1 {offsets = [0, 672], sizes = [256, 32], strides = [1, 1]} : vector<256x6272xf32> to vector<256x32xf32>
    %reduce_min3A_84 = arith.constant dense<0x7F800000> : vector<256xf32>
    %reduce_min3A_85 = vector.multi_reduction <minimumf>, %slice3A_83, %reduce_min3A_84 [1] : vector<256x32xf32> to vector<256xf32>
    %broadcast_in_dim3A_86 = vector.shape_cast %reduce_min3A_85 : vector<256xf32> to vector<256x1xf32>
    %slice3A_87 = vector.extract_strided_slice %get3A_1 {offsets = [0, 704], sizes = [256, 32], strides = [1, 1]} : vector<256x6272xf32> to vector<256x32xf32>
    %reduce_min3A_88 = arith.constant dense<0x7F800000> : vector<256xf32>
    %reduce_min3A_89 = vector.multi_reduction <minimumf>, %slice3A_87, %reduce_min3A_88 [1] : vector<256x32xf32> to vector<256xf32>
    %broadcast_in_dim3A_90 = vector.shape_cast %reduce_min3A_89 : vector<256xf32> to vector<256x1xf32>
    %slice3A_91 = vector.extract_strided_slice %get3A_1 {offsets = [0, 736], sizes = [256, 32], strides = [1, 1]} : vector<256x6272xf32> to vector<256x32xf32>
    %reduce_min3A_92 = arith.constant dense<0x7F800000> : vector<256xf32>
    %reduce_min3A_93 = vector.multi_reduction <minimumf>, %slice3A_91, %reduce_min3A_92 [1] : vector<256x32xf32> to vector<256xf32>
    %broadcast_in_dim3A_94 = vector.shape_cast %reduce_min3A_93 : vector<256xf32> to vector<256x1xf32>
    %slice3A_95 = vector.extract_strided_slice %get3A_1 {offsets = [0, 768], sizes = [256, 32], strides = [1, 1]} : vector<256x6272xf32> to vector<256x32xf32>
    %reduce_min3A_96 = arith.constant dense<0x7F800000> : vector<256xf32>
    %reduce_min3A_97 = vector.multi_reduction <minimumf>, %slice3A_95, %reduce_min3A_96 [1] : vector<256x32xf32> to vector<256xf32>
    %broadcast_in_dim3A_98 = vector.shape_cast %reduce_min3A_97 : vector<256xf32> to vector<256x1xf32>
    %slice3A_99 = vector.extract_strided_slice %get3A_1 {offsets = [0, 800], sizes = [256, 32], strides = [1, 1]} : vector<256x6272xf32> to vector<256x32xf32>
    %reduce_min3A_100 = arith.constant dense<0x7F800000> : vector<256xf32>
    %reduce_min3A_101 = vector.multi_reduction <minimumf>, %slice3A_99, %reduce_min3A_100 [1] : vector<256x32xf32> to vector<256xf32>
    %broadcast_in_dim3A_102 = vector.shape_cast %reduce_min3A_101 : vector<256xf32> to vector<256x1xf32>
    %slice3A_103 = vector.extract_strided_slice %get3A_1 {offsets = [0, 832], sizes = [256, 32], strides = [1, 1]} : vector<256x6272xf32> to vector<256x32xf32>
    %reduce_min3A_104 = arith.constant dense<0x7F800000> : vector<256xf32>
    %reduce_min3A_105 = vector.multi_reduction <minimumf>, %slice3A_103, %reduce_min3A_104 [1] : vector<256x32xf32> to vector<256xf32>
    %broadcast_in_dim3A_106 = vector.shape_cast %reduce_min3A_105 : vector<256xf32> to vector<256x1xf32>
    %slice3A_107 = vector.extract_strided_slice %get3A_1 {offsets = [0, 864], sizes = [256, 32], strides = [1, 1]} : vector<256x6272xf32> to vector<256x32xf32>
    %reduce_min3A_108 = arith.constant dense<0x7F800000> : vector<256xf32>
    %reduce_min3A_109 = vector.multi_reduction <minimumf>, %slice3A_107, %reduce_min3A_108 [1] : vector<256x32xf32> to vector<256xf32>
    %broadcast_in_dim3A_110 = vector.shape_cast %reduce_min3A_109 : vector<256xf32> to vector<256x1xf32>
    %slice3A_111 = vector.extract_strided_slice %get3A_1 {offsets = [0, 896], sizes = [256, 32], strides = [1, 1]} : vector<256x6272xf32> to vector<256x32xf32>
    %reduce_min3A_112 = arith.constant dense<0x7F800000> : vector<256xf32>
    %reduce_min3A_113 = vector.multi_reduction <minimumf>, %slice3A_111, %reduce_min3A_112 [1] : vector<256x32xf32> to vector<256xf32>
    %broadcast_in_dim3A_114 = vector.shape_cast %reduce_min3A_113 : vector<256xf32> to vector<256x1xf32>
    %slice3A_115 = vector.extract_strided_slice %get3A_1 {offsets = [0, 928], sizes = [256, 32], strides = [1, 1]} : vector<256x6272xf32> to vector<256x32xf32>
    %reduce_min3A_116 = arith.constant dense<0x7F800000> : vector<256xf32>
    %reduce_min3A_117 = vector.multi_reduction <minimumf>, %slice3A_115, %reduce_min3A_116 [1] : vector<256x32xf32> to vector<256xf32>
    %broadcast_in_dim3A_118 = vector.shape_cast %reduce_min3A_117 : vector<256xf32> to vector<256x1xf32>
    %slice3A_119 = vector.extract_strided_slice %get3A_1 {offsets = [0, 960], sizes = [256, 32], strides = [1, 1]} : vector<256x6272xf32> to vector<256x32xf32>
    %reduce_min3A_120 = arith.constant dense<0x7F800000> : vector<256xf32>
    %reduce_min3A_121 = vector.multi_reduction <minimumf>, %slice3A_119, %reduce_min3A_120 [1] : vector<256x32xf32> to vector<256xf32>
    %broadcast_in_dim3A_122 = vector.shape_cast %reduce_min3A_121 : vector<256xf32> to vector<256x1xf32>
    %slice3A_123 = vector.extract_strided_slice %get3A_1 {offsets = [0, 992], sizes = [256, 32], strides = [1, 1]} : vector<256x6272xf32> to vector<256x32xf32>
    %reduce_min3A_124 = arith.constant dense<0x7F800000> : vector<256xf32>
    %reduce_min3A_125 = vector.multi_reduction <minimumf>, %slice3A_123, %reduce_min3A_124 [1] : vector<256x32xf32> to vector<256xf32>
    %broadcast_in_dim3A_126 = vector.shape_cast %reduce_min3A_125 : vector<256xf32> to vector<256x1xf32>
    %slice3A_127 = vector.extract_strided_slice %get3A_1 {offsets = [0, 1024], sizes = [256, 32], strides = [1, 1]} : vector<256x6272xf32> to vector<256x32xf32>
    %reduce_min3A_128 = arith.constant dense<0x7F800000> : vector<256xf32>
    %reduce_min3A_129 = vector.multi_reduction <minimumf>, %slice3A_127, %reduce_min3A_128 [1] : vector<256x32xf32> to vector<256xf32>
    %broadcast_in_dim3A_130 = vector.shape_cast %reduce_min3A_129 : vector<256xf32> to vector<256x1xf32>
    %slice3A_131 = vector.extract_strided_slice %get3A_1 {offsets = [0, 1056], sizes = [256, 32], strides = [1, 1]} : vector<256x6272xf32> to vector<256x32xf32>
    %reduce_min3A_132 = arith.constant dense<0x7F800000> : vector<256xf32>
    %reduce_min3A_133 = vector.multi_reduction <minimumf>, %slice3A_131, %reduce_min3A_132 [1] : vector<256x32xf32> to vector<256xf32>
    %broadcast_in_dim3A_134 = vector.shape_cast %reduce_min3A_133 : vector<256xf32> to vector<256x1xf32>
    %slice3A_135 = vector.extract_strided_slice %get3A_1 {offsets = [0, 1088], sizes = [256, 32], strides = [1, 1]} : vector<256x6272xf32> to vector<256x32xf32>
    %reduce_min3A_136 = arith.constant dense<0x7F800000> : vector<256xf32>
    %reduce_min3A_137 = vector.multi_reduction <minimumf>, %slice3A_135, %reduce_min3A_136 [1] : vector<256x32xf32> to vector<256xf32>
    %broadcast_in_dim3A_138 = vector.shape_cast %reduce_min3A_137 : vector<256xf32> to vector<256x1xf32>
    %slice3A_139 = vector.extract_strided_slice %get3A_1 {offsets = [0, 1120], sizes = [256, 32], strides = [1, 1]} : vector<256x6272xf32> to vector<256x32xf32>
    %reduce_min3A_140 = arith.constant dense<0x7F800000> : vector<256xf32>
    %reduce_min3A_141 = vector.multi_reduction <minimumf>, %slice3A_139, %reduce_min3A_140 [1] : vector<256x32xf32> to vector<256xf32>
    %broadcast_in_dim3A_142 = vector.shape_cast %reduce_min3A_141 : vector<256xf32> to vector<256x1xf32>
    %slice3A_143 = vector.extract_strided_slice %get3A_1 {offsets = [0, 1152], sizes = [256, 32], strides = [1, 1]} : vector<256x6272xf32> to vector<256x32xf32>
    %reduce_min3A_144 = arith.constant dense<0x7F800000> : vector<256xf32>
    %reduce_min3A_145 = vector.multi_reduction <minimumf>, %slice3A_143, %reduce_min3A_144 [1] : vector<256x32xf32> to vector<256xf32>
    %broadcast_in_dim3A_146 = vector.shape_cast %reduce_min3A_145 : vector<256xf32> to vector<256x1xf32>
    %slice3A_147 = vector.extract_strided_slice %get3A_1 {offsets = [0, 1184], sizes = [256, 32], strides = [1, 1]} : vector<256x6272xf32> to vector<256x32xf32>
    %reduce_min3A_148 = arith.constant dense<0x7F800000> : vector<256xf32>
    %reduce_min3A_149 = vector.multi_reduction <minimumf>, %slice3A_147, %reduce_min3A_148 [1] : vector<256x32xf32> to vector<256xf32>
    %broadcast_in_dim3A_150 = vector.shape_cast %reduce_min3A_149 : vector<256xf32> to vector<256x1xf32>
    %slice3A_151 = vector.extract_strided_slice %get3A_1 {offsets = [0, 1216], sizes = [256, 32], strides = [1, 1]} : vector<256x6272xf32> to vector<256x32xf32>
    %reduce_min3A_152 = arith.constant dense<0x7F800000> : vector<256xf32>
    %reduce_min3A_153 = vector.multi_reduction <minimumf>, %slice3A_151, %reduce_min3A_152 [1] : vector<256x32xf32> to vector<256xf32>
    %broadcast_in_dim3A_154 = vector.shape_cast %reduce_min3A_153 : vector<256xf32> to vector<256x1xf32>
    %slice3A_155 = vector.extract_strided_slice %get3A_1 {offsets = [0, 1248], sizes = [256, 32], strides = [1, 1]} : vector<256x6272xf32> to vector<256x32xf32>
    %reduce_min3A_156 = arith.constant dense<0x7F800000> : vector<256xf32>
    %reduce_min3A_157 = vector.multi_reduction <minimumf>, %slice3A_155, %reduce_min3A_156 [1] : vector<256x32xf32> to vector<256xf32>
    %broadcast_in_dim3A_158 = vector.shape_cast %reduce_min3A_157 : vector<256xf32> to vector<256x1xf32>
    %slice3A_159 = vector.extract_strided_slice %get3A_1 {offsets = [0, 1280], sizes = [256, 32], strides = [1, 1]} : vector<256x6272xf32> to vector<256x32xf32>
    %reduce_min3A_160 = arith.constant dense<0x7F800000> : vector<256xf32>
    %reduce_min3A_161 = vector.multi_reduction <minimumf>, %slice3A_159, %reduce_min3A_160 [1] : vector<256x32xf32> to vector<256xf32>
    %broadcast_in_dim3A_162 = vector.shape_cast %reduce_min3A_161 : vector<256xf32> to vector<256x1xf32>
    %slice3A_163 = vector.extract_strided_slice %get3A_1 {offsets = [0, 1312], sizes = [256, 32], strides = [1, 1]} : vector<256x6272xf32> to vector<256x32xf32>
    %reduce_min3A_164 = arith.constant dense<0x7F800000> : vector<256xf32>
    %reduce_min3A_165 = vector.multi_reduction <minimumf>, %slice3A_163, %reduce_min3A_164 [1] : vector<256x32xf32> to vector<256xf32>
    %broadcast_in_dim3A_166 = vector.shape_cast %reduce_min3A_165 : vector<256xf32> to vector<256x1xf32>
    %slice3A_167 = vector.extract_strided_slice %get3A_1 {offsets = [0, 1344], sizes = [256, 32], strides = [1, 1]} : vector<256x6272xf32> to vector<256x32xf32>
    %reduce_min3A_168 = arith.constant dense<0x7F800000> : vector<256xf32>
    %reduce_min3A_169 = vector.multi_reduction <minimumf>, %slice3A_167, %reduce_min3A_168 [1] : vector<256x32xf32> to vector<256xf32>
    %broadcast_in_dim3A_170 = vector.shape_cast %reduce_min3A_169 : vector<256xf32> to vector<256x1xf32>
    %slice3A_171 = vector.extract_strided_slice %get3A_1 {offsets = [0, 1376], sizes = [256, 32], strides = [1, 1]} : vector<256x6272xf32> to vector<256x32xf32>
    %reduce_min3A_172 = arith.constant dense<0x7F800000> : vector<256xf32>
    %reduce_min3A_173 = vector.multi_reduction <minimumf>, %slice3A_171, %reduce_min3A_172 [1] : vector<256x32xf32> to vector<256xf32>
    %broadcast_in_dim3A_174 = vector.shape_cast %reduce_min3A_173 : vector<256xf32> to vector<256x1xf32>
    %slice3A_175 = vector.extract_strided_slice %get3A_1 {offsets = [0, 1408], sizes = [256, 32], strides = [1, 1]} : vector<256x6272xf32> to vector<256x32xf32>
    %reduce_min3A_176 = arith.constant dense<0x7F800000> : vector<256xf32>
    %reduce_min3A_177 = vector.multi_reduction <minimumf>, %slice3A_175, %reduce_min3A_176 [1] : vector<256x32xf32> to vector<256xf32>
    %broadcast_in_dim3A_178 = vector.shape_cast %reduce_min3A_177 : vector<256xf32> to vector<256x1xf32>
    %slice3A_179 = vector.extract_strided_slice %get3A_1 {offsets = [0, 1440], sizes = [256, 32], strides = [1, 1]} : vector<256x6272xf32> to vector<256x32xf32>
    %reduce_min3A_180 = arith.constant dense<0x7F800000> : vector<256xf32>
    %reduce_min3A_181 = vector.multi_reduction <minimumf>, %slice3A_179, %reduce_min3A_180 [1] : vector<256x32xf32> to vector<256xf32>
    %broadcast_in_dim3A_182 = vector.shape_cast %reduce_min3A_181 : vector<256xf32> to vector<256x1xf32>
    %slice3A_183 = vector.extract_strided_slice %get3A_1 {offsets = [0, 1472], sizes = [256, 32], strides = [1, 1]} : vector<256x6272xf32> to vector<256x32xf32>
    %reduce_min3A_184 = arith.constant dense<0x7F800000> : vector<256xf32>
    %reduce_min3A_185 = vector.multi_reduction <minimumf>, %slice3A_183, %reduce_min3A_184 [1] : vector<256x32xf32> to vector<256xf32>
    %broadcast_in_dim3A_186 = vector.shape_cast %reduce_min3A_185 : vector<256xf32> to vector<256x1xf32>
    %slice3A_187 = vector.extract_strided_slice %get3A_1 {offsets = [0, 1504], sizes = [256, 32], strides = [1, 1]} : vector<256x6272xf32> to vector<256x32xf32>
    %reduce_min3A_188 = arith.constant dense<0x7F800000> : vector<256xf32>
    %reduce_min3A_189 = vector.multi_reduction <minimumf>, %slice3A_187, %reduce_min3A_188 [1] : vector<256x32xf32> to vector<256xf32>
    %broadcast_in_dim3A_190 = vector.shape_cast %reduce_min3A_189 : vector<256xf32> to vector<256x1xf32>
    %slice3A_191 = vector.extract_strided_slice %get3A_1 {offsets = [0, 1536], sizes = [256, 32], strides = [1, 1]} : vector<256x6272xf32> to vector<256x32xf32>
    %reduce_min3A_192 = arith.constant dense<0x7F800000> : vector<256xf32>
    %reduce_min3A_193 = vector.multi_reduction <minimumf>, %slice3A_191, %reduce_min3A_192 [1] : vector<256x32xf32> to vector<256xf32>
    %broadcast_in_dim3A_194 = vector.shape_cast %reduce_min3A_193 : vector<256xf32> to vector<256x1xf32>
    %slice3A_195 = vector.extract_strided_slice %get3A_1 {offsets = [0, 1568], sizes = [256, 32], strides = [1, 1]} : vector<256x6272xf32> to vector<256x32xf32>
    %reduce_min3A_196 = arith.constant dense<0x7F800000> : vector<256xf32>
    %reduce_min3A_197 = vector.multi_reduction <minimumf>, %slice3A_195, %reduce_min3A_196 [1] : vector<256x32xf32> to vector<256xf32>
    %broadcast_in_dim3A_198 = vector.shape_cast %reduce_min3A_197 : vector<256xf32> to vector<256x1xf32>
    %slice3A_199 = vector.extract_strided_slice %get3A_1 {offsets = [0, 1600], sizes = [256, 32], strides = [1, 1]} : vector<256x6272xf32> to vector<256x32xf32>
    %reduce_min3A_200 = arith.constant dense<0x7F800000> : vector<256xf32>
    %reduce_min3A_201 = vector.multi_reduction <minimumf>, %slice3A_199, %reduce_min3A_200 [1] : vector<256x32xf32> to vector<256xf32>
    %broadcast_in_dim3A_202 = vector.shape_cast %reduce_min3A_201 : vector<256xf32> to vector<256x1xf32>
    %slice3A_203 = vector.extract_strided_slice %get3A_1 {offsets = [0, 1632], sizes = [256, 32], strides = [1, 1]} : vector<256x6272xf32> to vector<256x32xf32>
    %reduce_min3A_204 = arith.constant dense<0x7F800000> : vector<256xf32>
    %reduce_min3A_205 = vector.multi_reduction <minimumf>, %slice3A_203, %reduce_min3A_204 [1] : vector<256x32xf32> to vector<256xf32>
    %broadcast_in_dim3A_206 = vector.shape_cast %reduce_min3A_205 : vector<256xf32> to vector<256x1xf32>
    %slice3A_207 = vector.extract_strided_slice %get3A_1 {offsets = [0, 1664], sizes = [256, 32], strides = [1, 1]} : vector<256x6272xf32> to vector<256x32xf32>
    %reduce_min3A_208 = arith.constant dense<0x7F800000> : vector<256xf32>
    %reduce_min3A_209 = vector.multi_reduction <minimumf>, %slice3A_207, %reduce_min3A_208 [1] : vector<256x32xf32> to vector<256xf32>
    %broadcast_in_dim3A_210 = vector.shape_cast %reduce_min3A_209 : vector<256xf32> to vector<256x1xf32>
    %slice3A_211 = vector.extract_strided_slice %get3A_1 {offsets = [0, 1696], sizes = [256, 32], strides = [1, 1]} : vector<256x6272xf32> to vector<256x32xf32>
    %reduce_min3A_212 = arith.constant dense<0x7F800000> : vector<256xf32>
    %reduce_min3A_213 = vector.multi_reduction <minimumf>, %slice3A_211, %reduce_min3A_212 [1] : vector<256x32xf32> to vector<256xf32>
    %broadcast_in_dim3A_214 = vector.shape_cast %reduce_min3A_213 : vector<256xf32> to vector<256x1xf32>
    %slice3A_215 = vector.extract_strided_slice %get3A_1 {offsets = [0, 1728], sizes = [256, 32], strides = [1, 1]} : vector<256x6272xf32> to vector<256x32xf32>
    %reduce_min3A_216 = arith.constant dense<0x7F800000> : vector<256xf32>
    %reduce_min3A_217 = vector.multi_reduction <minimumf>, %slice3A_215, %reduce_min3A_216 [1] : vector<256x32xf32> to vector<256xf32>
    %broadcast_in_dim3A_218 = vector.shape_cast %reduce_min3A_217 : vector<256xf32> to vector<256x1xf32>
    %slice3A_219 = vector.extract_strided_slice %get3A_1 {offsets = [0, 1760], sizes = [256, 32], strides = [1, 1]} : vector<256x6272xf32> to vector<256x32xf32>
    %reduce_min3A_220 = arith.constant dense<0x7F800000> : vector<256xf32>
    %reduce_min3A_221 = vector.multi_reduction <minimumf>, %slice3A_219, %reduce_min3A_220 [1] : vector<256x32xf32> to vector<256xf32>
    %broadcast_in_dim3A_222 = vector.shape_cast %reduce_min3A_221 : vector<256xf32> to vector<256x1xf32>
    %slice3A_223 = vector.extract_strided_slice %get3A_1 {offsets = [0, 1792], sizes = [256, 32], strides = [1, 1]} : vector<256x6272xf32> to vector<256x32xf32>
    %reduce_min3A_224 = arith.constant dense<0x7F800000> : vector<256xf32>
    %reduce_min3A_225 = vector.multi_reduction <minimumf>, %slice3A_223, %reduce_min3A_224 [1] : vector<256x32xf32> to vector<256xf32>
    %broadcast_in_dim3A_226 = vector.shape_cast %reduce_min3A_225 : vector<256xf32> to vector<256x1xf32>
    %slice3A_227 = vector.extract_strided_slice %get3A_1 {offsets = [0, 1824], sizes = [256, 32], strides = [1, 1]} : vector<256x6272xf32> to vector<256x32xf32>
    %reduce_min3A_228 = arith.constant dense<0x7F800000> : vector<256xf32>
    %reduce_min3A_229 = vector.multi_reduction <minimumf>, %slice3A_227, %reduce_min3A_228 [1] : vector<256x32xf32> to vector<256xf32>
    %broadcast_in_dim3A_230 = vector.shape_cast %reduce_min3A_229 : vector<256xf32> to vector<256x1xf32>
    %slice3A_231 = vector.extract_strided_slice %get3A_1 {offsets = [0, 1856], sizes = [256, 32], strides = [1, 1]} : vector<256x6272xf32> to vector<256x32xf32>
    %reduce_min3A_232 = arith.constant dense<0x7F800000> : vector<256xf32>
    %reduce_min3A_233 = vector.multi_reduction <minimumf>, %slice3A_231, %reduce_min3A_232 [1] : vector<256x32xf32> to vector<256xf32>
    %broadcast_in_dim3A_234 = vector.shape_cast %reduce_min3A_233 : vector<256xf32> to vector<256x1xf32>
    %slice3A_235 = vector.extract_strided_slice %get3A_1 {offsets = [0, 1888], sizes = [256, 32], strides = [1, 1]} : vector<256x6272xf32> to vector<256x32xf32>
    %reduce_min3A_236 = arith.constant dense<0x7F800000> : vector<256xf32>
    %reduce_min3A_237 = vector.multi_reduction <minimumf>, %slice3A_235, %reduce_min3A_236 [1] : vector<256x32xf32> to vector<256xf32>
    %broadcast_in_dim3A_238 = vector.shape_cast %reduce_min3A_237 : vector<256xf32> to vector<256x1xf32>
    %slice3A_239 = vector.extract_strided_slice %get3A_1 {offsets = [0, 1920], sizes = [256, 32], strides = [1, 1]} : vector<256x6272xf32> to vector<256x32xf32>
    %reduce_min3A_240 = arith.constant dense<0x7F800000> : vector<256xf32>
    %reduce_min3A_241 = vector.multi_reduction <minimumf>, %slice3A_239, %reduce_min3A_240 [1] : vector<256x32xf32> to vector<256xf32>
    %broadcast_in_dim3A_242 = vector.shape_cast %reduce_min3A_241 : vector<256xf32> to vector<256x1xf32>
    %slice3A_243 = vector.extract_strided_slice %get3A_1 {offsets = [0, 1952], sizes = [256, 32], strides = [1, 1]} : vector<256x6272xf32> to vector<256x32xf32>
    %reduce_min3A_244 = arith.constant dense<0x7F800000> : vector<256xf32>
    %reduce_min3A_245 = vector.multi_reduction <minimumf>, %slice3A_243, %reduce_min3A_244 [1] : vector<256x32xf32> to vector<256xf32>
    %broadcast_in_dim3A_246 = vector.shape_cast %reduce_min3A_245 : vector<256xf32> to vector<256x1xf32>
    %slice3A_247 = vector.extract_strided_slice %get3A_1 {offsets = [0, 1984], sizes = [256, 32], strides = [1, 1]} : vector<256x6272xf32> to vector<256x32xf32>
    %reduce_min3A_248 = arith.constant dense<0x7F800000> : vector<256xf32>
    %reduce_min3A_249 = vector.multi_reduction <minimumf>, %slice3A_247, %reduce_min3A_248 [1] : vector<256x32xf32> to vector<256xf32>
    %broadcast_in_dim3A_250 = vector.shape_cast %reduce_min3A_249 : vector<256xf32> to vector<256x1xf32>
    %slice3A_251 = vector.extract_strided_slice %get3A_1 {offsets = [0, 2016], sizes = [256, 32], strides = [1, 1]} : vector<256x6272xf32> to vector<256x32xf32>
    %reduce_min3A_252 = arith.constant dense<0x7F800000> : vector<256xf32>
    %reduce_min3A_253 = vector.multi_reduction <minimumf>, %slice3A_251, %reduce_min3A_252 [1] : vector<256x32xf32> to vector<256xf32>
    %broadcast_in_dim3A_254 = vector.shape_cast %reduce_min3A_253 : vector<256xf32> to vector<256x1xf32>
    %slice3A_255 = vector.extract_strided_slice %get3A_1 {offsets = [0, 2048], sizes = [256, 32], strides = [1, 1]} : vector<256x6272xf32> to vector<256x32xf32>
    %reduce_min3A_256 = arith.constant dense<0x7F800000> : vector<256xf32>
    %reduce_min3A_257 = vector.multi_reduction <minimumf>, %slice3A_255, %reduce_min3A_256 [1] : vector<256x32xf32> to vector<256xf32>
    %broadcast_in_dim3A_258 = vector.shape_cast %reduce_min3A_257 : vector<256xf32> to vector<256x1xf32>
    %slice3A_259 = vector.extract_strided_slice %get3A_1 {offsets = [0, 2080], sizes = [256, 32], strides = [1, 1]} : vector<256x6272xf32> to vector<256x32xf32>
    %reduce_min3A_260 = arith.constant dense<0x7F800000> : vector<256xf32>
    %reduce_min3A_261 = vector.multi_reduction <minimumf>, %slice3A_259, %reduce_min3A_260 [1] : vector<256x32xf32> to vector<256xf32>
    %broadcast_in_dim3A_262 = vector.shape_cast %reduce_min3A_261 : vector<256xf32> to vector<256x1xf32>
    %slice3A_263 = vector.extract_strided_slice %get3A_1 {offsets = [0, 2112], sizes = [256, 32], strides = [1, 1]} : vector<256x6272xf32> to vector<256x32xf32>
    %reduce_min3A_264 = arith.constant dense<0x7F800000> : vector<256xf32>
    %reduce_min3A_265 = vector.multi_reduction <minimumf>, %slice3A_263, %reduce_min3A_264 [1] : vector<256x32xf32> to vector<256xf32>
    %broadcast_in_dim3A_266 = vector.shape_cast %reduce_min3A_265 : vector<256xf32> to vector<256x1xf32>
    %slice3A_267 = vector.extract_strided_slice %get3A_1 {offsets = [0, 2144], sizes = [256, 32], strides = [1, 1]} : vector<256x6272xf32> to vector<256x32xf32>
    %reduce_min3A_268 = arith.constant dense<0x7F800000> : vector<256xf32>
    %reduce_min3A_269 = vector.multi_reduction <minimumf>, %slice3A_267, %reduce_min3A_268 [1] : vector<256x32xf32> to vector<256xf32>
    %broadcast_in_dim3A_270 = vector.shape_cast %reduce_min3A_269 : vector<256xf32> to vector<256x1xf32>
    %slice3A_271 = vector.extract_strided_slice %get3A_1 {offsets = [0, 2176], sizes = [256, 32], strides = [1, 1]} : vector<256x6272xf32> to vector<256x32xf32>
    %reduce_min3A_272 = arith.constant dense<0x7F800000> : vector<256xf32>
    %reduce_min3A_273 = vector.multi_reduction <minimumf>, %slice3A_271, %reduce_min3A_272 [1] : vector<256x32xf32> to vector<256xf32>
    %broadcast_in_dim3A_274 = vector.shape_cast %reduce_min3A_273 : vector<256xf32> to vector<256x1xf32>
    %slice3A_275 = vector.extract_strided_slice %get3A_1 {offsets = [0, 2208], sizes = [256, 32], strides = [1, 1]} : vector<256x6272xf32> to vector<256x32xf32>
    %reduce_min3A_276 = arith.constant dense<0x7F800000> : vector<256xf32>
    %reduce_min3A_277 = vector.multi_reduction <minimumf>, %slice3A_275, %reduce_min3A_276 [1] : vector<256x32xf32> to vector<256xf32>
    %broadcast_in_dim3A_278 = vector.shape_cast %reduce_min3A_277 : vector<256xf32> to vector<256x1xf32>
    %slice3A_279 = vector.extract_strided_slice %get3A_1 {offsets = [0, 2240], sizes = [256, 32], strides = [1, 1]} : vector<256x6272xf32> to vector<256x32xf32>
    %reduce_min3A_280 = arith.constant dense<0x7F800000> : vector<256xf32>
    %reduce_min3A_281 = vector.multi_reduction <minimumf>, %slice3A_279, %reduce_min3A_280 [1] : vector<256x32xf32> to vector<256xf32>
    %broadcast_in_dim3A_282 = vector.shape_cast %reduce_min3A_281 : vector<256xf32> to vector<256x1xf32>
    %slice3A_283 = vector.extract_strided_slice %get3A_1 {offsets = [0, 2272], sizes = [256, 32], strides = [1, 1]} : vector<256x6272xf32> to vector<256x32xf32>
    %reduce_min3A_284 = arith.constant dense<0x7F800000> : vector<256xf32>
    %reduce_min3A_285 = vector.multi_reduction <minimumf>, %slice3A_283, %reduce_min3A_284 [1] : vector<256x32xf32> to vector<256xf32>
    %broadcast_in_dim3A_286 = vector.shape_cast %reduce_min3A_285 : vector<256xf32> to vector<256x1xf32>
    %slice3A_287 = vector.extract_strided_slice %get3A_1 {offsets = [0, 2304], sizes = [256, 32], strides = [1, 1]} : vector<256x6272xf32> to vector<256x32xf32>
    %reduce_min3A_288 = arith.constant dense<0x7F800000> : vector<256xf32>
    %reduce_min3A_289 = vector.multi_reduction <minimumf>, %slice3A_287, %reduce_min3A_288 [1] : vector<256x32xf32> to vector<256xf32>
    %broadcast_in_dim3A_290 = vector.shape_cast %reduce_min3A_289 : vector<256xf32> to vector<256x1xf32>
    %slice3A_291 = vector.extract_strided_slice %get3A_1 {offsets = [0, 2336], sizes = [256, 32], strides = [1, 1]} : vector<256x6272xf32> to vector<256x32xf32>
    %reduce_min3A_292 = arith.constant dense<0x7F800000> : vector<256xf32>
    %reduce_min3A_293 = vector.multi_reduction <minimumf>, %slice3A_291, %reduce_min3A_292 [1] : vector<256x32xf32> to vector<256xf32>
    %broadcast_in_dim3A_294 = vector.shape_cast %reduce_min3A_293 : vector<256xf32> to vector<256x1xf32>
    %slice3A_295 = vector.extract_strided_slice %get3A_1 {offsets = [0, 2368], sizes = [256, 32], strides = [1, 1]} : vector<256x6272xf32> to vector<256x32xf32>
    %reduce_min3A_296 = arith.constant dense<0x7F800000> : vector<256xf32>
    %reduce_min3A_297 = vector.multi_reduction <minimumf>, %slice3A_295, %reduce_min3A_296 [1] : vector<256x32xf32> to vector<256xf32>
    %broadcast_in_dim3A_298 = vector.shape_cast %reduce_min3A_297 : vector<256xf32> to vector<256x1xf32>
    %slice3A_299 = vector.extract_strided_slice %get3A_1 {offsets = [0, 2400], sizes = [256, 32], strides = [1, 1]} : vector<256x6272xf32> to vector<256x32xf32>
    %reduce_min3A_300 = arith.constant dense<0x7F800000> : vector<256xf32>
    %reduce_min3A_301 = vector.multi_reduction <minimumf>, %slice3A_299, %reduce_min3A_300 [1] : vector<256x32xf32> to vector<256xf32>
    %broadcast_in_dim3A_302 = vector.shape_cast %reduce_min3A_301 : vector<256xf32> to vector<256x1xf32>
    %slice3A_303 = vector.extract_strided_slice %get3A_1 {offsets = [0, 2432], sizes = [256, 32], strides = [1, 1]} : vector<256x6272xf32> to vector<256x32xf32>
    %reduce_min3A_304 = arith.constant dense<0x7F800000> : vector<256xf32>
    %reduce_min3A_305 = vector.multi_reduction <minimumf>, %slice3A_303, %reduce_min3A_304 [1] : vector<256x32xf32> to vector<256xf32>
    %broadcast_in_dim3A_306 = vector.shape_cast %reduce_min3A_305 : vector<256xf32> to vector<256x1xf32>
    %slice3A_307 = vector.extract_strided_slice %get3A_1 {offsets = [0, 2464], sizes = [256, 32], strides = [1, 1]} : vector<256x6272xf32> to vector<256x32xf32>
    %reduce_min3A_308 = arith.constant dense<0x7F800000> : vector<256xf32>
    %reduce_min3A_309 = vector.multi_reduction <minimumf>, %slice3A_307, %reduce_min3A_308 [1] : vector<256x32xf32> to vector<256xf32>
    %broadcast_in_dim3A_310 = vector.shape_cast %reduce_min3A_309 : vector<256xf32> to vector<256x1xf32>
    %slice3A_311 = vector.extract_strided_slice %get3A_1 {offsets = [0, 2496], sizes = [256, 32], strides = [1, 1]} : vector<256x6272xf32> to vector<256x32xf32>
    %reduce_min3A_312 = arith.constant dense<0x7F800000> : vector<256xf32>
    %reduce_min3A_313 = vector.multi_reduction <minimumf>, %slice3A_311, %reduce_min3A_312 [1] : vector<256x32xf32> to vector<256xf32>
    %broadcast_in_dim3A_314 = vector.shape_cast %reduce_min3A_313 : vector<256xf32> to vector<256x1xf32>
    %slice3A_315 = vector.extract_strided_slice %get3A_1 {offsets = [0, 2528], sizes = [256, 32], strides = [1, 1]} : vector<256x6272xf32> to vector<256x32xf32>
    %reduce_min3A_316 = arith.constant dense<0x7F800000> : vector<256xf32>
    %reduce_min3A_317 = vector.multi_reduction <minimumf>, %slice3A_315, %reduce_min3A_316 [1] : vector<256x32xf32> to vector<256xf32>
    %broadcast_in_dim3A_318 = vector.shape_cast %reduce_min3A_317 : vector<256xf32> to vector<256x1xf32>
    %slice3A_319 = vector.extract_strided_slice %get3A_1 {offsets = [0, 2560], sizes = [256, 32], strides = [1, 1]} : vector<256x6272xf32> to vector<256x32xf32>
    %reduce_min3A_320 = arith.constant dense<0x7F800000> : vector<256xf32>
    %reduce_min3A_321 = vector.multi_reduction <minimumf>, %slice3A_319, %reduce_min3A_320 [1] : vector<256x32xf32> to vector<256xf32>
    %broadcast_in_dim3A_322 = vector.shape_cast %reduce_min3A_321 : vector<256xf32> to vector<256x1xf32>
    %slice3A_323 = vector.extract_strided_slice %get3A_1 {offsets = [0, 2592], sizes = [256, 32], strides = [1, 1]} : vector<256x6272xf32> to vector<256x32xf32>
    %reduce_min3A_324 = arith.constant dense<0x7F800000> : vector<256xf32>
    %reduce_min3A_325 = vector.multi_reduction <minimumf>, %slice3A_323, %reduce_min3A_324 [1] : vector<256x32xf32> to vector<256xf32>
    %broadcast_in_dim3A_326 = vector.shape_cast %reduce_min3A_325 : vector<256xf32> to vector<256x1xf32>
    %slice3A_327 = vector.extract_strided_slice %get3A_1 {offsets = [0, 2624], sizes = [256, 32], strides = [1, 1]} : vector<256x6272xf32> to vector<256x32xf32>
    %reduce_min3A_328 = arith.constant dense<0x7F800000> : vector<256xf32>
    %reduce_min3A_329 = vector.multi_reduction <minimumf>, %slice3A_327, %reduce_min3A_328 [1] : vector<256x32xf32> to vector<256xf32>
    %broadcast_in_dim3A_330 = vector.shape_cast %reduce_min3A_329 : vector<256xf32> to vector<256x1xf32>
    %slice3A_331 = vector.extract_strided_slice %get3A_1 {offsets = [0, 2656], sizes = [256, 32], strides = [1, 1]} : vector<256x6272xf32> to vector<256x32xf32>
    %reduce_min3A_332 = arith.constant dense<0x7F800000> : vector<256xf32>
    %reduce_min3A_333 = vector.multi_reduction <minimumf>, %slice3A_331, %reduce_min3A_332 [1] : vector<256x32xf32> to vector<256xf32>
    %broadcast_in_dim3A_334 = vector.shape_cast %reduce_min3A_333 : vector<256xf32> to vector<256x1xf32>
    %slice3A_335 = vector.extract_strided_slice %get3A_1 {offsets = [0, 2688], sizes = [256, 32], strides = [1, 1]} : vector<256x6272xf32> to vector<256x32xf32>
    %reduce_min3A_336 = arith.constant dense<0x7F800000> : vector<256xf32>
    %reduce_min3A_337 = vector.multi_reduction <minimumf>, %slice3A_335, %reduce_min3A_336 [1] : vector<256x32xf32> to vector<256xf32>
    %broadcast_in_dim3A_338 = vector.shape_cast %reduce_min3A_337 : vector<256xf32> to vector<256x1xf32>
    %slice3A_339 = vector.extract_strided_slice %get3A_1 {offsets = [0, 2720], sizes = [256, 32], strides = [1, 1]} : vector<256x6272xf32> to vector<256x32xf32>
    %reduce_min3A_340 = arith.constant dense<0x7F800000> : vector<256xf32>
    %reduce_min3A_341 = vector.multi_reduction <minimumf>, %slice3A_339, %reduce_min3A_340 [1] : vector<256x32xf32> to vector<256xf32>
    %broadcast_in_dim3A_342 = vector.shape_cast %reduce_min3A_341 : vector<256xf32> to vector<256x1xf32>
    %slice3A_343 = vector.extract_strided_slice %get3A_1 {offsets = [0, 2752], sizes = [256, 32], strides = [1, 1]} : vector<256x6272xf32> to vector<256x32xf32>
    %reduce_min3A_344 = arith.constant dense<0x7F800000> : vector<256xf32>
    %reduce_min3A_345 = vector.multi_reduction <minimumf>, %slice3A_343, %reduce_min3A_344 [1] : vector<256x32xf32> to vector<256xf32>
    %broadcast_in_dim3A_346 = vector.shape_cast %reduce_min3A_345 : vector<256xf32> to vector<256x1xf32>
    %slice3A_347 = vector.extract_strided_slice %get3A_1 {offsets = [0, 2784], sizes = [256, 32], strides = [1, 1]} : vector<256x6272xf32> to vector<256x32xf32>
    %reduce_min3A_348 = arith.constant dense<0x7F800000> : vector<256xf32>
    %reduce_min3A_349 = vector.multi_reduction <minimumf>, %slice3A_347, %reduce_min3A_348 [1] : vector<256x32xf32> to vector<256xf32>
    %broadcast_in_dim3A_350 = vector.shape_cast %reduce_min3A_349 : vector<256xf32> to vector<256x1xf32>
    %slice3A_351 = vector.extract_strided_slice %get3A_1 {offsets = [0, 2816], sizes = [256, 32], strides = [1, 1]} : vector<256x6272xf32> to vector<256x32xf32>
    %reduce_min3A_352 = arith.constant dense<0x7F800000> : vector<256xf32>
    %reduce_min3A_353 = vector.multi_reduction <minimumf>, %slice3A_351, %reduce_min3A_352 [1] : vector<256x32xf32> to vector<256xf32>
    %broadcast_in_dim3A_354 = vector.shape_cast %reduce_min3A_353 : vector<256xf32> to vector<256x1xf32>
    %slice3A_355 = vector.extract_strided_slice %get3A_1 {offsets = [0, 2848], sizes = [256, 32], strides = [1, 1]} : vector<256x6272xf32> to vector<256x32xf32>
    %reduce_min3A_356 = arith.constant dense<0x7F800000> : vector<256xf32>
    %reduce_min3A_357 = vector.multi_reduction <minimumf>, %slice3A_355, %reduce_min3A_356 [1] : vector<256x32xf32> to vector<256xf32>
    %broadcast_in_dim3A_358 = vector.shape_cast %reduce_min3A_357 : vector<256xf32> to vector<256x1xf32>
    %slice3A_359 = vector.extract_strided_slice %get3A_1 {offsets = [0, 2880], sizes = [256, 32], strides = [1, 1]} : vector<256x6272xf32> to vector<256x32xf32>
    %reduce_min3A_360 = arith.constant dense<0x7F800000> : vector<256xf32>
    %reduce_min3A_361 = vector.multi_reduction <minimumf>, %slice3A_359, %reduce_min3A_360 [1] : vector<256x32xf32> to vector<256xf32>
    %broadcast_in_dim3A_362 = vector.shape_cast %reduce_min3A_361 : vector<256xf32> to vector<256x1xf32>
    %slice3A_363 = vector.extract_strided_slice %get3A_1 {offsets = [0, 2912], sizes = [256, 32], strides = [1, 1]} : vector<256x6272xf32> to vector<256x32xf32>
    %reduce_min3A_364 = arith.constant dense<0x7F800000> : vector<256xf32>
    %reduce_min3A_365 = vector.multi_reduction <minimumf>, %slice3A_363, %reduce_min3A_364 [1] : vector<256x32xf32> to vector<256xf32>
    %broadcast_in_dim3A_366 = vector.shape_cast %reduce_min3A_365 : vector<256xf32> to vector<256x1xf32>
    %slice3A_367 = vector.extract_strided_slice %get3A_1 {offsets = [0, 2944], sizes = [256, 32], strides = [1, 1]} : vector<256x6272xf32> to vector<256x32xf32>
    %reduce_min3A_368 = arith.constant dense<0x7F800000> : vector<256xf32>
    %reduce_min3A_369 = vector.multi_reduction <minimumf>, %slice3A_367, %reduce_min3A_368 [1] : vector<256x32xf32> to vector<256xf32>
    %broadcast_in_dim3A_370 = vector.shape_cast %reduce_min3A_369 : vector<256xf32> to vector<256x1xf32>
    %slice3A_371 = vector.extract_strided_slice %get3A_1 {offsets = [0, 2976], sizes = [256, 32], strides = [1, 1]} : vector<256x6272xf32> to vector<256x32xf32>
    %reduce_min3A_372 = arith.constant dense<0x7F800000> : vector<256xf32>
    %reduce_min3A_373 = vector.multi_reduction <minimumf>, %slice3A_371, %reduce_min3A_372 [1] : vector<256x32xf32> to vector<256xf32>
    %broadcast_in_dim3A_374 = vector.shape_cast %reduce_min3A_373 : vector<256xf32> to vector<256x1xf32>
    %slice3A_375 = vector.extract_strided_slice %get3A_1 {offsets = [0, 3008], sizes = [256, 32], strides = [1, 1]} : vector<256x6272xf32> to vector<256x32xf32>
    %reduce_min3A_376 = arith.constant dense<0x7F800000> : vector<256xf32>
    %reduce_min3A_377 = vector.multi_reduction <minimumf>, %slice3A_375, %reduce_min3A_376 [1] : vector<256x32xf32> to vector<256xf32>
    %broadcast_in_dim3A_378 = vector.shape_cast %reduce_min3A_377 : vector<256xf32> to vector<256x1xf32>
    %slice3A_379 = vector.extract_strided_slice %get3A_1 {offsets = [0, 3040], sizes = [256, 32], strides = [1, 1]} : vector<256x6272xf32> to vector<256x32xf32>
    %reduce_min3A_380 = arith.constant dense<0x7F800000> : vector<256xf32>
    %reduce_min3A_381 = vector.multi_reduction <minimumf>, %slice3A_379, %reduce_min3A_380 [1] : vector<256x32xf32> to vector<256xf32>
    %broadcast_in_dim3A_382 = vector.shape_cast %reduce_min3A_381 : vector<256xf32> to vector<256x1xf32>
    %slice3A_383 = vector.extract_strided_slice %get3A_1 {offsets = [0, 3072], sizes = [256, 32], strides = [1, 1]} : vector<256x6272xf32> to vector<256x32xf32>
    %reduce_min3A_384 = arith.constant dense<0x7F800000> : vector<256xf32>
    %reduce_min3A_385 = vector.multi_reduction <minimumf>, %slice3A_383, %reduce_min3A_384 [1] : vector<256x32xf32> to vector<256xf32>
    %broadcast_in_dim3A_386 = vector.shape_cast %reduce_min3A_385 : vector<256xf32> to vector<256x1xf32>
    %slice3A_387 = vector.extract_strided_slice %get3A_1 {offsets = [0, 3104], sizes = [256, 32], strides = [1, 1]} : vector<256x6272xf32> to vector<256x32xf32>
    %reduce_min3A_388 = arith.constant dense<0x7F800000> : vector<256xf32>
    %reduce_min3A_389 = vector.multi_reduction <minimumf>, %slice3A_387, %reduce_min3A_388 [1] : vector<256x32xf32> to vector<256xf32>
    %broadcast_in_dim3A_390 = vector.shape_cast %reduce_min3A_389 : vector<256xf32> to vector<256x1xf32>
    %slice3A_391 = vector.extract_strided_slice %get3A_1 {offsets = [0, 3136], sizes = [256, 32], strides = [1, 1]} : vector<256x6272xf32> to vector<256x32xf32>
    %reduce_min3A_392 = arith.constant dense<0x7F800000> : vector<256xf32>
    %reduce_min3A_393 = vector.multi_reduction <minimumf>, %slice3A_391, %reduce_min3A_392 [1] : vector<256x32xf32> to vector<256xf32>
    %broadcast_in_dim3A_394 = vector.shape_cast %reduce_min3A_393 : vector<256xf32> to vector<256x1xf32>
    %slice3A_395 = vector.extract_strided_slice %get3A_1 {offsets = [0, 3168], sizes = [256, 32], strides = [1, 1]} : vector<256x6272xf32> to vector<256x32xf32>
    %reduce_min3A_396 = arith.constant dense<0x7F800000> : vector<256xf32>
    %reduce_min3A_397 = vector.multi_reduction <minimumf>, %slice3A_395, %reduce_min3A_396 [1] : vector<256x32xf32> to vector<256xf32>
    %broadcast_in_dim3A_398 = vector.shape_cast %reduce_min3A_397 : vector<256xf32> to vector<256x1xf32>
    %slice3A_399 = vector.extract_strided_slice %get3A_1 {offsets = [0, 3200], sizes = [256, 32], strides = [1, 1]} : vector<256x6272xf32> to vector<256x32xf32>
    %reduce_min3A_400 = arith.constant dense<0x7F800000> : vector<256xf32>
    %reduce_min3A_401 = vector.multi_reduction <minimumf>, %slice3A_399, %reduce_min3A_400 [1] : vector<256x32xf32> to vector<256xf32>
    %broadcast_in_dim3A_402 = vector.shape_cast %reduce_min3A_401 : vector<256xf32> to vector<256x1xf32>
    %slice3A_403 = vector.extract_strided_slice %get3A_1 {offsets = [0, 3232], sizes = [256, 32], strides = [1, 1]} : vector<256x6272xf32> to vector<256x32xf32>
    %reduce_min3A_404 = arith.constant dense<0x7F800000> : vector<256xf32>
    %reduce_min3A_405 = vector.multi_reduction <minimumf>, %slice3A_403, %reduce_min3A_404 [1] : vector<256x32xf32> to vector<256xf32>
    %broadcast_in_dim3A_406 = vector.shape_cast %reduce_min3A_405 : vector<256xf32> to vector<256x1xf32>
    %slice3A_407 = vector.extract_strided_slice %get3A_1 {offsets = [0, 3264], sizes = [256, 32], strides = [1, 1]} : vector<256x6272xf32> to vector<256x32xf32>
    %reduce_min3A_408 = arith.constant dense<0x7F800000> : vector<256xf32>
    %reduce_min3A_409 = vector.multi_reduction <minimumf>, %slice3A_407, %reduce_min3A_408 [1] : vector<256x32xf32> to vector<256xf32>
    %broadcast_in_dim3A_410 = vector.shape_cast %reduce_min3A_409 : vector<256xf32> to vector<256x1xf32>
    %slice3A_411 = vector.extract_strided_slice %get3A_1 {offsets = [0, 3296], sizes = [256, 32], strides = [1, 1]} : vector<256x6272xf32> to vector<256x32xf32>
    %reduce_min3A_412 = arith.constant dense<0x7F800000> : vector<256xf32>
    %reduce_min3A_413 = vector.multi_reduction <minimumf>, %slice3A_411, %reduce_min3A_412 [1] : vector<256x32xf32> to vector<256xf32>
    %broadcast_in_dim3A_414 = vector.shape_cast %reduce_min3A_413 : vector<256xf32> to vector<256x1xf32>
    %slice3A_415 = vector.extract_strided_slice %get3A_1 {offsets = [0, 3328], sizes = [256, 32], strides = [1, 1]} : vector<256x6272xf32> to vector<256x32xf32>
    %reduce_min3A_416 = arith.constant dense<0x7F800000> : vector<256xf32>
    %reduce_min3A_417 = vector.multi_reduction <minimumf>, %slice3A_415, %reduce_min3A_416 [1] : vector<256x32xf32> to vector<256xf32>
    %broadcast_in_dim3A_418 = vector.shape_cast %reduce_min3A_417 : vector<256xf32> to vector<256x1xf32>
    %slice3A_419 = vector.extract_strided_slice %get3A_1 {offsets = [0, 3360], sizes = [256, 32], strides = [1, 1]} : vector<256x6272xf32> to vector<256x32xf32>
    %reduce_min3A_420 = arith.constant dense<0x7F800000> : vector<256xf32>
    %reduce_min3A_421 = vector.multi_reduction <minimumf>, %slice3A_419, %reduce_min3A_420 [1] : vector<256x32xf32> to vector<256xf32>
    %broadcast_in_dim3A_422 = vector.shape_cast %reduce_min3A_421 : vector<256xf32> to vector<256x1xf32>
    %slice3A_423 = vector.extract_strided_slice %get3A_1 {offsets = [0, 3392], sizes = [256, 32], strides = [1, 1]} : vector<256x6272xf32> to vector<256x32xf32>
    %reduce_min3A_424 = arith.constant dense<0x7F800000> : vector<256xf32>
    %reduce_min3A_425 = vector.multi_reduction <minimumf>, %slice3A_423, %reduce_min3A_424 [1] : vector<256x32xf32> to vector<256xf32>
    %broadcast_in_dim3A_426 = vector.shape_cast %reduce_min3A_425 : vector<256xf32> to vector<256x1xf32>
    %slice3A_427 = vector.extract_strided_slice %get3A_1 {offsets = [0, 3424], sizes = [256, 32], strides = [1, 1]} : vector<256x6272xf32> to vector<256x32xf32>
    %reduce_min3A_428 = arith.constant dense<0x7F800000> : vector<256xf32>
    %reduce_min3A_429 = vector.multi_reduction <minimumf>, %slice3A_427, %reduce_min3A_428 [1] : vector<256x32xf32> to vector<256xf32>
    %broadcast_in_dim3A_430 = vector.shape_cast %reduce_min3A_429 : vector<256xf32> to vector<256x1xf32>
    %slice3A_431 = vector.extract_strided_slice %get3A_1 {offsets = [0, 3456], sizes = [256, 32], strides = [1, 1]} : vector<256x6272xf32> to vector<256x32xf32>
    %reduce_min3A_432 = arith.constant dense<0x7F800000> : vector<256xf32>
    %reduce_min3A_433 = vector.multi_reduction <minimumf>, %slice3A_431, %reduce_min3A_432 [1] : vector<256x32xf32> to vector<256xf32>
    %broadcast_in_dim3A_434 = vector.shape_cast %reduce_min3A_433 : vector<256xf32> to vector<256x1xf32>
    %slice3A_435 = vector.extract_strided_slice %get3A_1 {offsets = [0, 3488], sizes = [256, 32], strides = [1, 1]} : vector<256x6272xf32> to vector<256x32xf32>
    %reduce_min3A_436 = arith.constant dense<0x7F800000> : vector<256xf32>
    %reduce_min3A_437 = vector.multi_reduction <minimumf>, %slice3A_435, %reduce_min3A_436 [1] : vector<256x32xf32> to vector<256xf32>
    %broadcast_in_dim3A_438 = vector.shape_cast %reduce_min3A_437 : vector<256xf32> to vector<256x1xf32>
    %slice3A_439 = vector.extract_strided_slice %get3A_1 {offsets = [0, 3520], sizes = [256, 32], strides = [1, 1]} : vector<256x6272xf32> to vector<256x32xf32>
    %reduce_min3A_440 = arith.constant dense<0x7F800000> : vector<256xf32>
    %reduce_min3A_441 = vector.multi_reduction <minimumf>, %slice3A_439, %reduce_min3A_440 [1] : vector<256x32xf32> to vector<256xf32>
    %broadcast_in_dim3A_442 = vector.shape_cast %reduce_min3A_441 : vector<256xf32> to vector<256x1xf32>
    %slice3A_443 = vector.extract_strided_slice %get3A_1 {offsets = [0, 3552], sizes = [256, 32], strides = [1, 1]} : vector<256x6272xf32> to vector<256x32xf32>
    %reduce_min3A_444 = arith.constant dense<0x7F800000> : vector<256xf32>
    %reduce_min3A_445 = vector.multi_reduction <minimumf>, %slice3A_443, %reduce_min3A_444 [1] : vector<256x32xf32> to vector<256xf32>
    %broadcast_in_dim3A_446 = vector.shape_cast %reduce_min3A_445 : vector<256xf32> to vector<256x1xf32>
    %slice3A_447 = vector.extract_strided_slice %get3A_1 {offsets = [0, 3584], sizes = [256, 32], strides = [1, 1]} : vector<256x6272xf32> to vector<256x32xf32>
    %reduce_min3A_448 = arith.constant dense<0x7F800000> : vector<256xf32>
    %reduce_min3A_449 = vector.multi_reduction <minimumf>, %slice3A_447, %reduce_min3A_448 [1] : vector<256x32xf32> to vector<256xf32>
    %broadcast_in_dim3A_450 = vector.shape_cast %reduce_min3A_449 : vector<256xf32> to vector<256x1xf32>
    %slice3A_451 = vector.extract_strided_slice %get3A_1 {offsets = [0, 3616], sizes = [256, 32], strides = [1, 1]} : vector<256x6272xf32> to vector<256x32xf32>
    %reduce_min3A_452 = arith.constant dense<0x7F800000> : vector<256xf32>
    %reduce_min3A_453 = vector.multi_reduction <minimumf>, %slice3A_451, %reduce_min3A_452 [1] : vector<256x32xf32> to vector<256xf32>
    %broadcast_in_dim3A_454 = vector.shape_cast %reduce_min3A_453 : vector<256xf32> to vector<256x1xf32>
    %slice3A_455 = vector.extract_strided_slice %get3A_1 {offsets = [0, 3648], sizes = [256, 32], strides = [1, 1]} : vector<256x6272xf32> to vector<256x32xf32>
    %reduce_min3A_456 = arith.constant dense<0x7F800000> : vector<256xf32>
    %reduce_min3A_457 = vector.multi_reduction <minimumf>, %slice3A_455, %reduce_min3A_456 [1] : vector<256x32xf32> to vector<256xf32>
    %broadcast_in_dim3A_458 = vector.shape_cast %reduce_min3A_457 : vector<256xf32> to vector<256x1xf32>
    %slice3A_459 = vector.extract_strided_slice %get3A_1 {offsets = [0, 3680], sizes = [256, 32], strides = [1, 1]} : vector<256x6272xf32> to vector<256x32xf32>
    %reduce_min3A_460 = arith.constant dense<0x7F800000> : vector<256xf32>
    %reduce_min3A_461 = vector.multi_reduction <minimumf>, %slice3A_459, %reduce_min3A_460 [1] : vector<256x32xf32> to vector<256xf32>
    %broadcast_in_dim3A_462 = vector.shape_cast %reduce_min3A_461 : vector<256xf32> to vector<256x1xf32>
    %slice3A_463 = vector.extract_strided_slice %get3A_1 {offsets = [0, 3712], sizes = [256, 32], strides = [1, 1]} : vector<256x6272xf32> to vector<256x32xf32>
    %reduce_min3A_464 = arith.constant dense<0x7F800000> : vector<256xf32>
    %reduce_min3A_465 = vector.multi_reduction <minimumf>, %slice3A_463, %reduce_min3A_464 [1] : vector<256x32xf32> to vector<256xf32>
    %broadcast_in_dim3A_466 = vector.shape_cast %reduce_min3A_465 : vector<256xf32> to vector<256x1xf32>
    %slice3A_467 = vector.extract_strided_slice %get3A_1 {offsets = [0, 3744], sizes = [256, 32], strides = [1, 1]} : vector<256x6272xf32> to vector<256x32xf32>
    %reduce_min3A_468 = arith.constant dense<0x7F800000> : vector<256xf32>
    %reduce_min3A_469 = vector.multi_reduction <minimumf>, %slice3A_467, %reduce_min3A_468 [1] : vector<256x32xf32> to vector<256xf32>
    %broadcast_in_dim3A_470 = vector.shape_cast %reduce_min3A_469 : vector<256xf32> to vector<256x1xf32>
    %slice3A_471 = vector.extract_strided_slice %get3A_1 {offsets = [0, 3776], sizes = [256, 32], strides = [1, 1]} : vector<256x6272xf32> to vector<256x32xf32>
    %reduce_min3A_472 = arith.constant dense<0x7F800000> : vector<256xf32>
    %reduce_min3A_473 = vector.multi_reduction <minimumf>, %slice3A_471, %reduce_min3A_472 [1] : vector<256x32xf32> to vector<256xf32>
    %broadcast_in_dim3A_474 = vector.shape_cast %reduce_min3A_473 : vector<256xf32> to vector<256x1xf32>
    %slice3A_475 = vector.extract_strided_slice %get3A_1 {offsets = [0, 3808], sizes = [256, 32], strides = [1, 1]} : vector<256x6272xf32> to vector<256x32xf32>
    %reduce_min3A_476 = arith.constant dense<0x7F800000> : vector<256xf32>
    %reduce_min3A_477 = vector.multi_reduction <minimumf>, %slice3A_475, %reduce_min3A_476 [1] : vector<256x32xf32> to vector<256xf32>
    %broadcast_in_dim3A_478 = vector.shape_cast %reduce_min3A_477 : vector<256xf32> to vector<256x1xf32>
    %slice3A_479 = vector.extract_strided_slice %get3A_1 {offsets = [0, 3840], sizes = [256, 32], strides = [1, 1]} : vector<256x6272xf32> to vector<256x32xf32>
    %reduce_min3A_480 = arith.constant dense<0x7F800000> : vector<256xf32>
    %reduce_min3A_481 = vector.multi_reduction <minimumf>, %slice3A_479, %reduce_min3A_480 [1] : vector<256x32xf32> to vector<256xf32>
    %broadcast_in_dim3A_482 = vector.shape_cast %reduce_min3A_481 : vector<256xf32> to vector<256x1xf32>
    %slice3A_483 = vector.extract_strided_slice %get3A_1 {offsets = [0, 3872], sizes = [256, 32], strides = [1, 1]} : vector<256x6272xf32> to vector<256x32xf32>
    %reduce_min3A_484 = arith.constant dense<0x7F800000> : vector<256xf32>
    %reduce_min3A_485 = vector.multi_reduction <minimumf>, %slice3A_483, %reduce_min3A_484 [1] : vector<256x32xf32> to vector<256xf32>
    %broadcast_in_dim3A_486 = vector.shape_cast %reduce_min3A_485 : vector<256xf32> to vector<256x1xf32>
    %slice3A_487 = vector.extract_strided_slice %get3A_1 {offsets = [0, 3904], sizes = [256, 32], strides = [1, 1]} : vector<256x6272xf32> to vector<256x32xf32>
    %reduce_min3A_488 = arith.constant dense<0x7F800000> : vector<256xf32>
    %reduce_min3A_489 = vector.multi_reduction <minimumf>, %slice3A_487, %reduce_min3A_488 [1] : vector<256x32xf32> to vector<256xf32>
    %broadcast_in_dim3A_490 = vector.shape_cast %reduce_min3A_489 : vector<256xf32> to vector<256x1xf32>
    %slice3A_491 = vector.extract_strided_slice %get3A_1 {offsets = [0, 3936], sizes = [256, 32], strides = [1, 1]} : vector<256x6272xf32> to vector<256x32xf32>
    %reduce_min3A_492 = arith.constant dense<0x7F800000> : vector<256xf32>
    %reduce_min3A_493 = vector.multi_reduction <minimumf>, %slice3A_491, %reduce_min3A_492 [1] : vector<256x32xf32> to vector<256xf32>
    %broadcast_in_dim3A_494 = vector.shape_cast %reduce_min3A_493 : vector<256xf32> to vector<256x1xf32>
    %slice3A_495 = vector.extract_strided_slice %get3A_1 {offsets = [0, 3968], sizes = [256, 32], strides = [1, 1]} : vector<256x6272xf32> to vector<256x32xf32>
    %reduce_min3A_496 = arith.constant dense<0x7F800000> : vector<256xf32>
    %reduce_min3A_497 = vector.multi_reduction <minimumf>, %slice3A_495, %reduce_min3A_496 [1] : vector<256x32xf32> to vector<256xf32>
    %broadcast_in_dim3A_498 = vector.shape_cast %reduce_min3A_497 : vector<256xf32> to vector<256x1xf32>
    %slice3A_499 = vector.extract_strided_slice %get3A_1 {offsets = [0, 4000], sizes = [256, 32], strides = [1, 1]} : vector<256x6272xf32> to vector<256x32xf32>
    %reduce_min3A_500 = arith.constant dense<0x7F800000> : vector<256xf32>
    %reduce_min3A_501 = vector.multi_reduction <minimumf>, %slice3A_499, %reduce_min3A_500 [1] : vector<256x32xf32> to vector<256xf32>
    %broadcast_in_dim3A_502 = vector.shape_cast %reduce_min3A_501 : vector<256xf32> to vector<256x1xf32>
    %slice3A_503 = vector.extract_strided_slice %get3A_1 {offsets = [0, 4032], sizes = [256, 32], strides = [1, 1]} : vector<256x6272xf32> to vector<256x32xf32>
    %reduce_min3A_504 = arith.constant dense<0x7F800000> : vector<256xf32>
    %reduce_min3A_505 = vector.multi_reduction <minimumf>, %slice3A_503, %reduce_min3A_504 [1] : vector<256x32xf32> to vector<256xf32>
    %broadcast_in_dim3A_506 = vector.shape_cast %reduce_min3A_505 : vector<256xf32> to vector<256x1xf32>
    %slice3A_507 = vector.extract_strided_slice %get3A_1 {offsets = [0, 4064], sizes = [256, 32], strides = [1, 1]} : vector<256x6272xf32> to vector<256x32xf32>
    %reduce_min3A_508 = arith.constant dense<0x7F800000> : vector<256xf32>
    %reduce_min3A_509 = vector.multi_reduction <minimumf>, %slice3A_507, %reduce_min3A_508 [1] : vector<256x32xf32> to vector<256xf32>
    %broadcast_in_dim3A_510 = vector.shape_cast %reduce_min3A_509 : vector<256xf32> to vector<256x1xf32>
    %slice3A_511 = vector.extract_strided_slice %get3A_1 {offsets = [0, 4096], sizes = [256, 32], strides = [1, 1]} : vector<256x6272xf32> to vector<256x32xf32>
    %reduce_min3A_512 = arith.constant dense<0x7F800000> : vector<256xf32>
    %reduce_min3A_513 = vector.multi_reduction <minimumf>, %slice3A_511, %reduce_min3A_512 [1] : vector<256x32xf32> to vector<256xf32>
    %broadcast_in_dim3A_514 = vector.shape_cast %reduce_min3A_513 : vector<256xf32> to vector<256x1xf32>
    %slice3A_515 = vector.extract_strided_slice %get3A_1 {offsets = [0, 4128], sizes = [256, 32], strides = [1, 1]} : vector<256x6272xf32> to vector<256x32xf32>
    %reduce_min3A_516 = arith.constant dense<0x7F800000> : vector<256xf32>
    %reduce_min3A_517 = vector.multi_reduction <minimumf>, %slice3A_515, %reduce_min3A_516 [1] : vector<256x32xf32> to vector<256xf32>
    %broadcast_in_dim3A_518 = vector.shape_cast %reduce_min3A_517 : vector<256xf32> to vector<256x1xf32>
    %slice3A_519 = vector.extract_strided_slice %get3A_1 {offsets = [0, 4160], sizes = [256, 32], strides = [1, 1]} : vector<256x6272xf32> to vector<256x32xf32>
    %reduce_min3A_520 = arith.constant dense<0x7F800000> : vector<256xf32>
    %reduce_min3A_521 = vector.multi_reduction <minimumf>, %slice3A_519, %reduce_min3A_520 [1] : vector<256x32xf32> to vector<256xf32>
    %broadcast_in_dim3A_522 = vector.shape_cast %reduce_min3A_521 : vector<256xf32> to vector<256x1xf32>
    %slice3A_523 = vector.extract_strided_slice %get3A_1 {offsets = [0, 4192], sizes = [256, 32], strides = [1, 1]} : vector<256x6272xf32> to vector<256x32xf32>
    %reduce_min3A_524 = arith.constant dense<0x7F800000> : vector<256xf32>
    %reduce_min3A_525 = vector.multi_reduction <minimumf>, %slice3A_523, %reduce_min3A_524 [1] : vector<256x32xf32> to vector<256xf32>
    %broadcast_in_dim3A_526 = vector.shape_cast %reduce_min3A_525 : vector<256xf32> to vector<256x1xf32>
    %slice3A_527 = vector.extract_strided_slice %get3A_1 {offsets = [0, 4224], sizes = [256, 32], strides = [1, 1]} : vector<256x6272xf32> to vector<256x32xf32>
    %reduce_min3A_528 = arith.constant dense<0x7F800000> : vector<256xf32>
    %reduce_min3A_529 = vector.multi_reduction <minimumf>, %slice3A_527, %reduce_min3A_528 [1] : vector<256x32xf32> to vector<256xf32>
    %broadcast_in_dim3A_530 = vector.shape_cast %reduce_min3A_529 : vector<256xf32> to vector<256x1xf32>
    %slice3A_531 = vector.extract_strided_slice %get3A_1 {offsets = [0, 4256], sizes = [256, 32], strides = [1, 1]} : vector<256x6272xf32> to vector<256x32xf32>
    %reduce_min3A_532 = arith.constant dense<0x7F800000> : vector<256xf32>
    %reduce_min3A_533 = vector.multi_reduction <minimumf>, %slice3A_531, %reduce_min3A_532 [1] : vector<256x32xf32> to vector<256xf32>
    %broadcast_in_dim3A_534 = vector.shape_cast %reduce_min3A_533 : vector<256xf32> to vector<256x1xf32>
    %slice3A_535 = vector.extract_strided_slice %get3A_1 {offsets = [0, 4288], sizes = [256, 32], strides = [1, 1]} : vector<256x6272xf32> to vector<256x32xf32>
    %reduce_min3A_536 = arith.constant dense<0x7F800000> : vector<256xf32>
    %reduce_min3A_537 = vector.multi_reduction <minimumf>, %slice3A_535, %reduce_min3A_536 [1] : vector<256x32xf32> to vector<256xf32>
    %broadcast_in_dim3A_538 = vector.shape_cast %reduce_min3A_537 : vector<256xf32> to vector<256x1xf32>
    %slice3A_539 = vector.extract_strided_slice %get3A_1 {offsets = [0, 4320], sizes = [256, 32], strides = [1, 1]} : vector<256x6272xf32> to vector<256x32xf32>
    %reduce_min3A_540 = arith.constant dense<0x7F800000> : vector<256xf32>
    %reduce_min3A_541 = vector.multi_reduction <minimumf>, %slice3A_539, %reduce_min3A_540 [1] : vector<256x32xf32> to vector<256xf32>
    %broadcast_in_dim3A_542 = vector.shape_cast %reduce_min3A_541 : vector<256xf32> to vector<256x1xf32>
    %slice3A_543 = vector.extract_strided_slice %get3A_1 {offsets = [0, 4352], sizes = [256, 32], strides = [1, 1]} : vector<256x6272xf32> to vector<256x32xf32>
    %reduce_min3A_544 = arith.constant dense<0x7F800000> : vector<256xf32>
    %reduce_min3A_545 = vector.multi_reduction <minimumf>, %slice3A_543, %reduce_min3A_544 [1] : vector<256x32xf32> to vector<256xf32>
    %broadcast_in_dim3A_546 = vector.shape_cast %reduce_min3A_545 : vector<256xf32> to vector<256x1xf32>
    %slice3A_547 = vector.extract_strided_slice %get3A_1 {offsets = [0, 4384], sizes = [256, 32], strides = [1, 1]} : vector<256x6272xf32> to vector<256x32xf32>
    %reduce_min3A_548 = arith.constant dense<0x7F800000> : vector<256xf32>
    %reduce_min3A_549 = vector.multi_reduction <minimumf>, %slice3A_547, %reduce_min3A_548 [1] : vector<256x32xf32> to vector<256xf32>
    %broadcast_in_dim3A_550 = vector.shape_cast %reduce_min3A_549 : vector<256xf32> to vector<256x1xf32>
    %slice3A_551 = vector.extract_strided_slice %get3A_1 {offsets = [0, 4416], sizes = [256, 32], strides = [1, 1]} : vector<256x6272xf32> to vector<256x32xf32>
    %reduce_min3A_552 = arith.constant dense<0x7F800000> : vector<256xf32>
    %reduce_min3A_553 = vector.multi_reduction <minimumf>, %slice3A_551, %reduce_min3A_552 [1] : vector<256x32xf32> to vector<256xf32>
    %broadcast_in_dim3A_554 = vector.shape_cast %reduce_min3A_553 : vector<256xf32> to vector<256x1xf32>
    %slice3A_555 = vector.extract_strided_slice %get3A_1 {offsets = [0, 4448], sizes = [256, 32], strides = [1, 1]} : vector<256x6272xf32> to vector<256x32xf32>
    %reduce_min3A_556 = arith.constant dense<0x7F800000> : vector<256xf32>
    %reduce_min3A_557 = vector.multi_reduction <minimumf>, %slice3A_555, %reduce_min3A_556 [1] : vector<256x32xf32> to vector<256xf32>
    %broadcast_in_dim3A_558 = vector.shape_cast %reduce_min3A_557 : vector<256xf32> to vector<256x1xf32>
    %slice3A_559 = vector.extract_strided_slice %get3A_1 {offsets = [0, 4480], sizes = [256, 32], strides = [1, 1]} : vector<256x6272xf32> to vector<256x32xf32>
    %reduce_min3A_560 = arith.constant dense<0x7F800000> : vector<256xf32>
    %reduce_min3A_561 = vector.multi_reduction <minimumf>, %slice3A_559, %reduce_min3A_560 [1] : vector<256x32xf32> to vector<256xf32>
    %broadcast_in_dim3A_562 = vector.shape_cast %reduce_min3A_561 : vector<256xf32> to vector<256x1xf32>
    %slice3A_563 = vector.extract_strided_slice %get3A_1 {offsets = [0, 4512], sizes = [256, 32], strides = [1, 1]} : vector<256x6272xf32> to vector<256x32xf32>
    %reduce_min3A_564 = arith.constant dense<0x7F800000> : vector<256xf32>
    %reduce_min3A_565 = vector.multi_reduction <minimumf>, %slice3A_563, %reduce_min3A_564 [1] : vector<256x32xf32> to vector<256xf32>
    %broadcast_in_dim3A_566 = vector.shape_cast %reduce_min3A_565 : vector<256xf32> to vector<256x1xf32>
    %slice3A_567 = vector.extract_strided_slice %get3A_1 {offsets = [0, 4544], sizes = [256, 32], strides = [1, 1]} : vector<256x6272xf32> to vector<256x32xf32>
    %reduce_min3A_568 = arith.constant dense<0x7F800000> : vector<256xf32>
    %reduce_min3A_569 = vector.multi_reduction <minimumf>, %slice3A_567, %reduce_min3A_568 [1] : vector<256x32xf32> to vector<256xf32>
    %broadcast_in_dim3A_570 = vector.shape_cast %reduce_min3A_569 : vector<256xf32> to vector<256x1xf32>
    %slice3A_571 = vector.extract_strided_slice %get3A_1 {offsets = [0, 4576], sizes = [256, 32], strides = [1, 1]} : vector<256x6272xf32> to vector<256x32xf32>
    %reduce_min3A_572 = arith.constant dense<0x7F800000> : vector<256xf32>
    %reduce_min3A_573 = vector.multi_reduction <minimumf>, %slice3A_571, %reduce_min3A_572 [1] : vector<256x32xf32> to vector<256xf32>
    %broadcast_in_dim3A_574 = vector.shape_cast %reduce_min3A_573 : vector<256xf32> to vector<256x1xf32>
    %slice3A_575 = vector.extract_strided_slice %get3A_1 {offsets = [0, 4608], sizes = [256, 32], strides = [1, 1]} : vector<256x6272xf32> to vector<256x32xf32>
    %reduce_min3A_576 = arith.constant dense<0x7F800000> : vector<256xf32>
    %reduce_min3A_577 = vector.multi_reduction <minimumf>, %slice3A_575, %reduce_min3A_576 [1] : vector<256x32xf32> to vector<256xf32>
    %broadcast_in_dim3A_578 = vector.shape_cast %reduce_min3A_577 : vector<256xf32> to vector<256x1xf32>
    %slice3A_579 = vector.extract_strided_slice %get3A_1 {offsets = [0, 4640], sizes = [256, 32], strides = [1, 1]} : vector<256x6272xf32> to vector<256x32xf32>
    %reduce_min3A_580 = arith.constant dense<0x7F800000> : vector<256xf32>
    %reduce_min3A_581 = vector.multi_reduction <minimumf>, %slice3A_579, %reduce_min3A_580 [1] : vector<256x32xf32> to vector<256xf32>
    %broadcast_in_dim3A_582 = vector.shape_cast %reduce_min3A_581 : vector<256xf32> to vector<256x1xf32>
    %slice3A_583 = vector.extract_strided_slice %get3A_1 {offsets = [0, 4672], sizes = [256, 32], strides = [1, 1]} : vector<256x6272xf32> to vector<256x32xf32>
    %reduce_min3A_584 = arith.constant dense<0x7F800000> : vector<256xf32>
    %reduce_min3A_585 = vector.multi_reduction <minimumf>, %slice3A_583, %reduce_min3A_584 [1] : vector<256x32xf32> to vector<256xf32>
    %broadcast_in_dim3A_586 = vector.shape_cast %reduce_min3A_585 : vector<256xf32> to vector<256x1xf32>
    %slice3A_587 = vector.extract_strided_slice %get3A_1 {offsets = [0, 4704], sizes = [256, 32], strides = [1, 1]} : vector<256x6272xf32> to vector<256x32xf32>
    %reduce_min3A_588 = arith.constant dense<0x7F800000> : vector<256xf32>
    %reduce_min3A_589 = vector.multi_reduction <minimumf>, %slice3A_587, %reduce_min3A_588 [1] : vector<256x32xf32> to vector<256xf32>
    %broadcast_in_dim3A_590 = vector.shape_cast %reduce_min3A_589 : vector<256xf32> to vector<256x1xf32>
    %slice3A_591 = vector.extract_strided_slice %get3A_1 {offsets = [0, 4736], sizes = [256, 32], strides = [1, 1]} : vector<256x6272xf32> to vector<256x32xf32>
    %reduce_min3A_592 = arith.constant dense<0x7F800000> : vector<256xf32>
    %reduce_min3A_593 = vector.multi_reduction <minimumf>, %slice3A_591, %reduce_min3A_592 [1] : vector<256x32xf32> to vector<256xf32>
    %broadcast_in_dim3A_594 = vector.shape_cast %reduce_min3A_593 : vector<256xf32> to vector<256x1xf32>
    %slice3A_595 = vector.extract_strided_slice %get3A_1 {offsets = [0, 4768], sizes = [256, 32], strides = [1, 1]} : vector<256x6272xf32> to vector<256x32xf32>
    %reduce_min3A_596 = arith.constant dense<0x7F800000> : vector<256xf32>
    %reduce_min3A_597 = vector.multi_reduction <minimumf>, %slice3A_595, %reduce_min3A_596 [1] : vector<256x32xf32> to vector<256xf32>
    %broadcast_in_dim3A_598 = vector.shape_cast %reduce_min3A_597 : vector<256xf32> to vector<256x1xf32>
    %slice3A_599 = vector.extract_strided_slice %get3A_1 {offsets = [0, 4800], sizes = [256, 32], strides = [1, 1]} : vector<256x6272xf32> to vector<256x32xf32>
    %reduce_min3A_600 = arith.constant dense<0x7F800000> : vector<256xf32>
    %reduce_min3A_601 = vector.multi_reduction <minimumf>, %slice3A_599, %reduce_min3A_600 [1] : vector<256x32xf32> to vector<256xf32>
    %broadcast_in_dim3A_602 = vector.shape_cast %reduce_min3A_601 : vector<256xf32> to vector<256x1xf32>
    %slice3A_603 = vector.extract_strided_slice %get3A_1 {offsets = [0, 4832], sizes = [256, 32], strides = [1, 1]} : vector<256x6272xf32> to vector<256x32xf32>
    %reduce_min3A_604 = arith.constant dense<0x7F800000> : vector<256xf32>
    %reduce_min3A_605 = vector.multi_reduction <minimumf>, %slice3A_603, %reduce_min3A_604 [1] : vector<256x32xf32> to vector<256xf32>
    %broadcast_in_dim3A_606 = vector.shape_cast %reduce_min3A_605 : vector<256xf32> to vector<256x1xf32>
    %slice3A_607 = vector.extract_strided_slice %get3A_1 {offsets = [0, 4864], sizes = [256, 32], strides = [1, 1]} : vector<256x6272xf32> to vector<256x32xf32>
    %reduce_min3A_608 = arith.constant dense<0x7F800000> : vector<256xf32>
    %reduce_min3A_609 = vector.multi_reduction <minimumf>, %slice3A_607, %reduce_min3A_608 [1] : vector<256x32xf32> to vector<256xf32>
    %broadcast_in_dim3A_610 = vector.shape_cast %reduce_min3A_609 : vector<256xf32> to vector<256x1xf32>
    %slice3A_611 = vector.extract_strided_slice %get3A_1 {offsets = [0, 4896], sizes = [256, 32], strides = [1, 1]} : vector<256x6272xf32> to vector<256x32xf32>
    %reduce_min3A_612 = arith.constant dense<0x7F800000> : vector<256xf32>
    %reduce_min3A_613 = vector.multi_reduction <minimumf>, %slice3A_611, %reduce_min3A_612 [1] : vector<256x32xf32> to vector<256xf32>
    %broadcast_in_dim3A_614 = vector.shape_cast %reduce_min3A_613 : vector<256xf32> to vector<256x1xf32>
    %slice3A_615 = vector.extract_strided_slice %get3A_1 {offsets = [0, 4928], sizes = [256, 32], strides = [1, 1]} : vector<256x6272xf32> to vector<256x32xf32>
    %reduce_min3A_616 = arith.constant dense<0x7F800000> : vector<256xf32>
    %reduce_min3A_617 = vector.multi_reduction <minimumf>, %slice3A_615, %reduce_min3A_616 [1] : vector<256x32xf32> to vector<256xf32>
    %broadcast_in_dim3A_618 = vector.shape_cast %reduce_min3A_617 : vector<256xf32> to vector<256x1xf32>
    %slice3A_619 = vector.extract_strided_slice %get3A_1 {offsets = [0, 4960], sizes = [256, 32], strides = [1, 1]} : vector<256x6272xf32> to vector<256x32xf32>
    %reduce_min3A_620 = arith.constant dense<0x7F800000> : vector<256xf32>
    %reduce_min3A_621 = vector.multi_reduction <minimumf>, %slice3A_619, %reduce_min3A_620 [1] : vector<256x32xf32> to vector<256xf32>
    %broadcast_in_dim3A_622 = vector.shape_cast %reduce_min3A_621 : vector<256xf32> to vector<256x1xf32>
    %slice3A_623 = vector.extract_strided_slice %get3A_1 {offsets = [0, 4992], sizes = [256, 32], strides = [1, 1]} : vector<256x6272xf32> to vector<256x32xf32>
    %reduce_min3A_624 = arith.constant dense<0x7F800000> : vector<256xf32>
    %reduce_min3A_625 = vector.multi_reduction <minimumf>, %slice3A_623, %reduce_min3A_624 [1] : vector<256x32xf32> to vector<256xf32>
    %broadcast_in_dim3A_626 = vector.shape_cast %reduce_min3A_625 : vector<256xf32> to vector<256x1xf32>
    %slice3A_627 = vector.extract_strided_slice %get3A_1 {offsets = [0, 5024], sizes = [256, 32], strides = [1, 1]} : vector<256x6272xf32> to vector<256x32xf32>
    %reduce_min3A_628 = arith.constant dense<0x7F800000> : vector<256xf32>
    %reduce_min3A_629 = vector.multi_reduction <minimumf>, %slice3A_627, %reduce_min3A_628 [1] : vector<256x32xf32> to vector<256xf32>
    %broadcast_in_dim3A_630 = vector.shape_cast %reduce_min3A_629 : vector<256xf32> to vector<256x1xf32>
    %slice3A_631 = vector.extract_strided_slice %get3A_1 {offsets = [0, 5056], sizes = [256, 32], strides = [1, 1]} : vector<256x6272xf32> to vector<256x32xf32>
    %reduce_min3A_632 = arith.constant dense<0x7F800000> : vector<256xf32>
    %reduce_min3A_633 = vector.multi_reduction <minimumf>, %slice3A_631, %reduce_min3A_632 [1] : vector<256x32xf32> to vector<256xf32>
    %broadcast_in_dim3A_634 = vector.shape_cast %reduce_min3A_633 : vector<256xf32> to vector<256x1xf32>
    %slice3A_635 = vector.extract_strided_slice %get3A_1 {offsets = [0, 5088], sizes = [256, 32], strides = [1, 1]} : vector<256x6272xf32> to vector<256x32xf32>
    %reduce_min3A_636 = arith.constant dense<0x7F800000> : vector<256xf32>
    %reduce_min3A_637 = vector.multi_reduction <minimumf>, %slice3A_635, %reduce_min3A_636 [1] : vector<256x32xf32> to vector<256xf32>
    %broadcast_in_dim3A_638 = vector.shape_cast %reduce_min3A_637 : vector<256xf32> to vector<256x1xf32>
    %slice3A_639 = vector.extract_strided_slice %get3A_1 {offsets = [0, 5120], sizes = [256, 32], strides = [1, 1]} : vector<256x6272xf32> to vector<256x32xf32>
    %reduce_min3A_640 = arith.constant dense<0x7F800000> : vector<256xf32>
    %reduce_min3A_641 = vector.multi_reduction <minimumf>, %slice3A_639, %reduce_min3A_640 [1] : vector<256x32xf32> to vector<256xf32>
    %broadcast_in_dim3A_642 = vector.shape_cast %reduce_min3A_641 : vector<256xf32> to vector<256x1xf32>
    %slice3A_643 = vector.extract_strided_slice %get3A_1 {offsets = [0, 5152], sizes = [256, 32], strides = [1, 1]} : vector<256x6272xf32> to vector<256x32xf32>
    %reduce_min3A_644 = arith.constant dense<0x7F800000> : vector<256xf32>
    %reduce_min3A_645 = vector.multi_reduction <minimumf>, %slice3A_643, %reduce_min3A_644 [1] : vector<256x32xf32> to vector<256xf32>
    %broadcast_in_dim3A_646 = vector.shape_cast %reduce_min3A_645 : vector<256xf32> to vector<256x1xf32>
    %slice3A_647 = vector.extract_strided_slice %get3A_1 {offsets = [0, 5184], sizes = [256, 32], strides = [1, 1]} : vector<256x6272xf32> to vector<256x32xf32>
    %reduce_min3A_648 = arith.constant dense<0x7F800000> : vector<256xf32>
    %reduce_min3A_649 = vector.multi_reduction <minimumf>, %slice3A_647, %reduce_min3A_648 [1] : vector<256x32xf32> to vector<256xf32>
    %broadcast_in_dim3A_650 = vector.shape_cast %reduce_min3A_649 : vector<256xf32> to vector<256x1xf32>
    %slice3A_651 = vector.extract_strided_slice %get3A_1 {offsets = [0, 5216], sizes = [256, 32], strides = [1, 1]} : vector<256x6272xf32> to vector<256x32xf32>
    %reduce_min3A_652 = arith.constant dense<0x7F800000> : vector<256xf32>
    %reduce_min3A_653 = vector.multi_reduction <minimumf>, %slice3A_651, %reduce_min3A_652 [1] : vector<256x32xf32> to vector<256xf32>
    %broadcast_in_dim3A_654 = vector.shape_cast %reduce_min3A_653 : vector<256xf32> to vector<256x1xf32>
    %slice3A_655 = vector.extract_strided_slice %get3A_1 {offsets = [0, 5248], sizes = [256, 32], strides = [1, 1]} : vector<256x6272xf32> to vector<256x32xf32>
    %reduce_min3A_656 = arith.constant dense<0x7F800000> : vector<256xf32>
    %reduce_min3A_657 = vector.multi_reduction <minimumf>, %slice3A_655, %reduce_min3A_656 [1] : vector<256x32xf32> to vector<256xf32>
    %broadcast_in_dim3A_658 = vector.shape_cast %reduce_min3A_657 : vector<256xf32> to vector<256x1xf32>
    %slice3A_659 = vector.extract_strided_slice %get3A_1 {offsets = [0, 5280], sizes = [256, 32], strides = [1, 1]} : vector<256x6272xf32> to vector<256x32xf32>
    %reduce_min3A_660 = arith.constant dense<0x7F800000> : vector<256xf32>
    %reduce_min3A_661 = vector.multi_reduction <minimumf>, %slice3A_659, %reduce_min3A_660 [1] : vector<256x32xf32> to vector<256xf32>
    %broadcast_in_dim3A_662 = vector.shape_cast %reduce_min3A_661 : vector<256xf32> to vector<256x1xf32>
    %slice3A_663 = vector.extract_strided_slice %get3A_1 {offsets = [0, 5312], sizes = [256, 32], strides = [1, 1]} : vector<256x6272xf32> to vector<256x32xf32>
    %reduce_min3A_664 = arith.constant dense<0x7F800000> : vector<256xf32>
    %reduce_min3A_665 = vector.multi_reduction <minimumf>, %slice3A_663, %reduce_min3A_664 [1] : vector<256x32xf32> to vector<256xf32>
    %broadcast_in_dim3A_666 = vector.shape_cast %reduce_min3A_665 : vector<256xf32> to vector<256x1xf32>
    %slice3A_667 = vector.extract_strided_slice %get3A_1 {offsets = [0, 5344], sizes = [256, 32], strides = [1, 1]} : vector<256x6272xf32> to vector<256x32xf32>
    %reduce_min3A_668 = arith.constant dense<0x7F800000> : vector<256xf32>
    %reduce_min3A_669 = vector.multi_reduction <minimumf>, %slice3A_667, %reduce_min3A_668 [1] : vector<256x32xf32> to vector<256xf32>
    %broadcast_in_dim3A_670 = vector.shape_cast %reduce_min3A_669 : vector<256xf32> to vector<256x1xf32>
    %slice3A_671 = vector.extract_strided_slice %get3A_1 {offsets = [0, 5376], sizes = [256, 32], strides = [1, 1]} : vector<256x6272xf32> to vector<256x32xf32>
    %reduce_min3A_672 = arith.constant dense<0x7F800000> : vector<256xf32>
    %reduce_min3A_673 = vector.multi_reduction <minimumf>, %slice3A_671, %reduce_min3A_672 [1] : vector<256x32xf32> to vector<256xf32>
    %broadcast_in_dim3A_674 = vector.shape_cast %reduce_min3A_673 : vector<256xf32> to vector<256x1xf32>
    %slice3A_675 = vector.extract_strided_slice %get3A_1 {offsets = [0, 5408], sizes = [256, 32], strides = [1, 1]} : vector<256x6272xf32> to vector<256x32xf32>
    %reduce_min3A_676 = arith.constant dense<0x7F800000> : vector<256xf32>
    %reduce_min3A_677 = vector.multi_reduction <minimumf>, %slice3A_675, %reduce_min3A_676 [1] : vector<256x32xf32> to vector<256xf32>
    %broadcast_in_dim3A_678 = vector.shape_cast %reduce_min3A_677 : vector<256xf32> to vector<256x1xf32>
    %slice3A_679 = vector.extract_strided_slice %get3A_1 {offsets = [0, 5440], sizes = [256, 32], strides = [1, 1]} : vector<256x6272xf32> to vector<256x32xf32>
    %reduce_min3A_680 = arith.constant dense<0x7F800000> : vector<256xf32>
    %reduce_min3A_681 = vector.multi_reduction <minimumf>, %slice3A_679, %reduce_min3A_680 [1] : vector<256x32xf32> to vector<256xf32>
    %broadcast_in_dim3A_682 = vector.shape_cast %reduce_min3A_681 : vector<256xf32> to vector<256x1xf32>
    %slice3A_683 = vector.extract_strided_slice %get3A_1 {offsets = [0, 5472], sizes = [256, 32], strides = [1, 1]} : vector<256x6272xf32> to vector<256x32xf32>
    %reduce_min3A_684 = arith.constant dense<0x7F800000> : vector<256xf32>
    %reduce_min3A_685 = vector.multi_reduction <minimumf>, %slice3A_683, %reduce_min3A_684 [1] : vector<256x32xf32> to vector<256xf32>
    %broadcast_in_dim3A_686 = vector.shape_cast %reduce_min3A_685 : vector<256xf32> to vector<256x1xf32>
    %slice3A_687 = vector.extract_strided_slice %get3A_1 {offsets = [0, 5504], sizes = [256, 32], strides = [1, 1]} : vector<256x6272xf32> to vector<256x32xf32>
    %reduce_min3A_688 = arith.constant dense<0x7F800000> : vector<256xf32>
    %reduce_min3A_689 = vector.multi_reduction <minimumf>, %slice3A_687, %reduce_min3A_688 [1] : vector<256x32xf32> to vector<256xf32>
    %broadcast_in_dim3A_690 = vector.shape_cast %reduce_min3A_689 : vector<256xf32> to vector<256x1xf32>
    %slice3A_691 = vector.extract_strided_slice %get3A_1 {offsets = [0, 5536], sizes = [256, 32], strides = [1, 1]} : vector<256x6272xf32> to vector<256x32xf32>
    %reduce_min3A_692 = arith.constant dense<0x7F800000> : vector<256xf32>
    %reduce_min3A_693 = vector.multi_reduction <minimumf>, %slice3A_691, %reduce_min3A_692 [1] : vector<256x32xf32> to vector<256xf32>
    %broadcast_in_dim3A_694 = vector.shape_cast %reduce_min3A_693 : vector<256xf32> to vector<256x1xf32>
    %slice3A_695 = vector.extract_strided_slice %get3A_1 {offsets = [0, 5568], sizes = [256, 32], strides = [1, 1]} : vector<256x6272xf32> to vector<256x32xf32>
    %reduce_min3A_696 = arith.constant dense<0x7F800000> : vector<256xf32>
    %reduce_min3A_697 = vector.multi_reduction <minimumf>, %slice3A_695, %reduce_min3A_696 [1] : vector<256x32xf32> to vector<256xf32>
    %broadcast_in_dim3A_698 = vector.shape_cast %reduce_min3A_697 : vector<256xf32> to vector<256x1xf32>
    %slice3A_699 = vector.extract_strided_slice %get3A_1 {offsets = [0, 5600], sizes = [256, 32], strides = [1, 1]} : vector<256x6272xf32> to vector<256x32xf32>
    %reduce_min3A_700 = arith.constant dense<0x7F800000> : vector<256xf32>
    %reduce_min3A_701 = vector.multi_reduction <minimumf>, %slice3A_699, %reduce_min3A_700 [1] : vector<256x32xf32> to vector<256xf32>
    %broadcast_in_dim3A_702 = vector.shape_cast %reduce_min3A_701 : vector<256xf32> to vector<256x1xf32>
    %slice3A_703 = vector.extract_strided_slice %get3A_1 {offsets = [0, 5632], sizes = [256, 32], strides = [1, 1]} : vector<256x6272xf32> to vector<256x32xf32>
    %reduce_min3A_704 = arith.constant dense<0x7F800000> : vector<256xf32>
    %reduce_min3A_705 = vector.multi_reduction <minimumf>, %slice3A_703, %reduce_min3A_704 [1] : vector<256x32xf32> to vector<256xf32>
    %broadcast_in_dim3A_706 = vector.shape_cast %reduce_min3A_705 : vector<256xf32> to vector<256x1xf32>
    %slice3A_707 = vector.extract_strided_slice %get3A_1 {offsets = [0, 5664], sizes = [256, 32], strides = [1, 1]} : vector<256x6272xf32> to vector<256x32xf32>
    %reduce_min3A_708 = arith.constant dense<0x7F800000> : vector<256xf32>
    %reduce_min3A_709 = vector.multi_reduction <minimumf>, %slice3A_707, %reduce_min3A_708 [1] : vector<256x32xf32> to vector<256xf32>
    %broadcast_in_dim3A_710 = vector.shape_cast %reduce_min3A_709 : vector<256xf32> to vector<256x1xf32>
    %slice3A_711 = vector.extract_strided_slice %get3A_1 {offsets = [0, 5696], sizes = [256, 32], strides = [1, 1]} : vector<256x6272xf32> to vector<256x32xf32>
    %reduce_min3A_712 = arith.constant dense<0x7F800000> : vector<256xf32>
    %reduce_min3A_713 = vector.multi_reduction <minimumf>, %slice3A_711, %reduce_min3A_712 [1] : vector<256x32xf32> to vector<256xf32>
    %broadcast_in_dim3A_714 = vector.shape_cast %reduce_min3A_713 : vector<256xf32> to vector<256x1xf32>
    %slice3A_715 = vector.extract_strided_slice %get3A_1 {offsets = [0, 5728], sizes = [256, 32], strides = [1, 1]} : vector<256x6272xf32> to vector<256x32xf32>
    %reduce_min3A_716 = arith.constant dense<0x7F800000> : vector<256xf32>
    %reduce_min3A_717 = vector.multi_reduction <minimumf>, %slice3A_715, %reduce_min3A_716 [1] : vector<256x32xf32> to vector<256xf32>
    %broadcast_in_dim3A_718 = vector.shape_cast %reduce_min3A_717 : vector<256xf32> to vector<256x1xf32>
    %slice3A_719 = vector.extract_strided_slice %get3A_1 {offsets = [0, 5760], sizes = [256, 32], strides = [1, 1]} : vector<256x6272xf32> to vector<256x32xf32>
    %reduce_min3A_720 = arith.constant dense<0x7F800000> : vector<256xf32>
    %reduce_min3A_721 = vector.multi_reduction <minimumf>, %slice3A_719, %reduce_min3A_720 [1] : vector<256x32xf32> to vector<256xf32>
    %broadcast_in_dim3A_722 = vector.shape_cast %reduce_min3A_721 : vector<256xf32> to vector<256x1xf32>
    %slice3A_723 = vector.extract_strided_slice %get3A_1 {offsets = [0, 5792], sizes = [256, 32], strides = [1, 1]} : vector<256x6272xf32> to vector<256x32xf32>
    %reduce_min3A_724 = arith.constant dense<0x7F800000> : vector<256xf32>
    %reduce_min3A_725 = vector.multi_reduction <minimumf>, %slice3A_723, %reduce_min3A_724 [1] : vector<256x32xf32> to vector<256xf32>
    %broadcast_in_dim3A_726 = vector.shape_cast %reduce_min3A_725 : vector<256xf32> to vector<256x1xf32>
    %slice3A_727 = vector.extract_strided_slice %get3A_1 {offsets = [0, 5824], sizes = [256, 32], strides = [1, 1]} : vector<256x6272xf32> to vector<256x32xf32>
    %reduce_min3A_728 = arith.constant dense<0x7F800000> : vector<256xf32>
    %reduce_min3A_729 = vector.multi_reduction <minimumf>, %slice3A_727, %reduce_min3A_728 [1] : vector<256x32xf32> to vector<256xf32>
    %broadcast_in_dim3A_730 = vector.shape_cast %reduce_min3A_729 : vector<256xf32> to vector<256x1xf32>
    %slice3A_731 = vector.extract_strided_slice %get3A_1 {offsets = [0, 5856], sizes = [256, 32], strides = [1, 1]} : vector<256x6272xf32> to vector<256x32xf32>
    %reduce_min3A_732 = arith.constant dense<0x7F800000> : vector<256xf32>
    %reduce_min3A_733 = vector.multi_reduction <minimumf>, %slice3A_731, %reduce_min3A_732 [1] : vector<256x32xf32> to vector<256xf32>
    %broadcast_in_dim3A_734 = vector.shape_cast %reduce_min3A_733 : vector<256xf32> to vector<256x1xf32>
    %slice3A_735 = vector.extract_strided_slice %get3A_1 {offsets = [0, 5888], sizes = [256, 32], strides = [1, 1]} : vector<256x6272xf32> to vector<256x32xf32>
    %reduce_min3A_736 = arith.constant dense<0x7F800000> : vector<256xf32>
    %reduce_min3A_737 = vector.multi_reduction <minimumf>, %slice3A_735, %reduce_min3A_736 [1] : vector<256x32xf32> to vector<256xf32>
    %broadcast_in_dim3A_738 = vector.shape_cast %reduce_min3A_737 : vector<256xf32> to vector<256x1xf32>
    %slice3A_739 = vector.extract_strided_slice %get3A_1 {offsets = [0, 5920], sizes = [256, 32], strides = [1, 1]} : vector<256x6272xf32> to vector<256x32xf32>
    %reduce_min3A_740 = arith.constant dense<0x7F800000> : vector<256xf32>
    %reduce_min3A_741 = vector.multi_reduction <minimumf>, %slice3A_739, %reduce_min3A_740 [1] : vector<256x32xf32> to vector<256xf32>
    %broadcast_in_dim3A_742 = vector.shape_cast %reduce_min3A_741 : vector<256xf32> to vector<256x1xf32>
    %slice3A_743 = vector.extract_strided_slice %get3A_1 {offsets = [0, 5952], sizes = [256, 32], strides = [1, 1]} : vector<256x6272xf32> to vector<256x32xf32>
    %reduce_min3A_744 = arith.constant dense<0x7F800000> : vector<256xf32>
    %reduce_min3A_745 = vector.multi_reduction <minimumf>, %slice3A_743, %reduce_min3A_744 [1] : vector<256x32xf32> to vector<256xf32>
    %broadcast_in_dim3A_746 = vector.shape_cast %reduce_min3A_745 : vector<256xf32> to vector<256x1xf32>
    %slice3A_747 = vector.extract_strided_slice %get3A_1 {offsets = [0, 5984], sizes = [256, 32], strides = [1, 1]} : vector<256x6272xf32> to vector<256x32xf32>
    %reduce_min3A_748 = arith.constant dense<0x7F800000> : vector<256xf32>
    %reduce_min3A_749 = vector.multi_reduction <minimumf>, %slice3A_747, %reduce_min3A_748 [1] : vector<256x32xf32> to vector<256xf32>
    %broadcast_in_dim3A_750 = vector.shape_cast %reduce_min3A_749 : vector<256xf32> to vector<256x1xf32>
    %slice3A_751 = vector.extract_strided_slice %get3A_1 {offsets = [0, 6016], sizes = [256, 32], strides = [1, 1]} : vector<256x6272xf32> to vector<256x32xf32>
    %reduce_min3A_752 = arith.constant dense<0x7F800000> : vector<256xf32>
    %reduce_min3A_753 = vector.multi_reduction <minimumf>, %slice3A_751, %reduce_min3A_752 [1] : vector<256x32xf32> to vector<256xf32>
    %broadcast_in_dim3A_754 = vector.shape_cast %reduce_min3A_753 : vector<256xf32> to vector<256x1xf32>
    %slice3A_755 = vector.extract_strided_slice %get3A_1 {offsets = [0, 6048], sizes = [256, 32], strides = [1, 1]} : vector<256x6272xf32> to vector<256x32xf32>
    %reduce_min3A_756 = arith.constant dense<0x7F800000> : vector<256xf32>
    %reduce_min3A_757 = vector.multi_reduction <minimumf>, %slice3A_755, %reduce_min3A_756 [1] : vector<256x32xf32> to vector<256xf32>
    %broadcast_in_dim3A_758 = vector.shape_cast %reduce_min3A_757 : vector<256xf32> to vector<256x1xf32>
    %slice3A_759 = vector.extract_strided_slice %get3A_1 {offsets = [0, 6080], sizes = [256, 32], strides = [1, 1]} : vector<256x6272xf32> to vector<256x32xf32>
    %reduce_min3A_760 = arith.constant dense<0x7F800000> : vector<256xf32>
    %reduce_min3A_761 = vector.multi_reduction <minimumf>, %slice3A_759, %reduce_min3A_760 [1] : vector<256x32xf32> to vector<256xf32>
    %broadcast_in_dim3A_762 = vector.shape_cast %reduce_min3A_761 : vector<256xf32> to vector<256x1xf32>
    %slice3A_763 = vector.extract_strided_slice %get3A_1 {offsets = [0, 6112], sizes = [256, 32], strides = [1, 1]} : vector<256x6272xf32> to vector<256x32xf32>
    %reduce_min3A_764 = arith.constant dense<0x7F800000> : vector<256xf32>
    %reduce_min3A_765 = vector.multi_reduction <minimumf>, %slice3A_763, %reduce_min3A_764 [1] : vector<256x32xf32> to vector<256xf32>
    %broadcast_in_dim3A_766 = vector.shape_cast %reduce_min3A_765 : vector<256xf32> to vector<256x1xf32>
    %slice3A_767 = vector.extract_strided_slice %get3A_1 {offsets = [0, 6144], sizes = [256, 32], strides = [1, 1]} : vector<256x6272xf32> to vector<256x32xf32>
    %reduce_min3A_768 = arith.constant dense<0x7F800000> : vector<256xf32>
    %reduce_min3A_769 = vector.multi_reduction <minimumf>, %slice3A_767, %reduce_min3A_768 [1] : vector<256x32xf32> to vector<256xf32>
    %broadcast_in_dim3A_770 = vector.shape_cast %reduce_min3A_769 : vector<256xf32> to vector<256x1xf32>
    %slice3A_771 = vector.extract_strided_slice %get3A_1 {offsets = [0, 6176], sizes = [256, 32], strides = [1, 1]} : vector<256x6272xf32> to vector<256x32xf32>
    %reduce_min3A_772 = arith.constant dense<0x7F800000> : vector<256xf32>
    %reduce_min3A_773 = vector.multi_reduction <minimumf>, %slice3A_771, %reduce_min3A_772 [1] : vector<256x32xf32> to vector<256xf32>
    %broadcast_in_dim3A_774 = vector.shape_cast %reduce_min3A_773 : vector<256xf32> to vector<256x1xf32>
    %slice3A_775 = vector.extract_strided_slice %get3A_1 {offsets = [0, 6208], sizes = [256, 32], strides = [1, 1]} : vector<256x6272xf32> to vector<256x32xf32>
    %reduce_min3A_776 = arith.constant dense<0x7F800000> : vector<256xf32>
    %reduce_min3A_777 = vector.multi_reduction <minimumf>, %slice3A_775, %reduce_min3A_776 [1] : vector<256x32xf32> to vector<256xf32>
    %broadcast_in_dim3A_778 = vector.shape_cast %reduce_min3A_777 : vector<256xf32> to vector<256x1xf32>
    %slice3A_779 = vector.extract_strided_slice %get3A_1 {offsets = [0, 6240], sizes = [256, 32], strides = [1, 1]} : vector<256x6272xf32> to vector<256x32xf32>
    %reduce_min3A_780 = arith.constant dense<0x7F800000> : vector<256xf32>
    %reduce_min3A_781 = vector.multi_reduction <minimumf>, %slice3A_779, %reduce_min3A_780 [1] : vector<256x32xf32> to vector<256xf32>
    %broadcast_in_dim3A_782 = vector.shape_cast %reduce_min3A_781 : vector<256xf32> to vector<256x1xf32>
    %broadcast_in_dim3A_783 = arith.constant 0x7F800000 : f32
    %broadcast_in_dim3A_784 = vector.broadcast %broadcast_in_dim3A_783 : f32 to vector<256x60xf32>
    %concatenate3A = tpu.concatenate %broadcast_in_dim3A, %broadcast_in_dim3A_6, %broadcast_in_dim3A_10, %broadcast_in_dim3A_14, %broadcast_in_dim3A_18, %broadcast_in_dim3A_22, %broadcast_in_dim3A_26, %broadcast_in_dim3A_30, %broadcast_in_dim3A_34, %broadcast_in_dim3A_38, %broadcast_in_dim3A_42, %broadcast_in_dim3A_46, %broadcast_in_dim3A_50, %broadcast_in_dim3A_54, %broadcast_in_dim3A_58, %broadcast_in_dim3A_62, %broadcast_in_dim3A_66, %broadcast_in_dim3A_70, %broadcast_in_dim3A_74, %broadcast_in_dim3A_78, %broadcast_in_dim3A_82, %broadcast_in_dim3A_86, %broadcast_in_dim3A_90, %broadcast_in_dim3A_94, %broadcast_in_dim3A_98, %broadcast_in_dim3A_102, %broadcast_in_dim3A_106, %broadcast_in_dim3A_110, %broadcast_in_dim3A_114, %broadcast_in_dim3A_118, %broadcast_in_dim3A_122, %broadcast_in_dim3A_126, %broadcast_in_dim3A_130, %broadcast_in_dim3A_134, %broadcast_in_dim3A_138, %broadcast_in_dim3A_142, %broadcast_in_dim3A_146, %broadcast_in_dim3A_150, %broadcast_in_dim3A_154, %broadcast_in_dim3A_158, %broadcast_in_dim3A_162, %broadcast_in_dim3A_166, %broadcast_in_dim3A_170, %broadcast_in_dim3A_174, %broadcast_in_dim3A_178, %broadcast_in_dim3A_182, %broadcast_in_dim3A_186, %broadcast_in_dim3A_190, %broadcast_in_dim3A_194, %broadcast_in_dim3A_198, %broadcast_in_dim3A_202, %broadcast_in_dim3A_206, %broadcast_in_dim3A_210, %broadcast_in_dim3A_214, %broadcast_in_dim3A_218, %broadcast_in_dim3A_222, %broadcast_in_dim3A_226, %broadcast_in_dim3A_230, %broadcast_in_dim3A_234, %broadcast_in_dim3A_238, %broadcast_in_dim3A_242, %broadcast_in_dim3A_246, %broadcast_in_dim3A_250, %broadcast_in_dim3A_254, %broadcast_in_dim3A_258, %broadcast_in_dim3A_262, %broadcast_in_dim3A_266, %broadcast_in_dim3A_270, %broadcast_in_dim3A_274, %broadcast_in_dim3A_278, %broadcast_in_dim3A_282, %broadcast_in_dim3A_286, %broadcast_in_dim3A_290, %broadcast_in_dim3A_294, %broadcast_in_dim3A_298, %broadcast_in_dim3A_302, %broadcast_in_dim3A_306, %broadcast_in_dim3A_310, %broadcast_in_dim3A_314, %broadcast_in_dim3A_318, %broadcast_in_dim3A_322, %broadcast_in_dim3A_326, %broadcast_in_dim3A_330, %broadcast_in_dim3A_334, %broadcast_in_dim3A_338, %broadcast_in_dim3A_342, %broadcast_in_dim3A_346, %broadcast_in_dim3A_350, %broadcast_in_dim3A_354, %broadcast_in_dim3A_358, %broadcast_in_dim3A_362, %broadcast_in_dim3A_366, %broadcast_in_dim3A_370, %broadcast_in_dim3A_374, %broadcast_in_dim3A_378, %broadcast_in_dim3A_382, %broadcast_in_dim3A_386, %broadcast_in_dim3A_390, %broadcast_in_dim3A_394, %broadcast_in_dim3A_398, %broadcast_in_dim3A_402, %broadcast_in_dim3A_406, %broadcast_in_dim3A_410, %broadcast_in_dim3A_414, %broadcast_in_dim3A_418, %broadcast_in_dim3A_422, %broadcast_in_dim3A_426, %broadcast_in_dim3A_430, %broadcast_in_dim3A_434, %broadcast_in_dim3A_438, %broadcast_in_dim3A_442, %broadcast_in_dim3A_446, %broadcast_in_dim3A_450, %broadcast_in_dim3A_454, %broadcast_in_dim3A_458, %broadcast_in_dim3A_462, %broadcast_in_dim3A_466, %broadcast_in_dim3A_470, %broadcast_in_dim3A_474, %broadcast_in_dim3A_478, %broadcast_in_dim3A_482, %broadcast_in_dim3A_486, %broadcast_in_dim3A_490, %broadcast_in_dim3A_494, %broadcast_in_dim3A_498, %broadcast_in_dim3A_502, %broadcast_in_dim3A_506, %broadcast_in_dim3A_510, %broadcast_in_dim3A_514, %broadcast_in_dim3A_518, %broadcast_in_dim3A_522, %broadcast_in_dim3A_526, %broadcast_in_dim3A_530, %broadcast_in_dim3A_534, %broadcast_in_dim3A_538, %broadcast_in_dim3A_542, %broadcast_in_dim3A_546, %broadcast_in_dim3A_550, %broadcast_in_dim3A_554, %broadcast_in_dim3A_558, %broadcast_in_dim3A_562, %broadcast_in_dim3A_566, %broadcast_in_dim3A_570, %broadcast_in_dim3A_574, %broadcast_in_dim3A_578, %broadcast_in_dim3A_582, %broadcast_in_dim3A_586, %broadcast_in_dim3A_590, %broadcast_in_dim3A_594, %broadcast_in_dim3A_598, %broadcast_in_dim3A_602, %broadcast_in_dim3A_606, %broadcast_in_dim3A_610, %broadcast_in_dim3A_614, %broadcast_in_dim3A_618, %broadcast_in_dim3A_622, %broadcast_in_dim3A_626, %broadcast_in_dim3A_630, %broadcast_in_dim3A_634, %broadcast_in_dim3A_638, %broadcast_in_dim3A_642, %broadcast_in_dim3A_646, %broadcast_in_dim3A_650, %broadcast_in_dim3A_654, %broadcast_in_dim3A_658, %broadcast_in_dim3A_662, %broadcast_in_dim3A_666, %broadcast_in_dim3A_670, %broadcast_in_dim3A_674, %broadcast_in_dim3A_678, %broadcast_in_dim3A_682, %broadcast_in_dim3A_686, %broadcast_in_dim3A_690, %broadcast_in_dim3A_694, %broadcast_in_dim3A_698, %broadcast_in_dim3A_702, %broadcast_in_dim3A_706, %broadcast_in_dim3A_710, %broadcast_in_dim3A_714, %broadcast_in_dim3A_718, %broadcast_in_dim3A_722, %broadcast_in_dim3A_726, %broadcast_in_dim3A_730, %broadcast_in_dim3A_734, %broadcast_in_dim3A_738, %broadcast_in_dim3A_742, %broadcast_in_dim3A_746, %broadcast_in_dim3A_750, %broadcast_in_dim3A_754, %broadcast_in_dim3A_758, %broadcast_in_dim3A_762, %broadcast_in_dim3A_766, %broadcast_in_dim3A_770, %broadcast_in_dim3A_774, %broadcast_in_dim3A_778, %broadcast_in_dim3A_782, %broadcast_in_dim3A_784 in 1 : vector<256x1xf32>, vector<256x1xf32>, vector<256x1xf32>, vector<256x1xf32>, vector<256x1xf32>, vector<256x1xf32>, vector<256x1xf32>, vector<256x1xf32>, vector<256x1xf32>, vector<256x1xf32>, vector<256x1xf32>, vector<256x1xf32>, vector<256x1xf32>, vector<256x1xf32>, vector<256x1xf32>, vector<256x1xf32>, vector<256x1xf32>, vector<256x1xf32>, vector<256x1xf32>, vector<256x1xf32>, vector<256x1xf32>, vector<256x1xf32>, vector<256x1xf32>, vector<256x1xf32>, vector<256x1xf32>, vector<256x1xf32>, vector<256x1xf32>, vector<256x1xf32>, vector<256x1xf32>, vector<256x1xf32>, vector<256x1xf32>, vector<256x1xf32>, vector<256x1xf32>, vector<256x1xf32>, vector<256x1xf32>, vector<256x1xf32>, vector<256x1xf32>, vector<256x1xf32>, vector<256x1xf32>, vector<256x1xf32>, vector<256x1xf32>, vector<256x1xf32>, vector<256x1xf32>, vector<256x1xf32>, vector<256x1xf32>, vector<256x1xf32>, vector<256x1xf32>, vector<256x1xf32>, vector<256x1xf32>, vector<256x1xf32>, vector<256x1xf32>, vector<256x1xf32>, vector<256x1xf32>, vector<256x1xf32>, vector<256x1xf32>, vector<256x1xf32>, vector<256x1xf32>, vector<256x1xf32>, vector<256x1xf32>, vector<256x1xf32>, vector<256x1xf32>, vector<256x1xf32>, vector<256x1xf32>, vector<256x1xf32>, vector<256x1xf32>, vector<256x1xf32>, vector<256x1xf32>, vector<256x1xf32>, vector<256x1xf32>, vector<256x1xf32>, vector<256x1xf32>, vector<256x1xf32>, vector<256x1xf32>, vector<256x1xf32>, vector<256x1xf32>, vector<256x1xf32>, vector<256x1xf32>, vector<256x1xf32>, vector<256x1xf32>, vector<256x1xf32>, vector<256x1xf32>, vector<256x1xf32>, vector<256x1xf32>, vector<256x1xf32>, vector<256x1xf32>, vector<256x1xf32>, vector<256x1xf32>, vector<256x1xf32>, vector<256x1xf32>, vector<256x1xf32>, vector<256x1xf32>, vector<256x1xf32>, vector<256x1xf32>, vector<256x1xf32>, vector<256x1xf32>, vector<256x1xf32>, vector<256x1xf32>, vector<256x1xf32>, vector<256x1xf32>, vector<256x1xf32>, vector<256x1xf32>, vector<256x1xf32>, vector<256x1xf32>, vector<256x1xf32>, vector<256x1xf32>, vector<256x1xf32>, vector<256x1xf32>, vector<256x1xf32>, vector<256x1xf32>, vector<256x1xf32>, vector<256x1xf32>, vector<256x1xf32>, vector<256x1xf32>, vector<256x1xf32>, vector<256x1xf32>, vector<256x1xf32>, vector<256x1xf32>, vector<256x1xf32>, vector<256x1xf32>, vector<256x1xf32>, vector<256x1xf32>, vector<256x1xf32>, vector<256x1xf32>, vector<256x1xf32>, vector<256x1xf32>, vector<256x1xf32>, vector<256x1xf32>, vector<256x1xf32>, vector<256x1xf32>, vector<256x1xf32>, vector<256x1xf32>, vector<256x1xf32>, vector<256x1xf32>, vector<256x1xf32>, vector<256x1xf32>, vector<256x1xf32>, vector<256x1xf32>, vector<256x1xf32>, vector<256x1xf32>, vector<256x1xf32>, vector<256x1xf32>, vector<256x1xf32>, vector<256x1xf32>, vector<256x1xf32>, vector<256x1xf32>, vector<256x1xf32>, vector<256x1xf32>, vector<256x1xf32>, vector<256x1xf32>, vector<256x1xf32>, vector<256x1xf32>, vector<256x1xf32>, vector<256x1xf32>, vector<256x1xf32>, vector<256x1xf32>, vector<256x1xf32>, vector<256x1xf32>, vector<256x1xf32>, vector<256x1xf32>, vector<256x1xf32>, vector<256x1xf32>, vector<256x1xf32>, vector<256x1xf32>, vector<256x1xf32>, vector<256x1xf32>, vector<256x1xf32>, vector<256x1xf32>, vector<256x1xf32>, vector<256x1xf32>, vector<256x1xf32>, vector<256x1xf32>, vector<256x1xf32>, vector<256x1xf32>, vector<256x1xf32>, vector<256x1xf32>, vector<256x1xf32>, vector<256x1xf32>, vector<256x1xf32>, vector<256x1xf32>, vector<256x1xf32>, vector<256x1xf32>, vector<256x1xf32>, vector<256x1xf32>, vector<256x1xf32>, vector<256x1xf32>, vector<256x1xf32>, vector<256x1xf32>, vector<256x1xf32>, vector<256x1xf32>, vector<256x1xf32>, vector<256x1xf32>, vector<256x1xf32>, vector<256x1xf32>, vector<256x1xf32>, vector<256x1xf32>, vector<256x1xf32>, vector<256x60xf32> -> vector<256x256xf32>
    %reduce_min3A_785 = arith.constant dense<0x7F800000> : vector<256xf32>
    %reduce_min3A_786 = vector.multi_reduction <minimumf>, %concatenate3A, %reduce_min3A_785 [1] : vector<256x256xf32> to vector<256xf32>
    %broadcast_in_dim3A_787 = vector.shape_cast %reduce_min3A_786 : vector<256xf32> to vector<256x1xf32>
    %eq3A = vector.broadcast %broadcast_in_dim3A_787 : vector<256x1xf32> to vector<256x256xf32>
    %eq3A_788 = arith.cmpf oeq, %concatenate3A, %eq3A : vector<256x256xf32>
    %jit3A = arith.constant 0x7F800000 : f32
    %broadcast_in_dim3A_789 = vector.broadcast %jit3A : f32 to vector<256x256xf32>
    %select_n3A = arith.select %eq3A_788, %broadcast_in_dim3A_789, %concatenate3A : vector<256x256xi1>, vector<256x256xf32>
    %reduce_min3A_790 = arith.constant dense<0x7F800000> : vector<256xf32>
    %reduce_min3A_791 = vector.multi_reduction <minimumf>, %select_n3A, %reduce_min3A_790 [1] : vector<256x256xf32> to vector<256xf32>
    %broadcast_in_dim3A_792 = vector.shape_cast %reduce_min3A_791 : vector<256xf32> to vector<256x1xf32>
    %eq3A_793 = vector.broadcast %broadcast_in_dim3A_792 : vector<256x1xf32> to vector<256x256xf32>
    %eq3A_794 = arith.cmpf oeq, %select_n3A, %eq3A_793 : vector<256x256xf32>
    %jit3A_795 = arith.constant 0x7F800000 : f32
    %broadcast_in_dim3A_796 = vector.broadcast %jit3A_795 : f32 to vector<256x256xf32>
    %select_n3A_797 = arith.select %eq3A_794, %broadcast_in_dim3A_796, %select_n3A : vector<256x256xi1>, vector<256x256xf32>
    %reduce_min3A_798 = arith.constant dense<0x7F800000> : vector<256xf32>
    %reduce_min3A_799 = vector.multi_reduction <minimumf>, %select_n3A_797, %reduce_min3A_798 [1] : vector<256x256xf32> to vector<256xf32>
    %broadcast_in_dim3A_800 = vector.shape_cast %reduce_min3A_799 : vector<256xf32> to vector<256x1xf32>
    %eq3A_801 = vector.broadcast %broadcast_in_dim3A_800 : vector<256x1xf32> to vector<256x256xf32>
    %eq3A_802 = arith.cmpf oeq, %select_n3A_797, %eq3A_801 : vector<256x256xf32>
    %jit3A_803 = arith.constant 0x7F800000 : f32
    %broadcast_in_dim3A_804 = vector.broadcast %jit3A_803 : f32 to vector<256x256xf32>
    %select_n3A_805 = arith.select %eq3A_802, %broadcast_in_dim3A_804, %select_n3A_797 : vector<256x256xi1>, vector<256x256xf32>
    %reduce_min3A_806 = arith.constant dense<0x7F800000> : vector<256xf32>
    %reduce_min3A_807 = vector.multi_reduction <minimumf>, %select_n3A_805, %reduce_min3A_806 [1] : vector<256x256xf32> to vector<256xf32>
    %broadcast_in_dim3A_808 = vector.shape_cast %reduce_min3A_807 : vector<256xf32> to vector<256x1xf32>
    %eq3A_809 = vector.broadcast %broadcast_in_dim3A_808 : vector<256x1xf32> to vector<256x256xf32>
    %eq3A_810 = arith.cmpf oeq, %select_n3A_805, %eq3A_809 : vector<256x256xf32>
    %jit3A_811 = arith.constant 0x7F800000 : f32
    %broadcast_in_dim3A_812 = vector.broadcast %jit3A_811 : f32 to vector<256x256xf32>
    %select_n3A_813 = arith.select %eq3A_810, %broadcast_in_dim3A_812, %select_n3A_805 : vector<256x256xi1>, vector<256x256xf32>
    %reduce_min3A_814 = arith.constant dense<0x7F800000> : vector<256xf32>
    %reduce_min3A_815 = vector.multi_reduction <minimumf>, %select_n3A_813, %reduce_min3A_814 [1] : vector<256x256xf32> to vector<256xf32>
    %broadcast_in_dim3A_816 = vector.shape_cast %reduce_min3A_815 : vector<256xf32> to vector<256x1xf32>
    %eq3A_817 = vector.broadcast %broadcast_in_dim3A_816 : vector<256x1xf32> to vector<256x256xf32>
    %eq3A_818 = arith.cmpf oeq, %select_n3A_813, %eq3A_817 : vector<256x256xf32>
    %jit3A_819 = arith.constant 0x7F800000 : f32
    %broadcast_in_dim3A_820 = vector.broadcast %jit3A_819 : f32 to vector<256x256xf32>
    %select_n3A_821 = arith.select %eq3A_818, %broadcast_in_dim3A_820, %select_n3A_813 : vector<256x256xi1>, vector<256x256xf32>
    %reduce_min3A_822 = arith.constant dense<0x7F800000> : vector<256xf32>
    %reduce_min3A_823 = vector.multi_reduction <minimumf>, %select_n3A_821, %reduce_min3A_822 [1] : vector<256x256xf32> to vector<256xf32>
    %broadcast_in_dim3A_824 = vector.shape_cast %reduce_min3A_823 : vector<256xf32> to vector<256x1xf32>
    %eq3A_825 = vector.broadcast %broadcast_in_dim3A_824 : vector<256x1xf32> to vector<256x256xf32>
    %eq3A_826 = arith.cmpf oeq, %select_n3A_821, %eq3A_825 : vector<256x256xf32>
    %jit3A_827 = arith.constant 0x7F800000 : f32
    %broadcast_in_dim3A_828 = vector.broadcast %jit3A_827 : f32 to vector<256x256xf32>
    %select_n3A_829 = arith.select %eq3A_826, %broadcast_in_dim3A_828, %select_n3A_821 : vector<256x256xi1>, vector<256x256xf32>
    %reduce_min3A_830 = arith.constant dense<0x7F800000> : vector<256xf32>
    %reduce_min3A_831 = vector.multi_reduction <minimumf>, %select_n3A_829, %reduce_min3A_830 [1] : vector<256x256xf32> to vector<256xf32>
    %broadcast_in_dim3A_832 = vector.shape_cast %reduce_min3A_831 : vector<256xf32> to vector<256x1xf32>
    %eq3A_833 = vector.broadcast %broadcast_in_dim3A_832 : vector<256x1xf32> to vector<256x256xf32>
    %eq3A_834 = arith.cmpf oeq, %select_n3A_829, %eq3A_833 : vector<256x256xf32>
    %jit3A_835 = arith.constant 0x7F800000 : f32
    %broadcast_in_dim3A_836 = vector.broadcast %jit3A_835 : f32 to vector<256x256xf32>
    %select_n3A_837 = arith.select %eq3A_834, %broadcast_in_dim3A_836, %select_n3A_829 : vector<256x256xi1>, vector<256x256xf32>
    %reduce_min3A_838 = arith.constant dense<0x7F800000> : vector<256xf32>
    %reduce_min3A_839 = vector.multi_reduction <minimumf>, %select_n3A_837, %reduce_min3A_838 [1] : vector<256x256xf32> to vector<256xf32>
    %broadcast_in_dim3A_840 = vector.shape_cast %reduce_min3A_839 : vector<256xf32> to vector<256x1xf32>
    %eq3A_841 = vector.broadcast %broadcast_in_dim3A_840 : vector<256x1xf32> to vector<256x256xf32>
    %eq3A_842 = arith.cmpf oeq, %select_n3A_837, %eq3A_841 : vector<256x256xf32>
    %jit3A_843 = arith.constant 0x7F800000 : f32
    %broadcast_in_dim3A_844 = vector.broadcast %jit3A_843 : f32 to vector<256x256xf32>
    %select_n3A_845 = arith.select %eq3A_842, %broadcast_in_dim3A_844, %select_n3A_837 : vector<256x256xi1>, vector<256x256xf32>
    %reduce_min3A_846 = arith.constant dense<0x7F800000> : vector<256xf32>
    %reduce_min3A_847 = vector.multi_reduction <minimumf>, %select_n3A_845, %reduce_min3A_846 [1] : vector<256x256xf32> to vector<256xf32>
    %broadcast_in_dim3A_848 = vector.shape_cast %reduce_min3A_847 : vector<256xf32> to vector<256x1xf32>
    %eq3A_849 = vector.broadcast %broadcast_in_dim3A_848 : vector<256x1xf32> to vector<256x256xf32>
    %eq3A_850 = arith.cmpf oeq, %select_n3A_845, %eq3A_849 : vector<256x256xf32>
    %jit3A_851 = arith.constant 0x7F800000 : f32
    %broadcast_in_dim3A_852 = vector.broadcast %jit3A_851 : f32 to vector<256x256xf32>
    %select_n3A_853 = arith.select %eq3A_850, %broadcast_in_dim3A_852, %select_n3A_845 : vector<256x256xi1>, vector<256x256xf32>
    %reduce_min3A_854 = arith.constant dense<0x7F800000> : vector<256xf32>
    %reduce_min3A_855 = vector.multi_reduction <minimumf>, %select_n3A_853, %reduce_min3A_854 [1] : vector<256x256xf32> to vector<256xf32>
    %broadcast_in_dim3A_856 = vector.shape_cast %reduce_min3A_855 : vector<256xf32> to vector<256x1xf32>
    %eq3A_857 = vector.broadcast %broadcast_in_dim3A_856 : vector<256x1xf32> to vector<256x256xf32>
    %eq3A_858 = arith.cmpf oeq, %select_n3A_853, %eq3A_857 : vector<256x256xf32>
    %jit3A_859 = arith.constant 0x7F800000 : f32
    %broadcast_in_dim3A_860 = vector.broadcast %jit3A_859 : f32 to vector<256x256xf32>
    %select_n3A_861 = arith.select %eq3A_858, %broadcast_in_dim3A_860, %select_n3A_853 : vector<256x256xi1>, vector<256x256xf32>
    %reduce_min3A_862 = arith.constant dense<0x7F800000> : vector<256xf32>
    %reduce_min3A_863 = vector.multi_reduction <minimumf>, %select_n3A_861, %reduce_min3A_862 [1] : vector<256x256xf32> to vector<256xf32>
    %broadcast_in_dim3A_864 = vector.shape_cast %reduce_min3A_863 : vector<256xf32> to vector<256x1xf32>
    %eq3A_865 = vector.broadcast %broadcast_in_dim3A_864 : vector<256x1xf32> to vector<256x256xf32>
    %eq3A_866 = arith.cmpf oeq, %select_n3A_861, %eq3A_865 : vector<256x256xf32>
    %jit3A_867 = arith.constant 0x7F800000 : f32
    %broadcast_in_dim3A_868 = vector.broadcast %jit3A_867 : f32 to vector<256x256xf32>
    %select_n3A_869 = arith.select %eq3A_866, %broadcast_in_dim3A_868, %select_n3A_861 : vector<256x256xi1>, vector<256x256xf32>
    %reduce_min3A_870 = arith.constant dense<0x7F800000> : vector<256xf32>
    %reduce_min3A_871 = vector.multi_reduction <minimumf>, %select_n3A_869, %reduce_min3A_870 [1] : vector<256x256xf32> to vector<256xf32>
    %broadcast_in_dim3A_872 = vector.shape_cast %reduce_min3A_871 : vector<256xf32> to vector<256x1xf32>
    %eq3A_873 = vector.broadcast %broadcast_in_dim3A_872 : vector<256x1xf32> to vector<256x256xf32>
    %eq3A_874 = arith.cmpf oeq, %select_n3A_869, %eq3A_873 : vector<256x256xf32>
    %jit3A_875 = arith.constant 0x7F800000 : f32
    %broadcast_in_dim3A_876 = vector.broadcast %jit3A_875 : f32 to vector<256x256xf32>
    %select_n3A_877 = arith.select %eq3A_874, %broadcast_in_dim3A_876, %select_n3A_869 : vector<256x256xi1>, vector<256x256xf32>
    %reduce_min3A_878 = arith.constant dense<0x7F800000> : vector<256xf32>
    %reduce_min3A_879 = vector.multi_reduction <minimumf>, %select_n3A_877, %reduce_min3A_878 [1] : vector<256x256xf32> to vector<256xf32>
    %broadcast_in_dim3A_880 = vector.shape_cast %reduce_min3A_879 : vector<256xf32> to vector<256x1xf32>
    %eq3A_881 = vector.broadcast %broadcast_in_dim3A_880 : vector<256x1xf32> to vector<256x256xf32>
    %eq3A_882 = arith.cmpf oeq, %select_n3A_877, %eq3A_881 : vector<256x256xf32>
    %jit3A_883 = arith.constant 0x7F800000 : f32
    %broadcast_in_dim3A_884 = vector.broadcast %jit3A_883 : f32 to vector<256x256xf32>
    %select_n3A_885 = arith.select %eq3A_882, %broadcast_in_dim3A_884, %select_n3A_877 : vector<256x256xi1>, vector<256x256xf32>
    %reduce_min3A_886 = arith.constant dense<0x7F800000> : vector<256xf32>
    %reduce_min3A_887 = vector.multi_reduction <minimumf>, %select_n3A_885, %reduce_min3A_886 [1] : vector<256x256xf32> to vector<256xf32>
    %broadcast_in_dim3A_888 = vector.shape_cast %reduce_min3A_887 : vector<256xf32> to vector<256x1xf32>
    %eq3A_889 = vector.broadcast %broadcast_in_dim3A_888 : vector<256x1xf32> to vector<256x256xf32>
    %eq3A_890 = arith.cmpf oeq, %select_n3A_885, %eq3A_889 : vector<256x256xf32>
    %jit3A_891 = arith.constant 0x7F800000 : f32
    %broadcast_in_dim3A_892 = vector.broadcast %jit3A_891 : f32 to vector<256x256xf32>
    %select_n3A_893 = arith.select %eq3A_890, %broadcast_in_dim3A_892, %select_n3A_885 : vector<256x256xi1>, vector<256x256xf32>
    %reduce_min3A_894 = arith.constant dense<0x7F800000> : vector<256xf32>
    %reduce_min3A_895 = vector.multi_reduction <minimumf>, %select_n3A_893, %reduce_min3A_894 [1] : vector<256x256xf32> to vector<256xf32>
    %broadcast_in_dim3A_896 = vector.shape_cast %reduce_min3A_895 : vector<256xf32> to vector<256x1xf32>
    %eq3A_897 = vector.broadcast %broadcast_in_dim3A_896 : vector<256x1xf32> to vector<256x256xf32>
    %eq3A_898 = arith.cmpf oeq, %select_n3A_893, %eq3A_897 : vector<256x256xf32>
    %jit3A_899 = arith.constant 0x7F800000 : f32
    %broadcast_in_dim3A_900 = vector.broadcast %jit3A_899 : f32 to vector<256x256xf32>
    %select_n3A_901 = arith.select %eq3A_898, %broadcast_in_dim3A_900, %select_n3A_893 : vector<256x256xi1>, vector<256x256xf32>
    %reduce_min3A_902 = arith.constant dense<0x7F800000> : vector<256xf32>
    %reduce_min3A_903 = vector.multi_reduction <minimumf>, %select_n3A_901, %reduce_min3A_902 [1] : vector<256x256xf32> to vector<256xf32>
    %broadcast_in_dim3A_904 = vector.shape_cast %reduce_min3A_903 : vector<256xf32> to vector<256x1xf32>
    %eq3A_905 = vector.broadcast %broadcast_in_dim3A_904 : vector<256x1xf32> to vector<256x256xf32>
    %eq3A_906 = arith.cmpf oeq, %select_n3A_901, %eq3A_905 : vector<256x256xf32>
    %jit3A_907 = arith.constant 0x7F800000 : f32
    %broadcast_in_dim3A_908 = vector.broadcast %jit3A_907 : f32 to vector<256x256xf32>
    %select_n3A_909 = arith.select %eq3A_906, %broadcast_in_dim3A_908, %select_n3A_901 : vector<256x256xi1>, vector<256x256xf32>
    %reduce_min3A_910 = arith.constant dense<0x7F800000> : vector<256xf32>
    %reduce_min3A_911 = vector.multi_reduction <minimumf>, %select_n3A_909, %reduce_min3A_910 [1] : vector<256x256xf32> to vector<256xf32>
    %broadcast_in_dim3A_912 = vector.shape_cast %reduce_min3A_911 : vector<256xf32> to vector<256x1xf32>
    %eq3A_913 = vector.broadcast %broadcast_in_dim3A_912 : vector<256x1xf32> to vector<256x256xf32>
    %eq3A_914 = arith.cmpf oeq, %select_n3A_909, %eq3A_913 : vector<256x256xf32>
    %jit3A_915 = arith.constant 0x7F800000 : f32
    %broadcast_in_dim3A_916 = vector.broadcast %jit3A_915 : f32 to vector<256x256xf32>
    %select_n3A_917 = arith.select %eq3A_914, %broadcast_in_dim3A_916, %select_n3A_909 : vector<256x256xi1>, vector<256x256xf32>
    %reduce_min3A_918 = arith.constant dense<0x7F800000> : vector<256xf32>
    %reduce_min3A_919 = vector.multi_reduction <minimumf>, %select_n3A_917, %reduce_min3A_918 [1] : vector<256x256xf32> to vector<256xf32>
    %broadcast_in_dim3A_920 = vector.shape_cast %reduce_min3A_919 : vector<256xf32> to vector<256x1xf32>
    %eq3A_921 = vector.broadcast %broadcast_in_dim3A_920 : vector<256x1xf32> to vector<256x256xf32>
    %eq3A_922 = arith.cmpf oeq, %select_n3A_917, %eq3A_921 : vector<256x256xf32>
    %jit3A_923 = arith.constant 0x7F800000 : f32
    %broadcast_in_dim3A_924 = vector.broadcast %jit3A_923 : f32 to vector<256x256xf32>
    %select_n3A_925 = arith.select %eq3A_922, %broadcast_in_dim3A_924, %select_n3A_917 : vector<256x256xi1>, vector<256x256xf32>
    %reduce_min3A_926 = arith.constant dense<0x7F800000> : vector<256xf32>
    %reduce_min3A_927 = vector.multi_reduction <minimumf>, %select_n3A_925, %reduce_min3A_926 [1] : vector<256x256xf32> to vector<256xf32>
    %broadcast_in_dim3A_928 = vector.shape_cast %reduce_min3A_927 : vector<256xf32> to vector<256x1xf32>
    %eq3A_929 = vector.broadcast %broadcast_in_dim3A_928 : vector<256x1xf32> to vector<256x256xf32>
    %eq3A_930 = arith.cmpf oeq, %select_n3A_925, %eq3A_929 : vector<256x256xf32>
    %jit3A_931 = arith.constant 0x7F800000 : f32
    %broadcast_in_dim3A_932 = vector.broadcast %jit3A_931 : f32 to vector<256x256xf32>
    %select_n3A_933 = arith.select %eq3A_930, %broadcast_in_dim3A_932, %select_n3A_925 : vector<256x256xi1>, vector<256x256xf32>
    %reduce_min3A_934 = arith.constant dense<0x7F800000> : vector<256xf32>
    %reduce_min3A_935 = vector.multi_reduction <minimumf>, %select_n3A_933, %reduce_min3A_934 [1] : vector<256x256xf32> to vector<256xf32>
    %broadcast_in_dim3A_936 = vector.shape_cast %reduce_min3A_935 : vector<256xf32> to vector<256x1xf32>
    %eq3A_937 = vector.broadcast %broadcast_in_dim3A_936 : vector<256x1xf32> to vector<256x256xf32>
    %eq3A_938 = arith.cmpf oeq, %select_n3A_933, %eq3A_937 : vector<256x256xf32>
    %jit3A_939 = arith.constant 0x7F800000 : f32
    %broadcast_in_dim3A_940 = vector.broadcast %jit3A_939 : f32 to vector<256x256xf32>
    %select_n3A_941 = arith.select %eq3A_938, %broadcast_in_dim3A_940, %select_n3A_933 : vector<256x256xi1>, vector<256x256xf32>
    %reduce_min3A_942 = arith.constant dense<0x7F800000> : vector<256xf32>
    %reduce_min3A_943 = vector.multi_reduction <minimumf>, %select_n3A_941, %reduce_min3A_942 [1] : vector<256x256xf32> to vector<256xf32>
    %broadcast_in_dim3A_944 = vector.shape_cast %reduce_min3A_943 : vector<256xf32> to vector<256x1xf32>
    %eq3A_945 = vector.broadcast %broadcast_in_dim3A_944 : vector<256x1xf32> to vector<256x256xf32>
    %eq3A_946 = arith.cmpf oeq, %select_n3A_941, %eq3A_945 : vector<256x256xf32>
    %jit3A_947 = arith.constant 0x7F800000 : f32
    %broadcast_in_dim3A_948 = vector.broadcast %jit3A_947 : f32 to vector<256x256xf32>
    %select_n3A_949 = arith.select %eq3A_946, %broadcast_in_dim3A_948, %select_n3A_941 : vector<256x256xi1>, vector<256x256xf32>
    %reduce_min3A_950 = arith.constant dense<0x7F800000> : vector<256xf32>
    %reduce_min3A_951 = vector.multi_reduction <minimumf>, %select_n3A_949, %reduce_min3A_950 [1] : vector<256x256xf32> to vector<256xf32>
    %broadcast_in_dim3A_952 = vector.shape_cast %reduce_min3A_951 : vector<256xf32> to vector<256x1xf32>
    %eq3A_953 = vector.broadcast %broadcast_in_dim3A_952 : vector<256x1xf32> to vector<256x256xf32>
    %eq3A_954 = arith.cmpf oeq, %select_n3A_949, %eq3A_953 : vector<256x256xf32>
    %jit3A_955 = arith.constant 0x7F800000 : f32
    %broadcast_in_dim3A_956 = vector.broadcast %jit3A_955 : f32 to vector<256x256xf32>
    %select_n3A_957 = arith.select %eq3A_954, %broadcast_in_dim3A_956, %select_n3A_949 : vector<256x256xi1>, vector<256x256xf32>
    %reduce_min3A_958 = arith.constant dense<0x7F800000> : vector<256xf32>
    %reduce_min3A_959 = vector.multi_reduction <minimumf>, %select_n3A_957, %reduce_min3A_958 [1] : vector<256x256xf32> to vector<256xf32>
    %broadcast_in_dim3A_960 = vector.shape_cast %reduce_min3A_959 : vector<256xf32> to vector<256x1xf32>
    %eq3A_961 = vector.broadcast %broadcast_in_dim3A_960 : vector<256x1xf32> to vector<256x256xf32>
    %eq3A_962 = arith.cmpf oeq, %select_n3A_957, %eq3A_961 : vector<256x256xf32>
    %jit3A_963 = arith.constant 0x7F800000 : f32
    %broadcast_in_dim3A_964 = vector.broadcast %jit3A_963 : f32 to vector<256x256xf32>
    %select_n3A_965 = arith.select %eq3A_962, %broadcast_in_dim3A_964, %select_n3A_957 : vector<256x256xi1>, vector<256x256xf32>
    %reduce_min3A_966 = arith.constant dense<0x7F800000> : vector<256xf32>
    %reduce_min3A_967 = vector.multi_reduction <minimumf>, %select_n3A_965, %reduce_min3A_966 [1] : vector<256x256xf32> to vector<256xf32>
    %broadcast_in_dim3A_968 = vector.shape_cast %reduce_min3A_967 : vector<256xf32> to vector<256x1xf32>
    %eq3A_969 = vector.broadcast %broadcast_in_dim3A_968 : vector<256x1xf32> to vector<256x256xf32>
    %eq3A_970 = arith.cmpf oeq, %select_n3A_965, %eq3A_969 : vector<256x256xf32>
    %jit3A_971 = arith.constant 0x7F800000 : f32
    %broadcast_in_dim3A_972 = vector.broadcast %jit3A_971 : f32 to vector<256x256xf32>
    %select_n3A_973 = arith.select %eq3A_970, %broadcast_in_dim3A_972, %select_n3A_965 : vector<256x256xi1>, vector<256x256xf32>
    %reduce_min3A_974 = arith.constant dense<0x7F800000> : vector<256xf32>
    %reduce_min3A_975 = vector.multi_reduction <minimumf>, %select_n3A_973, %reduce_min3A_974 [1] : vector<256x256xf32> to vector<256xf32>
    %broadcast_in_dim3A_976 = vector.shape_cast %reduce_min3A_975 : vector<256xf32> to vector<256x1xf32>
    %eq3A_977 = vector.broadcast %broadcast_in_dim3A_976 : vector<256x1xf32> to vector<256x256xf32>
    %eq3A_978 = arith.cmpf oeq, %select_n3A_973, %eq3A_977 : vector<256x256xf32>
    %jit3A_979 = arith.constant 0x7F800000 : f32
    %broadcast_in_dim3A_980 = vector.broadcast %jit3A_979 : f32 to vector<256x256xf32>
    %select_n3A_981 = arith.select %eq3A_978, %broadcast_in_dim3A_980, %select_n3A_973 : vector<256x256xi1>, vector<256x256xf32>
    %reduce_min3A_982 = arith.constant dense<0x7F800000> : vector<256xf32>
    %reduce_min3A_983 = vector.multi_reduction <minimumf>, %select_n3A_981, %reduce_min3A_982 [1] : vector<256x256xf32> to vector<256xf32>
    %broadcast_in_dim3A_984 = vector.shape_cast %reduce_min3A_983 : vector<256xf32> to vector<256x1xf32>
    %eq3A_985 = vector.broadcast %broadcast_in_dim3A_984 : vector<256x1xf32> to vector<256x256xf32>
    %eq3A_986 = arith.cmpf oeq, %select_n3A_981, %eq3A_985 : vector<256x256xf32>
    %jit3A_987 = arith.constant 0x7F800000 : f32
    %broadcast_in_dim3A_988 = vector.broadcast %jit3A_987 : f32 to vector<256x256xf32>
    %select_n3A_989 = arith.select %eq3A_986, %broadcast_in_dim3A_988, %select_n3A_981 : vector<256x256xi1>, vector<256x256xf32>
    %reduce_min3A_990 = arith.constant dense<0x7F800000> : vector<256xf32>
    %reduce_min3A_991 = vector.multi_reduction <minimumf>, %select_n3A_989, %reduce_min3A_990 [1] : vector<256x256xf32> to vector<256xf32>
    %broadcast_in_dim3A_992 = vector.shape_cast %reduce_min3A_991 : vector<256xf32> to vector<256x1xf32>
    %eq3A_993 = vector.broadcast %broadcast_in_dim3A_992 : vector<256x1xf32> to vector<256x256xf32>
    %eq3A_994 = arith.cmpf oeq, %select_n3A_989, %eq3A_993 : vector<256x256xf32>
    %jit3A_995 = arith.constant 0x7F800000 : f32
    %broadcast_in_dim3A_996 = vector.broadcast %jit3A_995 : f32 to vector<256x256xf32>
    %select_n3A_997 = arith.select %eq3A_994, %broadcast_in_dim3A_996, %select_n3A_989 : vector<256x256xi1>, vector<256x256xf32>
    %reduce_min3A_998 = arith.constant dense<0x7F800000> : vector<256xf32>
    %reduce_min3A_999 = vector.multi_reduction <minimumf>, %select_n3A_997, %reduce_min3A_998 [1] : vector<256x256xf32> to vector<256xf32>
    %broadcast_in_dim3A_1000 = vector.shape_cast %reduce_min3A_999 : vector<256xf32> to vector<256x1xf32>
    %eq3A_1001 = vector.broadcast %broadcast_in_dim3A_1000 : vector<256x1xf32> to vector<256x256xf32>
    %eq3A_1002 = arith.cmpf oeq, %select_n3A_997, %eq3A_1001 : vector<256x256xf32>
    %jit3A_1003 = arith.constant 0x7F800000 : f32
    %broadcast_in_dim3A_1004 = vector.broadcast %jit3A_1003 : f32 to vector<256x256xf32>
    %select_n3A_1005 = arith.select %eq3A_1002, %broadcast_in_dim3A_1004, %select_n3A_997 : vector<256x256xi1>, vector<256x256xf32>
    %reduce_min3A_1006 = arith.constant dense<0x7F800000> : vector<256xf32>
    %reduce_min3A_1007 = vector.multi_reduction <minimumf>, %select_n3A_1005, %reduce_min3A_1006 [1] : vector<256x256xf32> to vector<256xf32>
    %broadcast_in_dim3A_1008 = vector.shape_cast %reduce_min3A_1007 : vector<256xf32> to vector<256x1xf32>
    %eq3A_1009 = vector.broadcast %broadcast_in_dim3A_1008 : vector<256x1xf32> to vector<256x256xf32>
    %eq3A_1010 = arith.cmpf oeq, %select_n3A_1005, %eq3A_1009 : vector<256x256xf32>
    %jit3A_1011 = arith.constant 0x7F800000 : f32
    %broadcast_in_dim3A_1012 = vector.broadcast %jit3A_1011 : f32 to vector<256x256xf32>
    %select_n3A_1013 = arith.select %eq3A_1010, %broadcast_in_dim3A_1012, %select_n3A_1005 : vector<256x256xi1>, vector<256x256xf32>
    %reduce_min3A_1014 = arith.constant dense<0x7F800000> : vector<256xf32>
    %reduce_min3A_1015 = vector.multi_reduction <minimumf>, %select_n3A_1013, %reduce_min3A_1014 [1] : vector<256x256xf32> to vector<256xf32>
    %broadcast_in_dim3A_1016 = vector.shape_cast %reduce_min3A_1015 : vector<256xf32> to vector<256x1xf32>
    %eq3A_1017 = vector.broadcast %broadcast_in_dim3A_1016 : vector<256x1xf32> to vector<256x256xf32>
    %eq3A_1018 = arith.cmpf oeq, %select_n3A_1013, %eq3A_1017 : vector<256x256xf32>
    %jit3A_1019 = arith.constant 0x7F800000 : f32
    %broadcast_in_dim3A_1020 = vector.broadcast %jit3A_1019 : f32 to vector<256x256xf32>
    %select_n3A_1021 = arith.select %eq3A_1018, %broadcast_in_dim3A_1020, %select_n3A_1013 : vector<256x256xi1>, vector<256x256xf32>
    %reduce_min3A_1022 = arith.constant dense<0x7F800000> : vector<256xf32>
    %reduce_min3A_1023 = vector.multi_reduction <minimumf>, %select_n3A_1021, %reduce_min3A_1022 [1] : vector<256x256xf32> to vector<256xf32>
    %broadcast_in_dim3A_1024 = vector.shape_cast %reduce_min3A_1023 : vector<256xf32> to vector<256x1xf32>
    %eq3A_1025 = vector.broadcast %broadcast_in_dim3A_1024 : vector<256x1xf32> to vector<256x256xf32>
    %eq3A_1026 = arith.cmpf oeq, %select_n3A_1021, %eq3A_1025 : vector<256x256xf32>
    %jit3A_1027 = arith.constant 0x7F800000 : f32
    %broadcast_in_dim3A_1028 = vector.broadcast %jit3A_1027 : f32 to vector<256x256xf32>
    %select_n3A_1029 = arith.select %eq3A_1026, %broadcast_in_dim3A_1028, %select_n3A_1021 : vector<256x256xi1>, vector<256x256xf32>
    %reduce_min3A_1030 = arith.constant dense<0x7F800000> : vector<256xf32>
    %reduce_min3A_1031 = vector.multi_reduction <minimumf>, %select_n3A_1029, %reduce_min3A_1030 [1] : vector<256x256xf32> to vector<256xf32>
    %broadcast_in_dim3A_1032 = vector.shape_cast %reduce_min3A_1031 : vector<256xf32> to vector<256x1xf32>
    %eq3A_1033 = vector.broadcast %broadcast_in_dim3A_1032 : vector<256x1xf32> to vector<256x256xf32>
    %eq3A_1034 = arith.cmpf oeq, %select_n3A_1029, %eq3A_1033 : vector<256x256xf32>
    %jit3A_1035 = arith.constant 0x7F800000 : f32
    %broadcast_in_dim3A_1036 = vector.broadcast %jit3A_1035 : f32 to vector<256x256xf32>
    %select_n3A_1037 = arith.select %eq3A_1034, %broadcast_in_dim3A_1036, %select_n3A_1029 : vector<256x256xi1>, vector<256x256xf32>
    %reduce_min3A_1038 = arith.constant dense<0x7F800000> : vector<256xf32>
    %reduce_min3A_1039 = vector.multi_reduction <minimumf>, %select_n3A_1037, %reduce_min3A_1038 [1] : vector<256x256xf32> to vector<256xf32>
    %broadcast_in_dim3A_1040 = vector.shape_cast %reduce_min3A_1039 : vector<256xf32> to vector<256x1xf32>
    %eq3A_1041 = vector.broadcast %broadcast_in_dim3A_1040 : vector<256x1xf32> to vector<256x256xf32>
    %eq3A_1042 = arith.cmpf oeq, %select_n3A_1037, %eq3A_1041 : vector<256x256xf32>
    %jit3A_1043 = arith.constant 0x7F800000 : f32
    %broadcast_in_dim3A_1044 = vector.broadcast %jit3A_1043 : f32 to vector<256x256xf32>
    %select_n3A_1045 = arith.select %eq3A_1042, %broadcast_in_dim3A_1044, %select_n3A_1037 : vector<256x256xi1>, vector<256x256xf32>
    %reduce_min3A_1046 = arith.constant dense<0x7F800000> : vector<256xf32>
    %reduce_min3A_1047 = vector.multi_reduction <minimumf>, %select_n3A_1045, %reduce_min3A_1046 [1] : vector<256x256xf32> to vector<256xf32>
    %broadcast_in_dim3A_1048 = vector.shape_cast %reduce_min3A_1047 : vector<256xf32> to vector<256x1xf32>
    %eq3A_1049 = vector.broadcast %broadcast_in_dim3A_1048 : vector<256x1xf32> to vector<256x256xf32>
    %eq3A_1050 = arith.cmpf oeq, %select_n3A_1045, %eq3A_1049 : vector<256x256xf32>
    %jit3A_1051 = arith.constant 0x7F800000 : f32
    %broadcast_in_dim3A_1052 = vector.broadcast %jit3A_1051 : f32 to vector<256x256xf32>
    %select_n3A_1053 = arith.select %eq3A_1050, %broadcast_in_dim3A_1052, %select_n3A_1045 : vector<256x256xi1>, vector<256x256xf32>
    %reduce_min3A_1054 = arith.constant dense<0x7F800000> : vector<256xf32>
    %reduce_min3A_1055 = vector.multi_reduction <minimumf>, %select_n3A_1053, %reduce_min3A_1054 [1] : vector<256x256xf32> to vector<256xf32>
    %broadcast_in_dim3A_1056 = vector.shape_cast %reduce_min3A_1055 : vector<256xf32> to vector<256x1xf32>
    %eq3A_1057 = vector.broadcast %broadcast_in_dim3A_1056 : vector<256x1xf32> to vector<256x256xf32>
    %eq3A_1058 = arith.cmpf oeq, %select_n3A_1053, %eq3A_1057 : vector<256x256xf32>
    %jit3A_1059 = arith.constant 0x7F800000 : f32
    %broadcast_in_dim3A_1060 = vector.broadcast %jit3A_1059 : f32 to vector<256x256xf32>
    %select_n3A_1061 = arith.select %eq3A_1058, %broadcast_in_dim3A_1060, %select_n3A_1053 : vector<256x256xi1>, vector<256x256xf32>
    %reduce_min3A_1062 = arith.constant dense<0x7F800000> : vector<256xf32>
    %reduce_min3A_1063 = vector.multi_reduction <minimumf>, %select_n3A_1061, %reduce_min3A_1062 [1] : vector<256x256xf32> to vector<256xf32>
    %broadcast_in_dim3A_1064 = vector.shape_cast %reduce_min3A_1063 : vector<256xf32> to vector<256x1xf32>
    %eq3A_1065 = vector.broadcast %broadcast_in_dim3A_1064 : vector<256x1xf32> to vector<256x256xf32>
    %eq3A_1066 = arith.cmpf oeq, %select_n3A_1061, %eq3A_1065 : vector<256x256xf32>
    %jit3A_1067 = arith.constant 0x7F800000 : f32
    %broadcast_in_dim3A_1068 = vector.broadcast %jit3A_1067 : f32 to vector<256x256xf32>
    %select_n3A_1069 = arith.select %eq3A_1066, %broadcast_in_dim3A_1068, %select_n3A_1061 : vector<256x256xi1>, vector<256x256xf32>
    %reduce_min3A_1070 = arith.constant dense<0x7F800000> : vector<256xf32>
    %reduce_min3A_1071 = vector.multi_reduction <minimumf>, %select_n3A_1069, %reduce_min3A_1070 [1] : vector<256x256xf32> to vector<256xf32>
    %broadcast_in_dim3A_1072 = vector.shape_cast %reduce_min3A_1071 : vector<256xf32> to vector<256x1xf32>
    %eq3A_1073 = vector.broadcast %broadcast_in_dim3A_1072 : vector<256x1xf32> to vector<256x256xf32>
    %eq3A_1074 = arith.cmpf oeq, %select_n3A_1069, %eq3A_1073 : vector<256x256xf32>
    %jit3A_1075 = arith.constant 0x7F800000 : f32
    %broadcast_in_dim3A_1076 = vector.broadcast %jit3A_1075 : f32 to vector<256x256xf32>
    %select_n3A_1077 = arith.select %eq3A_1074, %broadcast_in_dim3A_1076, %select_n3A_1069 : vector<256x256xi1>, vector<256x256xf32>
    %reduce_min3A_1078 = arith.constant dense<0x7F800000> : vector<256xf32>
    %reduce_min3A_1079 = vector.multi_reduction <minimumf>, %select_n3A_1077, %reduce_min3A_1078 [1] : vector<256x256xf32> to vector<256xf32>
    %broadcast_in_dim3A_1080 = vector.shape_cast %reduce_min3A_1079 : vector<256xf32> to vector<256x1xf32>
    %eq3A_1081 = vector.broadcast %broadcast_in_dim3A_1080 : vector<256x1xf32> to vector<256x256xf32>
    %eq3A_1082 = arith.cmpf oeq, %select_n3A_1077, %eq3A_1081 : vector<256x256xf32>
    %jit3A_1083 = arith.constant 0x7F800000 : f32
    %broadcast_in_dim3A_1084 = vector.broadcast %jit3A_1083 : f32 to vector<256x256xf32>
    %select_n3A_1085 = arith.select %eq3A_1082, %broadcast_in_dim3A_1084, %select_n3A_1077 : vector<256x256xi1>, vector<256x256xf32>
    %reduce_min3A_1086 = arith.constant dense<0x7F800000> : vector<256xf32>
    %reduce_min3A_1087 = vector.multi_reduction <minimumf>, %select_n3A_1085, %reduce_min3A_1086 [1] : vector<256x256xf32> to vector<256xf32>
    %broadcast_in_dim3A_1088 = vector.shape_cast %reduce_min3A_1087 : vector<256xf32> to vector<256x1xf32>
    %eq3A_1089 = vector.broadcast %broadcast_in_dim3A_1088 : vector<256x1xf32> to vector<256x256xf32>
    %eq3A_1090 = arith.cmpf oeq, %select_n3A_1085, %eq3A_1089 : vector<256x256xf32>
    %jit3A_1091 = arith.constant 0x7F800000 : f32
    %broadcast_in_dim3A_1092 = vector.broadcast %jit3A_1091 : f32 to vector<256x256xf32>
    %select_n3A_1093 = arith.select %eq3A_1090, %broadcast_in_dim3A_1092, %select_n3A_1085 : vector<256x256xi1>, vector<256x256xf32>
    %reduce_min3A_1094 = arith.constant dense<0x7F800000> : vector<256xf32>
    %reduce_min3A_1095 = vector.multi_reduction <minimumf>, %select_n3A_1093, %reduce_min3A_1094 [1] : vector<256x256xf32> to vector<256xf32>
    %broadcast_in_dim3A_1096 = vector.shape_cast %reduce_min3A_1095 : vector<256xf32> to vector<256x1xf32>
    %eq3A_1097 = vector.broadcast %broadcast_in_dim3A_1096 : vector<256x1xf32> to vector<256x256xf32>
    %eq3A_1098 = arith.cmpf oeq, %select_n3A_1093, %eq3A_1097 : vector<256x256xf32>
    %jit3A_1099 = arith.constant 0x7F800000 : f32
    %broadcast_in_dim3A_1100 = vector.broadcast %jit3A_1099 : f32 to vector<256x256xf32>
    %select_n3A_1101 = arith.select %eq3A_1098, %broadcast_in_dim3A_1100, %select_n3A_1093 : vector<256x256xi1>, vector<256x256xf32>
    %reduce_min3A_1102 = arith.constant dense<0x7F800000> : vector<256xf32>
    %reduce_min3A_1103 = vector.multi_reduction <minimumf>, %select_n3A_1101, %reduce_min3A_1102 [1] : vector<256x256xf32> to vector<256xf32>
    %broadcast_in_dim3A_1104 = vector.shape_cast %reduce_min3A_1103 : vector<256xf32> to vector<256x1xf32>
    %eq3A_1105 = vector.broadcast %broadcast_in_dim3A_1104 : vector<256x1xf32> to vector<256x256xf32>
    %eq3A_1106 = arith.cmpf oeq, %select_n3A_1101, %eq3A_1105 : vector<256x256xf32>
    %jit3A_1107 = arith.constant 0x7F800000 : f32
    %broadcast_in_dim3A_1108 = vector.broadcast %jit3A_1107 : f32 to vector<256x256xf32>
    %select_n3A_1109 = arith.select %eq3A_1106, %broadcast_in_dim3A_1108, %select_n3A_1101 : vector<256x256xi1>, vector<256x256xf32>
    %reduce_min3A_1110 = arith.constant dense<0x7F800000> : vector<256xf32>
    %reduce_min3A_1111 = vector.multi_reduction <minimumf>, %select_n3A_1109, %reduce_min3A_1110 [1] : vector<256x256xf32> to vector<256xf32>
    %broadcast_in_dim3A_1112 = vector.shape_cast %reduce_min3A_1111 : vector<256xf32> to vector<256x1xf32>
    %eq3A_1113 = vector.broadcast %broadcast_in_dim3A_1112 : vector<256x1xf32> to vector<256x256xf32>
    %eq3A_1114 = arith.cmpf oeq, %select_n3A_1109, %eq3A_1113 : vector<256x256xf32>
    %jit3A_1115 = arith.constant 0x7F800000 : f32
    %broadcast_in_dim3A_1116 = vector.broadcast %jit3A_1115 : f32 to vector<256x256xf32>
    %select_n3A_1117 = arith.select %eq3A_1114, %broadcast_in_dim3A_1116, %select_n3A_1109 : vector<256x256xi1>, vector<256x256xf32>
    %reduce_min3A_1118 = arith.constant dense<0x7F800000> : vector<256xf32>
    %reduce_min3A_1119 = vector.multi_reduction <minimumf>, %select_n3A_1117, %reduce_min3A_1118 [1] : vector<256x256xf32> to vector<256xf32>
    %broadcast_in_dim3A_1120 = vector.shape_cast %reduce_min3A_1119 : vector<256xf32> to vector<256x1xf32>
    %eq3A_1121 = vector.broadcast %broadcast_in_dim3A_1120 : vector<256x1xf32> to vector<256x256xf32>
    %eq3A_1122 = arith.cmpf oeq, %select_n3A_1117, %eq3A_1121 : vector<256x256xf32>
    %jit3A_1123 = arith.constant 0x7F800000 : f32
    %broadcast_in_dim3A_1124 = vector.broadcast %jit3A_1123 : f32 to vector<256x256xf32>
    %select_n3A_1125 = arith.select %eq3A_1122, %broadcast_in_dim3A_1124, %select_n3A_1117 : vector<256x256xi1>, vector<256x256xf32>
    %reduce_min3A_1126 = arith.constant dense<0x7F800000> : vector<256xf32>
    %reduce_min3A_1127 = vector.multi_reduction <minimumf>, %select_n3A_1125, %reduce_min3A_1126 [1] : vector<256x256xf32> to vector<256xf32>
    %broadcast_in_dim3A_1128 = vector.shape_cast %reduce_min3A_1127 : vector<256xf32> to vector<256x1xf32>
    %eq3A_1129 = vector.broadcast %broadcast_in_dim3A_1128 : vector<256x1xf32> to vector<256x256xf32>
    %eq3A_1130 = arith.cmpf oeq, %select_n3A_1125, %eq3A_1129 : vector<256x256xf32>
    %jit3A_1131 = arith.constant 0x7F800000 : f32
    %broadcast_in_dim3A_1132 = vector.broadcast %jit3A_1131 : f32 to vector<256x256xf32>
    %select_n3A_1133 = arith.select %eq3A_1130, %broadcast_in_dim3A_1132, %select_n3A_1125 : vector<256x256xi1>, vector<256x256xf32>
    %reduce_min3A_1134 = arith.constant dense<0x7F800000> : vector<256xf32>
    %reduce_min3A_1135 = vector.multi_reduction <minimumf>, %select_n3A_1133, %reduce_min3A_1134 [1] : vector<256x256xf32> to vector<256xf32>
    %broadcast_in_dim3A_1136 = vector.shape_cast %reduce_min3A_1135 : vector<256xf32> to vector<256x1xf32>
    %eq3A_1137 = vector.broadcast %broadcast_in_dim3A_1136 : vector<256x1xf32> to vector<256x256xf32>
    %eq3A_1138 = arith.cmpf oeq, %select_n3A_1133, %eq3A_1137 : vector<256x256xf32>
    %jit3A_1139 = arith.constant 0x7F800000 : f32
    %broadcast_in_dim3A_1140 = vector.broadcast %jit3A_1139 : f32 to vector<256x256xf32>
    %select_n3A_1141 = arith.select %eq3A_1138, %broadcast_in_dim3A_1140, %select_n3A_1133 : vector<256x256xi1>, vector<256x256xf32>
    %reduce_min3A_1142 = arith.constant dense<0x7F800000> : vector<256xf32>
    %reduce_min3A_1143 = vector.multi_reduction <minimumf>, %select_n3A_1141, %reduce_min3A_1142 [1] : vector<256x256xf32> to vector<256xf32>
    %broadcast_in_dim3A_1144 = vector.shape_cast %reduce_min3A_1143 : vector<256xf32> to vector<256x1xf32>
    %eq3A_1145 = vector.broadcast %broadcast_in_dim3A_1144 : vector<256x1xf32> to vector<256x256xf32>
    %eq3A_1146 = arith.cmpf oeq, %select_n3A_1141, %eq3A_1145 : vector<256x256xf32>
    %jit3A_1147 = arith.constant 0x7F800000 : f32
    %broadcast_in_dim3A_1148 = vector.broadcast %jit3A_1147 : f32 to vector<256x256xf32>
    %select_n3A_1149 = arith.select %eq3A_1146, %broadcast_in_dim3A_1148, %select_n3A_1141 : vector<256x256xi1>, vector<256x256xf32>
    %reduce_min3A_1150 = arith.constant dense<0x7F800000> : vector<256xf32>
    %reduce_min3A_1151 = vector.multi_reduction <minimumf>, %select_n3A_1149, %reduce_min3A_1150 [1] : vector<256x256xf32> to vector<256xf32>
    %broadcast_in_dim3A_1152 = vector.shape_cast %reduce_min3A_1151 : vector<256xf32> to vector<256x1xf32>
    %eq3A_1153 = vector.broadcast %broadcast_in_dim3A_1152 : vector<256x1xf32> to vector<256x256xf32>
    %eq3A_1154 = arith.cmpf oeq, %select_n3A_1149, %eq3A_1153 : vector<256x256xf32>
    %jit3A_1155 = arith.constant 0x7F800000 : f32
    %broadcast_in_dim3A_1156 = vector.broadcast %jit3A_1155 : f32 to vector<256x256xf32>
    %select_n3A_1157 = arith.select %eq3A_1154, %broadcast_in_dim3A_1156, %select_n3A_1149 : vector<256x256xi1>, vector<256x256xf32>
    %reduce_min3A_1158 = arith.constant dense<0x7F800000> : vector<256xf32>
    %reduce_min3A_1159 = vector.multi_reduction <minimumf>, %select_n3A_1157, %reduce_min3A_1158 [1] : vector<256x256xf32> to vector<256xf32>
    %broadcast_in_dim3A_1160 = vector.shape_cast %reduce_min3A_1159 : vector<256xf32> to vector<256x1xf32>
    %eq3A_1161 = vector.broadcast %broadcast_in_dim3A_1160 : vector<256x1xf32> to vector<256x256xf32>
    %eq3A_1162 = arith.cmpf oeq, %select_n3A_1157, %eq3A_1161 : vector<256x256xf32>
    %jit3A_1163 = arith.constant 0x7F800000 : f32
    %broadcast_in_dim3A_1164 = vector.broadcast %jit3A_1163 : f32 to vector<256x256xf32>
    %select_n3A_1165 = arith.select %eq3A_1162, %broadcast_in_dim3A_1164, %select_n3A_1157 : vector<256x256xi1>, vector<256x256xf32>
    %reduce_min3A_1166 = arith.constant dense<0x7F800000> : vector<256xf32>
    %reduce_min3A_1167 = vector.multi_reduction <minimumf>, %select_n3A_1165, %reduce_min3A_1166 [1] : vector<256x256xf32> to vector<256xf32>
    %broadcast_in_dim3A_1168 = vector.shape_cast %reduce_min3A_1167 : vector<256xf32> to vector<256x1xf32>
    %eq3A_1169 = vector.broadcast %broadcast_in_dim3A_1168 : vector<256x1xf32> to vector<256x256xf32>
    %eq3A_1170 = arith.cmpf oeq, %select_n3A_1165, %eq3A_1169 : vector<256x256xf32>
    %jit3A_1171 = arith.constant 0x7F800000 : f32
    %broadcast_in_dim3A_1172 = vector.broadcast %jit3A_1171 : f32 to vector<256x256xf32>
    %select_n3A_1173 = arith.select %eq3A_1170, %broadcast_in_dim3A_1172, %select_n3A_1165 : vector<256x256xi1>, vector<256x256xf32>
    %reduce_min3A_1174 = arith.constant dense<0x7F800000> : vector<256xf32>
    %reduce_min3A_1175 = vector.multi_reduction <minimumf>, %select_n3A_1173, %reduce_min3A_1174 [1] : vector<256x256xf32> to vector<256xf32>
    %broadcast_in_dim3A_1176 = vector.shape_cast %reduce_min3A_1175 : vector<256xf32> to vector<256x1xf32>
    %swap3A = arith.constant 0 : index
    %swap3A_1177 = arith.constant 0 : index
    %swap3A_1178 = vector.load %arg2[%swap3A, %swap3A_1177] : memref<256x1xf32, #tpu.memory_space<vmem>>, vector<256x1xf32>
    tpu.vector_store %arg2[%swap3A, %swap3A_1177], %broadcast_in_dim3A_1176 {strides = array<i32>} : memref<256x1xf32, #tpu.memory_space<vmem>>, vector<256x1xf32>,
    return
  }
  func.func @transform_0(%arg0: i32) -> (i32, i32) {
    %c0_i32 = arith.constant 0 : i32
    %c0_i32_0 = arith.constant 0 : i32
    return %arg0, %c0_i32 : i32, i32
  }
  func.func @transform_1(%arg0: i32) -> (i32, i32) {
    %c0_i32 = arith.constant 0 : i32
    %c0_i32_0 = arith.constant 0 : i32
    return %arg0, %c0_i32 : i32, i32
  }
}

module attributes {stable_mosaic.version = 14 : i64} {
  func.func @_final_body(%arg0: i32, %arg1: memref<256x256xf32, #tpu.memory_space<vmem>>, %arg2: memref<256x256xi32, #tpu.memory_space<vmem>>, %arg3: memref<256x50xi32, #tpu.memory_space<vmem>>) attributes {dimension_semantics = [#tpu.dimension_semantics<arbitrary>], iteration_bounds = array<i64: 4>, scalar_prefetch = 0 : i64, scratch_operands = 0 : i64, tpu.core_type = #tpu.core_type<tc>, window_params = [{transform_indices = @transform_0, window_bounds = array<i64: 256, 256>}, {transform_indices = @transform_1, window_bounds = array<i64: 256, 256>}, {transform_indices = @transform_2, window_bounds = array<i64: 256, 50>}]} {
    %get3A = arith.constant 0 : index
    %get3A_0 = arith.constant 0 : index
    %get3A_1 = vector.load %arg1[%get3A, %get3A_0] : memref<256x256xf32, #tpu.memory_space<vmem>>, vector<256x256xf32>
    %get3A_2 = arith.constant 0 : index
    %get3A_3 = arith.constant 0 : index
    %get3A_4 = vector.load %arg2[%get3A_2, %get3A_3] : memref<256x256xi32, #tpu.memory_space<vmem>>, vector<256x256xi32>
    %reduce_min3A = arith.constant dense<0x7F800000> : vector<256xf32>
    %reduce_min3A_5 = vector.multi_reduction <minimumf>, %get3A_1, %reduce_min3A [1] : vector<256x256xf32> to vector<256xf32>
    %broadcast_in_dim3A = vector.shape_cast %reduce_min3A_5 : vector<256xf32> to vector<256x1xf32>
    %eq3A = vector.broadcast %broadcast_in_dim3A : vector<256x1xf32> to vector<256x256xf32>
    %eq3A_6 = arith.cmpf oeq, %get3A_1, %eq3A : vector<256x256xf32>
    %jit3A = arith.constant -1 : i32
    %broadcast_in_dim3A_7 = vector.broadcast %jit3A : i32 to vector<256x256xi32>
    %select_n3A = arith.select %eq3A_6, %get3A_4, %broadcast_in_dim3A_7 : vector<256x256xi1>, vector<256x256xi32>
    %reduce_max3A = arith.constant dense<-2147483648> : vector<256xi32>
    %reduce_max3A_8 = vector.multi_reduction <maxsi>, %select_n3A, %reduce_max3A [1] : vector<256x256xi32> to vector<256xi32>
    %broadcast_in_dim3A_9 = vector.shape_cast %reduce_max3A_8 : vector<256xi32> to vector<256x1xi32>
    %eq3A_10 = vector.broadcast %broadcast_in_dim3A_9 : vector<256x1xi32> to vector<256x256xi32>
    %eq3A_11 = arith.cmpi eq, %get3A_4, %eq3A_10 : vector<256x256xi32>
    %and3A = arith.andi %eq3A_6, %eq3A_11 : vector<256x256xi1>
    %jit3A_12 = arith.constant 0x7F800000 : f32
    %broadcast_in_dim3A_13 = vector.broadcast %jit3A_12 : f32 to vector<256x256xf32>
    %select_n3A_14 = arith.select %and3A, %broadcast_in_dim3A_13, %get3A_1 : vector<256x256xi1>, vector<256x256xf32>
    %reduce_min3A_15 = arith.constant dense<0x7F800000> : vector<256xf32>
    %reduce_min3A_16 = vector.multi_reduction <minimumf>, %select_n3A_14, %reduce_min3A_15 [1] : vector<256x256xf32> to vector<256xf32>
    %broadcast_in_dim3A_17 = vector.shape_cast %reduce_min3A_16 : vector<256xf32> to vector<256x1xf32>
    %eq3A_18 = vector.broadcast %broadcast_in_dim3A_17 : vector<256x1xf32> to vector<256x256xf32>
    %eq3A_19 = arith.cmpf oeq, %select_n3A_14, %eq3A_18 : vector<256x256xf32>
    %jit3A_20 = arith.constant -1 : i32
    %broadcast_in_dim3A_21 = vector.broadcast %jit3A_20 : i32 to vector<256x256xi32>
    %select_n3A_22 = arith.select %eq3A_19, %get3A_4, %broadcast_in_dim3A_21 : vector<256x256xi1>, vector<256x256xi32>
    %reduce_max3A_23 = arith.constant dense<-2147483648> : vector<256xi32>
    %reduce_max3A_24 = vector.multi_reduction <maxsi>, %select_n3A_22, %reduce_max3A_23 [1] : vector<256x256xi32> to vector<256xi32>
    %broadcast_in_dim3A_25 = vector.shape_cast %reduce_max3A_24 : vector<256xi32> to vector<256x1xi32>
    %eq3A_26 = vector.broadcast %broadcast_in_dim3A_25 : vector<256x1xi32> to vector<256x256xi32>
    %eq3A_27 = arith.cmpi eq, %get3A_4, %eq3A_26 : vector<256x256xi32>
    %and3A_28 = arith.andi %eq3A_19, %eq3A_27 : vector<256x256xi1>
    %jit3A_29 = arith.constant 0x7F800000 : f32
    %broadcast_in_dim3A_30 = vector.broadcast %jit3A_29 : f32 to vector<256x256xf32>
    %select_n3A_31 = arith.select %and3A_28, %broadcast_in_dim3A_30, %select_n3A_14 : vector<256x256xi1>, vector<256x256xf32>
    %reduce_min3A_32 = arith.constant dense<0x7F800000> : vector<256xf32>
    %reduce_min3A_33 = vector.multi_reduction <minimumf>, %select_n3A_31, %reduce_min3A_32 [1] : vector<256x256xf32> to vector<256xf32>
    %broadcast_in_dim3A_34 = vector.shape_cast %reduce_min3A_33 : vector<256xf32> to vector<256x1xf32>
    %eq3A_35 = vector.broadcast %broadcast_in_dim3A_34 : vector<256x1xf32> to vector<256x256xf32>
    %eq3A_36 = arith.cmpf oeq, %select_n3A_31, %eq3A_35 : vector<256x256xf32>
    %jit3A_37 = arith.constant -1 : i32
    %broadcast_in_dim3A_38 = vector.broadcast %jit3A_37 : i32 to vector<256x256xi32>
    %select_n3A_39 = arith.select %eq3A_36, %get3A_4, %broadcast_in_dim3A_38 : vector<256x256xi1>, vector<256x256xi32>
    %reduce_max3A_40 = arith.constant dense<-2147483648> : vector<256xi32>
    %reduce_max3A_41 = vector.multi_reduction <maxsi>, %select_n3A_39, %reduce_max3A_40 [1] : vector<256x256xi32> to vector<256xi32>
    %broadcast_in_dim3A_42 = vector.shape_cast %reduce_max3A_41 : vector<256xi32> to vector<256x1xi32>
    %eq3A_43 = vector.broadcast %broadcast_in_dim3A_42 : vector<256x1xi32> to vector<256x256xi32>
    %eq3A_44 = arith.cmpi eq, %get3A_4, %eq3A_43 : vector<256x256xi32>
    %and3A_45 = arith.andi %eq3A_36, %eq3A_44 : vector<256x256xi1>
    %jit3A_46 = arith.constant 0x7F800000 : f32
    %broadcast_in_dim3A_47 = vector.broadcast %jit3A_46 : f32 to vector<256x256xf32>
    %select_n3A_48 = arith.select %and3A_45, %broadcast_in_dim3A_47, %select_n3A_31 : vector<256x256xi1>, vector<256x256xf32>
    %reduce_min3A_49 = arith.constant dense<0x7F800000> : vector<256xf32>
    %reduce_min3A_50 = vector.multi_reduction <minimumf>, %select_n3A_48, %reduce_min3A_49 [1] : vector<256x256xf32> to vector<256xf32>
    %broadcast_in_dim3A_51 = vector.shape_cast %reduce_min3A_50 : vector<256xf32> to vector<256x1xf32>
    %eq3A_52 = vector.broadcast %broadcast_in_dim3A_51 : vector<256x1xf32> to vector<256x256xf32>
    %eq3A_53 = arith.cmpf oeq, %select_n3A_48, %eq3A_52 : vector<256x256xf32>
    %jit3A_54 = arith.constant -1 : i32
    %broadcast_in_dim3A_55 = vector.broadcast %jit3A_54 : i32 to vector<256x256xi32>
    %select_n3A_56 = arith.select %eq3A_53, %get3A_4, %broadcast_in_dim3A_55 : vector<256x256xi1>, vector<256x256xi32>
    %reduce_max3A_57 = arith.constant dense<-2147483648> : vector<256xi32>
    %reduce_max3A_58 = vector.multi_reduction <maxsi>, %select_n3A_56, %reduce_max3A_57 [1] : vector<256x256xi32> to vector<256xi32>
    %broadcast_in_dim3A_59 = vector.shape_cast %reduce_max3A_58 : vector<256xi32> to vector<256x1xi32>
    %eq3A_60 = vector.broadcast %broadcast_in_dim3A_59 : vector<256x1xi32> to vector<256x256xi32>
    %eq3A_61 = arith.cmpi eq, %get3A_4, %eq3A_60 : vector<256x256xi32>
    %and3A_62 = arith.andi %eq3A_53, %eq3A_61 : vector<256x256xi1>
    %jit3A_63 = arith.constant 0x7F800000 : f32
    %broadcast_in_dim3A_64 = vector.broadcast %jit3A_63 : f32 to vector<256x256xf32>
    %select_n3A_65 = arith.select %and3A_62, %broadcast_in_dim3A_64, %select_n3A_48 : vector<256x256xi1>, vector<256x256xf32>
    %reduce_min3A_66 = arith.constant dense<0x7F800000> : vector<256xf32>
    %reduce_min3A_67 = vector.multi_reduction <minimumf>, %select_n3A_65, %reduce_min3A_66 [1] : vector<256x256xf32> to vector<256xf32>
    %broadcast_in_dim3A_68 = vector.shape_cast %reduce_min3A_67 : vector<256xf32> to vector<256x1xf32>
    %eq3A_69 = vector.broadcast %broadcast_in_dim3A_68 : vector<256x1xf32> to vector<256x256xf32>
    %eq3A_70 = arith.cmpf oeq, %select_n3A_65, %eq3A_69 : vector<256x256xf32>
    %jit3A_71 = arith.constant -1 : i32
    %broadcast_in_dim3A_72 = vector.broadcast %jit3A_71 : i32 to vector<256x256xi32>
    %select_n3A_73 = arith.select %eq3A_70, %get3A_4, %broadcast_in_dim3A_72 : vector<256x256xi1>, vector<256x256xi32>
    %reduce_max3A_74 = arith.constant dense<-2147483648> : vector<256xi32>
    %reduce_max3A_75 = vector.multi_reduction <maxsi>, %select_n3A_73, %reduce_max3A_74 [1] : vector<256x256xi32> to vector<256xi32>
    %broadcast_in_dim3A_76 = vector.shape_cast %reduce_max3A_75 : vector<256xi32> to vector<256x1xi32>
    %eq3A_77 = vector.broadcast %broadcast_in_dim3A_76 : vector<256x1xi32> to vector<256x256xi32>
    %eq3A_78 = arith.cmpi eq, %get3A_4, %eq3A_77 : vector<256x256xi32>
    %and3A_79 = arith.andi %eq3A_70, %eq3A_78 : vector<256x256xi1>
    %jit3A_80 = arith.constant 0x7F800000 : f32
    %broadcast_in_dim3A_81 = vector.broadcast %jit3A_80 : f32 to vector<256x256xf32>
    %select_n3A_82 = arith.select %and3A_79, %broadcast_in_dim3A_81, %select_n3A_65 : vector<256x256xi1>, vector<256x256xf32>
    %reduce_min3A_83 = arith.constant dense<0x7F800000> : vector<256xf32>
    %reduce_min3A_84 = vector.multi_reduction <minimumf>, %select_n3A_82, %reduce_min3A_83 [1] : vector<256x256xf32> to vector<256xf32>
    %broadcast_in_dim3A_85 = vector.shape_cast %reduce_min3A_84 : vector<256xf32> to vector<256x1xf32>
    %eq3A_86 = vector.broadcast %broadcast_in_dim3A_85 : vector<256x1xf32> to vector<256x256xf32>
    %eq3A_87 = arith.cmpf oeq, %select_n3A_82, %eq3A_86 : vector<256x256xf32>
    %jit3A_88 = arith.constant -1 : i32
    %broadcast_in_dim3A_89 = vector.broadcast %jit3A_88 : i32 to vector<256x256xi32>
    %select_n3A_90 = arith.select %eq3A_87, %get3A_4, %broadcast_in_dim3A_89 : vector<256x256xi1>, vector<256x256xi32>
    %reduce_max3A_91 = arith.constant dense<-2147483648> : vector<256xi32>
    %reduce_max3A_92 = vector.multi_reduction <maxsi>, %select_n3A_90, %reduce_max3A_91 [1] : vector<256x256xi32> to vector<256xi32>
    %broadcast_in_dim3A_93 = vector.shape_cast %reduce_max3A_92 : vector<256xi32> to vector<256x1xi32>
    %eq3A_94 = vector.broadcast %broadcast_in_dim3A_93 : vector<256x1xi32> to vector<256x256xi32>
    %eq3A_95 = arith.cmpi eq, %get3A_4, %eq3A_94 : vector<256x256xi32>
    %and3A_96 = arith.andi %eq3A_87, %eq3A_95 : vector<256x256xi1>
    %jit3A_97 = arith.constant 0x7F800000 : f32
    %broadcast_in_dim3A_98 = vector.broadcast %jit3A_97 : f32 to vector<256x256xf32>
    %select_n3A_99 = arith.select %and3A_96, %broadcast_in_dim3A_98, %select_n3A_82 : vector<256x256xi1>, vector<256x256xf32>
    %reduce_min3A_100 = arith.constant dense<0x7F800000> : vector<256xf32>
    %reduce_min3A_101 = vector.multi_reduction <minimumf>, %select_n3A_99, %reduce_min3A_100 [1] : vector<256x256xf32> to vector<256xf32>
    %broadcast_in_dim3A_102 = vector.shape_cast %reduce_min3A_101 : vector<256xf32> to vector<256x1xf32>
    %eq3A_103 = vector.broadcast %broadcast_in_dim3A_102 : vector<256x1xf32> to vector<256x256xf32>
    %eq3A_104 = arith.cmpf oeq, %select_n3A_99, %eq3A_103 : vector<256x256xf32>
    %jit3A_105 = arith.constant -1 : i32
    %broadcast_in_dim3A_106 = vector.broadcast %jit3A_105 : i32 to vector<256x256xi32>
    %select_n3A_107 = arith.select %eq3A_104, %get3A_4, %broadcast_in_dim3A_106 : vector<256x256xi1>, vector<256x256xi32>
    %reduce_max3A_108 = arith.constant dense<-2147483648> : vector<256xi32>
    %reduce_max3A_109 = vector.multi_reduction <maxsi>, %select_n3A_107, %reduce_max3A_108 [1] : vector<256x256xi32> to vector<256xi32>
    %broadcast_in_dim3A_110 = vector.shape_cast %reduce_max3A_109 : vector<256xi32> to vector<256x1xi32>
    %eq3A_111 = vector.broadcast %broadcast_in_dim3A_110 : vector<256x1xi32> to vector<256x256xi32>
    %eq3A_112 = arith.cmpi eq, %get3A_4, %eq3A_111 : vector<256x256xi32>
    %and3A_113 = arith.andi %eq3A_104, %eq3A_112 : vector<256x256xi1>
    %jit3A_114 = arith.constant 0x7F800000 : f32
    %broadcast_in_dim3A_115 = vector.broadcast %jit3A_114 : f32 to vector<256x256xf32>
    %select_n3A_116 = arith.select %and3A_113, %broadcast_in_dim3A_115, %select_n3A_99 : vector<256x256xi1>, vector<256x256xf32>
    %reduce_min3A_117 = arith.constant dense<0x7F800000> : vector<256xf32>
    %reduce_min3A_118 = vector.multi_reduction <minimumf>, %select_n3A_116, %reduce_min3A_117 [1] : vector<256x256xf32> to vector<256xf32>
    %broadcast_in_dim3A_119 = vector.shape_cast %reduce_min3A_118 : vector<256xf32> to vector<256x1xf32>
    %eq3A_120 = vector.broadcast %broadcast_in_dim3A_119 : vector<256x1xf32> to vector<256x256xf32>
    %eq3A_121 = arith.cmpf oeq, %select_n3A_116, %eq3A_120 : vector<256x256xf32>
    %jit3A_122 = arith.constant -1 : i32
    %broadcast_in_dim3A_123 = vector.broadcast %jit3A_122 : i32 to vector<256x256xi32>
    %select_n3A_124 = arith.select %eq3A_121, %get3A_4, %broadcast_in_dim3A_123 : vector<256x256xi1>, vector<256x256xi32>
    %reduce_max3A_125 = arith.constant dense<-2147483648> : vector<256xi32>
    %reduce_max3A_126 = vector.multi_reduction <maxsi>, %select_n3A_124, %reduce_max3A_125 [1] : vector<256x256xi32> to vector<256xi32>
    %broadcast_in_dim3A_127 = vector.shape_cast %reduce_max3A_126 : vector<256xi32> to vector<256x1xi32>
    %eq3A_128 = vector.broadcast %broadcast_in_dim3A_127 : vector<256x1xi32> to vector<256x256xi32>
    %eq3A_129 = arith.cmpi eq, %get3A_4, %eq3A_128 : vector<256x256xi32>
    %and3A_130 = arith.andi %eq3A_121, %eq3A_129 : vector<256x256xi1>
    %jit3A_131 = arith.constant 0x7F800000 : f32
    %broadcast_in_dim3A_132 = vector.broadcast %jit3A_131 : f32 to vector<256x256xf32>
    %select_n3A_133 = arith.select %and3A_130, %broadcast_in_dim3A_132, %select_n3A_116 : vector<256x256xi1>, vector<256x256xf32>
    %reduce_min3A_134 = arith.constant dense<0x7F800000> : vector<256xf32>
    %reduce_min3A_135 = vector.multi_reduction <minimumf>, %select_n3A_133, %reduce_min3A_134 [1] : vector<256x256xf32> to vector<256xf32>
    %broadcast_in_dim3A_136 = vector.shape_cast %reduce_min3A_135 : vector<256xf32> to vector<256x1xf32>
    %eq3A_137 = vector.broadcast %broadcast_in_dim3A_136 : vector<256x1xf32> to vector<256x256xf32>
    %eq3A_138 = arith.cmpf oeq, %select_n3A_133, %eq3A_137 : vector<256x256xf32>
    %jit3A_139 = arith.constant -1 : i32
    %broadcast_in_dim3A_140 = vector.broadcast %jit3A_139 : i32 to vector<256x256xi32>
    %select_n3A_141 = arith.select %eq3A_138, %get3A_4, %broadcast_in_dim3A_140 : vector<256x256xi1>, vector<256x256xi32>
    %reduce_max3A_142 = arith.constant dense<-2147483648> : vector<256xi32>
    %reduce_max3A_143 = vector.multi_reduction <maxsi>, %select_n3A_141, %reduce_max3A_142 [1] : vector<256x256xi32> to vector<256xi32>
    %broadcast_in_dim3A_144 = vector.shape_cast %reduce_max3A_143 : vector<256xi32> to vector<256x1xi32>
    %eq3A_145 = vector.broadcast %broadcast_in_dim3A_144 : vector<256x1xi32> to vector<256x256xi32>
    %eq3A_146 = arith.cmpi eq, %get3A_4, %eq3A_145 : vector<256x256xi32>
    %and3A_147 = arith.andi %eq3A_138, %eq3A_146 : vector<256x256xi1>
    %jit3A_148 = arith.constant 0x7F800000 : f32
    %broadcast_in_dim3A_149 = vector.broadcast %jit3A_148 : f32 to vector<256x256xf32>
    %select_n3A_150 = arith.select %and3A_147, %broadcast_in_dim3A_149, %select_n3A_133 : vector<256x256xi1>, vector<256x256xf32>
    %reduce_min3A_151 = arith.constant dense<0x7F800000> : vector<256xf32>
    %reduce_min3A_152 = vector.multi_reduction <minimumf>, %select_n3A_150, %reduce_min3A_151 [1] : vector<256x256xf32> to vector<256xf32>
    %broadcast_in_dim3A_153 = vector.shape_cast %reduce_min3A_152 : vector<256xf32> to vector<256x1xf32>
    %eq3A_154 = vector.broadcast %broadcast_in_dim3A_153 : vector<256x1xf32> to vector<256x256xf32>
    %eq3A_155 = arith.cmpf oeq, %select_n3A_150, %eq3A_154 : vector<256x256xf32>
    %jit3A_156 = arith.constant -1 : i32
    %broadcast_in_dim3A_157 = vector.broadcast %jit3A_156 : i32 to vector<256x256xi32>
    %select_n3A_158 = arith.select %eq3A_155, %get3A_4, %broadcast_in_dim3A_157 : vector<256x256xi1>, vector<256x256xi32>
    %reduce_max3A_159 = arith.constant dense<-2147483648> : vector<256xi32>
    %reduce_max3A_160 = vector.multi_reduction <maxsi>, %select_n3A_158, %reduce_max3A_159 [1] : vector<256x256xi32> to vector<256xi32>
    %broadcast_in_dim3A_161 = vector.shape_cast %reduce_max3A_160 : vector<256xi32> to vector<256x1xi32>
    %eq3A_162 = vector.broadcast %broadcast_in_dim3A_161 : vector<256x1xi32> to vector<256x256xi32>
    %eq3A_163 = arith.cmpi eq, %get3A_4, %eq3A_162 : vector<256x256xi32>
    %and3A_164 = arith.andi %eq3A_155, %eq3A_163 : vector<256x256xi1>
    %jit3A_165 = arith.constant 0x7F800000 : f32
    %broadcast_in_dim3A_166 = vector.broadcast %jit3A_165 : f32 to vector<256x256xf32>
    %select_n3A_167 = arith.select %and3A_164, %broadcast_in_dim3A_166, %select_n3A_150 : vector<256x256xi1>, vector<256x256xf32>
    %reduce_min3A_168 = arith.constant dense<0x7F800000> : vector<256xf32>
    %reduce_min3A_169 = vector.multi_reduction <minimumf>, %select_n3A_167, %reduce_min3A_168 [1] : vector<256x256xf32> to vector<256xf32>
    %broadcast_in_dim3A_170 = vector.shape_cast %reduce_min3A_169 : vector<256xf32> to vector<256x1xf32>
    %eq3A_171 = vector.broadcast %broadcast_in_dim3A_170 : vector<256x1xf32> to vector<256x256xf32>
    %eq3A_172 = arith.cmpf oeq, %select_n3A_167, %eq3A_171 : vector<256x256xf32>
    %jit3A_173 = arith.constant -1 : i32
    %broadcast_in_dim3A_174 = vector.broadcast %jit3A_173 : i32 to vector<256x256xi32>
    %select_n3A_175 = arith.select %eq3A_172, %get3A_4, %broadcast_in_dim3A_174 : vector<256x256xi1>, vector<256x256xi32>
    %reduce_max3A_176 = arith.constant dense<-2147483648> : vector<256xi32>
    %reduce_max3A_177 = vector.multi_reduction <maxsi>, %select_n3A_175, %reduce_max3A_176 [1] : vector<256x256xi32> to vector<256xi32>
    %broadcast_in_dim3A_178 = vector.shape_cast %reduce_max3A_177 : vector<256xi32> to vector<256x1xi32>
    %eq3A_179 = vector.broadcast %broadcast_in_dim3A_178 : vector<256x1xi32> to vector<256x256xi32>
    %eq3A_180 = arith.cmpi eq, %get3A_4, %eq3A_179 : vector<256x256xi32>
    %and3A_181 = arith.andi %eq3A_172, %eq3A_180 : vector<256x256xi1>
    %jit3A_182 = arith.constant 0x7F800000 : f32
    %broadcast_in_dim3A_183 = vector.broadcast %jit3A_182 : f32 to vector<256x256xf32>
    %select_n3A_184 = arith.select %and3A_181, %broadcast_in_dim3A_183, %select_n3A_167 : vector<256x256xi1>, vector<256x256xf32>
    %reduce_min3A_185 = arith.constant dense<0x7F800000> : vector<256xf32>
    %reduce_min3A_186 = vector.multi_reduction <minimumf>, %select_n3A_184, %reduce_min3A_185 [1] : vector<256x256xf32> to vector<256xf32>
    %broadcast_in_dim3A_187 = vector.shape_cast %reduce_min3A_186 : vector<256xf32> to vector<256x1xf32>
    %eq3A_188 = vector.broadcast %broadcast_in_dim3A_187 : vector<256x1xf32> to vector<256x256xf32>
    %eq3A_189 = arith.cmpf oeq, %select_n3A_184, %eq3A_188 : vector<256x256xf32>
    %jit3A_190 = arith.constant -1 : i32
    %broadcast_in_dim3A_191 = vector.broadcast %jit3A_190 : i32 to vector<256x256xi32>
    %select_n3A_192 = arith.select %eq3A_189, %get3A_4, %broadcast_in_dim3A_191 : vector<256x256xi1>, vector<256x256xi32>
    %reduce_max3A_193 = arith.constant dense<-2147483648> : vector<256xi32>
    %reduce_max3A_194 = vector.multi_reduction <maxsi>, %select_n3A_192, %reduce_max3A_193 [1] : vector<256x256xi32> to vector<256xi32>
    %broadcast_in_dim3A_195 = vector.shape_cast %reduce_max3A_194 : vector<256xi32> to vector<256x1xi32>
    %eq3A_196 = vector.broadcast %broadcast_in_dim3A_195 : vector<256x1xi32> to vector<256x256xi32>
    %eq3A_197 = arith.cmpi eq, %get3A_4, %eq3A_196 : vector<256x256xi32>
    %and3A_198 = arith.andi %eq3A_189, %eq3A_197 : vector<256x256xi1>
    %jit3A_199 = arith.constant 0x7F800000 : f32
    %broadcast_in_dim3A_200 = vector.broadcast %jit3A_199 : f32 to vector<256x256xf32>
    %select_n3A_201 = arith.select %and3A_198, %broadcast_in_dim3A_200, %select_n3A_184 : vector<256x256xi1>, vector<256x256xf32>
    %reduce_min3A_202 = arith.constant dense<0x7F800000> : vector<256xf32>
    %reduce_min3A_203 = vector.multi_reduction <minimumf>, %select_n3A_201, %reduce_min3A_202 [1] : vector<256x256xf32> to vector<256xf32>
    %broadcast_in_dim3A_204 = vector.shape_cast %reduce_min3A_203 : vector<256xf32> to vector<256x1xf32>
    %eq3A_205 = vector.broadcast %broadcast_in_dim3A_204 : vector<256x1xf32> to vector<256x256xf32>
    %eq3A_206 = arith.cmpf oeq, %select_n3A_201, %eq3A_205 : vector<256x256xf32>
    %jit3A_207 = arith.constant -1 : i32
    %broadcast_in_dim3A_208 = vector.broadcast %jit3A_207 : i32 to vector<256x256xi32>
    %select_n3A_209 = arith.select %eq3A_206, %get3A_4, %broadcast_in_dim3A_208 : vector<256x256xi1>, vector<256x256xi32>
    %reduce_max3A_210 = arith.constant dense<-2147483648> : vector<256xi32>
    %reduce_max3A_211 = vector.multi_reduction <maxsi>, %select_n3A_209, %reduce_max3A_210 [1] : vector<256x256xi32> to vector<256xi32>
    %broadcast_in_dim3A_212 = vector.shape_cast %reduce_max3A_211 : vector<256xi32> to vector<256x1xi32>
    %eq3A_213 = vector.broadcast %broadcast_in_dim3A_212 : vector<256x1xi32> to vector<256x256xi32>
    %eq3A_214 = arith.cmpi eq, %get3A_4, %eq3A_213 : vector<256x256xi32>
    %and3A_215 = arith.andi %eq3A_206, %eq3A_214 : vector<256x256xi1>
    %jit3A_216 = arith.constant 0x7F800000 : f32
    %broadcast_in_dim3A_217 = vector.broadcast %jit3A_216 : f32 to vector<256x256xf32>
    %select_n3A_218 = arith.select %and3A_215, %broadcast_in_dim3A_217, %select_n3A_201 : vector<256x256xi1>, vector<256x256xf32>
    %reduce_min3A_219 = arith.constant dense<0x7F800000> : vector<256xf32>
    %reduce_min3A_220 = vector.multi_reduction <minimumf>, %select_n3A_218, %reduce_min3A_219 [1] : vector<256x256xf32> to vector<256xf32>
    %broadcast_in_dim3A_221 = vector.shape_cast %reduce_min3A_220 : vector<256xf32> to vector<256x1xf32>
    %eq3A_222 = vector.broadcast %broadcast_in_dim3A_221 : vector<256x1xf32> to vector<256x256xf32>
    %eq3A_223 = arith.cmpf oeq, %select_n3A_218, %eq3A_222 : vector<256x256xf32>
    %jit3A_224 = arith.constant -1 : i32
    %broadcast_in_dim3A_225 = vector.broadcast %jit3A_224 : i32 to vector<256x256xi32>
    %select_n3A_226 = arith.select %eq3A_223, %get3A_4, %broadcast_in_dim3A_225 : vector<256x256xi1>, vector<256x256xi32>
    %reduce_max3A_227 = arith.constant dense<-2147483648> : vector<256xi32>
    %reduce_max3A_228 = vector.multi_reduction <maxsi>, %select_n3A_226, %reduce_max3A_227 [1] : vector<256x256xi32> to vector<256xi32>
    %broadcast_in_dim3A_229 = vector.shape_cast %reduce_max3A_228 : vector<256xi32> to vector<256x1xi32>
    %eq3A_230 = vector.broadcast %broadcast_in_dim3A_229 : vector<256x1xi32> to vector<256x256xi32>
    %eq3A_231 = arith.cmpi eq, %get3A_4, %eq3A_230 : vector<256x256xi32>
    %and3A_232 = arith.andi %eq3A_223, %eq3A_231 : vector<256x256xi1>
    %jit3A_233 = arith.constant 0x7F800000 : f32
    %broadcast_in_dim3A_234 = vector.broadcast %jit3A_233 : f32 to vector<256x256xf32>
    %select_n3A_235 = arith.select %and3A_232, %broadcast_in_dim3A_234, %select_n3A_218 : vector<256x256xi1>, vector<256x256xf32>
    %reduce_min3A_236 = arith.constant dense<0x7F800000> : vector<256xf32>
    %reduce_min3A_237 = vector.multi_reduction <minimumf>, %select_n3A_235, %reduce_min3A_236 [1] : vector<256x256xf32> to vector<256xf32>
    %broadcast_in_dim3A_238 = vector.shape_cast %reduce_min3A_237 : vector<256xf32> to vector<256x1xf32>
    %eq3A_239 = vector.broadcast %broadcast_in_dim3A_238 : vector<256x1xf32> to vector<256x256xf32>
    %eq3A_240 = arith.cmpf oeq, %select_n3A_235, %eq3A_239 : vector<256x256xf32>
    %jit3A_241 = arith.constant -1 : i32
    %broadcast_in_dim3A_242 = vector.broadcast %jit3A_241 : i32 to vector<256x256xi32>
    %select_n3A_243 = arith.select %eq3A_240, %get3A_4, %broadcast_in_dim3A_242 : vector<256x256xi1>, vector<256x256xi32>
    %reduce_max3A_244 = arith.constant dense<-2147483648> : vector<256xi32>
    %reduce_max3A_245 = vector.multi_reduction <maxsi>, %select_n3A_243, %reduce_max3A_244 [1] : vector<256x256xi32> to vector<256xi32>
    %broadcast_in_dim3A_246 = vector.shape_cast %reduce_max3A_245 : vector<256xi32> to vector<256x1xi32>
    %eq3A_247 = vector.broadcast %broadcast_in_dim3A_246 : vector<256x1xi32> to vector<256x256xi32>
    %eq3A_248 = arith.cmpi eq, %get3A_4, %eq3A_247 : vector<256x256xi32>
    %and3A_249 = arith.andi %eq3A_240, %eq3A_248 : vector<256x256xi1>
    %jit3A_250 = arith.constant 0x7F800000 : f32
    %broadcast_in_dim3A_251 = vector.broadcast %jit3A_250 : f32 to vector<256x256xf32>
    %select_n3A_252 = arith.select %and3A_249, %broadcast_in_dim3A_251, %select_n3A_235 : vector<256x256xi1>, vector<256x256xf32>
    %reduce_min3A_253 = arith.constant dense<0x7F800000> : vector<256xf32>
    %reduce_min3A_254 = vector.multi_reduction <minimumf>, %select_n3A_252, %reduce_min3A_253 [1] : vector<256x256xf32> to vector<256xf32>
    %broadcast_in_dim3A_255 = vector.shape_cast %reduce_min3A_254 : vector<256xf32> to vector<256x1xf32>
    %eq3A_256 = vector.broadcast %broadcast_in_dim3A_255 : vector<256x1xf32> to vector<256x256xf32>
    %eq3A_257 = arith.cmpf oeq, %select_n3A_252, %eq3A_256 : vector<256x256xf32>
    %jit3A_258 = arith.constant -1 : i32
    %broadcast_in_dim3A_259 = vector.broadcast %jit3A_258 : i32 to vector<256x256xi32>
    %select_n3A_260 = arith.select %eq3A_257, %get3A_4, %broadcast_in_dim3A_259 : vector<256x256xi1>, vector<256x256xi32>
    %reduce_max3A_261 = arith.constant dense<-2147483648> : vector<256xi32>
    %reduce_max3A_262 = vector.multi_reduction <maxsi>, %select_n3A_260, %reduce_max3A_261 [1] : vector<256x256xi32> to vector<256xi32>
    %broadcast_in_dim3A_263 = vector.shape_cast %reduce_max3A_262 : vector<256xi32> to vector<256x1xi32>
    %eq3A_264 = vector.broadcast %broadcast_in_dim3A_263 : vector<256x1xi32> to vector<256x256xi32>
    %eq3A_265 = arith.cmpi eq, %get3A_4, %eq3A_264 : vector<256x256xi32>
    %and3A_266 = arith.andi %eq3A_257, %eq3A_265 : vector<256x256xi1>
    %jit3A_267 = arith.constant 0x7F800000 : f32
    %broadcast_in_dim3A_268 = vector.broadcast %jit3A_267 : f32 to vector<256x256xf32>
    %select_n3A_269 = arith.select %and3A_266, %broadcast_in_dim3A_268, %select_n3A_252 : vector<256x256xi1>, vector<256x256xf32>
    %reduce_min3A_270 = arith.constant dense<0x7F800000> : vector<256xf32>
    %reduce_min3A_271 = vector.multi_reduction <minimumf>, %select_n3A_269, %reduce_min3A_270 [1] : vector<256x256xf32> to vector<256xf32>
    %broadcast_in_dim3A_272 = vector.shape_cast %reduce_min3A_271 : vector<256xf32> to vector<256x1xf32>
    %eq3A_273 = vector.broadcast %broadcast_in_dim3A_272 : vector<256x1xf32> to vector<256x256xf32>
    %eq3A_274 = arith.cmpf oeq, %select_n3A_269, %eq3A_273 : vector<256x256xf32>
    %jit3A_275 = arith.constant -1 : i32
    %broadcast_in_dim3A_276 = vector.broadcast %jit3A_275 : i32 to vector<256x256xi32>
    %select_n3A_277 = arith.select %eq3A_274, %get3A_4, %broadcast_in_dim3A_276 : vector<256x256xi1>, vector<256x256xi32>
    %reduce_max3A_278 = arith.constant dense<-2147483648> : vector<256xi32>
    %reduce_max3A_279 = vector.multi_reduction <maxsi>, %select_n3A_277, %reduce_max3A_278 [1] : vector<256x256xi32> to vector<256xi32>
    %broadcast_in_dim3A_280 = vector.shape_cast %reduce_max3A_279 : vector<256xi32> to vector<256x1xi32>
    %eq3A_281 = vector.broadcast %broadcast_in_dim3A_280 : vector<256x1xi32> to vector<256x256xi32>
    %eq3A_282 = arith.cmpi eq, %get3A_4, %eq3A_281 : vector<256x256xi32>
    %and3A_283 = arith.andi %eq3A_274, %eq3A_282 : vector<256x256xi1>
    %jit3A_284 = arith.constant 0x7F800000 : f32
    %broadcast_in_dim3A_285 = vector.broadcast %jit3A_284 : f32 to vector<256x256xf32>
    %select_n3A_286 = arith.select %and3A_283, %broadcast_in_dim3A_285, %select_n3A_269 : vector<256x256xi1>, vector<256x256xf32>
    %reduce_min3A_287 = arith.constant dense<0x7F800000> : vector<256xf32>
    %reduce_min3A_288 = vector.multi_reduction <minimumf>, %select_n3A_286, %reduce_min3A_287 [1] : vector<256x256xf32> to vector<256xf32>
    %broadcast_in_dim3A_289 = vector.shape_cast %reduce_min3A_288 : vector<256xf32> to vector<256x1xf32>
    %eq3A_290 = vector.broadcast %broadcast_in_dim3A_289 : vector<256x1xf32> to vector<256x256xf32>
    %eq3A_291 = arith.cmpf oeq, %select_n3A_286, %eq3A_290 : vector<256x256xf32>
    %jit3A_292 = arith.constant -1 : i32
    %broadcast_in_dim3A_293 = vector.broadcast %jit3A_292 : i32 to vector<256x256xi32>
    %select_n3A_294 = arith.select %eq3A_291, %get3A_4, %broadcast_in_dim3A_293 : vector<256x256xi1>, vector<256x256xi32>
    %reduce_max3A_295 = arith.constant dense<-2147483648> : vector<256xi32>
    %reduce_max3A_296 = vector.multi_reduction <maxsi>, %select_n3A_294, %reduce_max3A_295 [1] : vector<256x256xi32> to vector<256xi32>
    %broadcast_in_dim3A_297 = vector.shape_cast %reduce_max3A_296 : vector<256xi32> to vector<256x1xi32>
    %eq3A_298 = vector.broadcast %broadcast_in_dim3A_297 : vector<256x1xi32> to vector<256x256xi32>
    %eq3A_299 = arith.cmpi eq, %get3A_4, %eq3A_298 : vector<256x256xi32>
    %and3A_300 = arith.andi %eq3A_291, %eq3A_299 : vector<256x256xi1>
    %jit3A_301 = arith.constant 0x7F800000 : f32
    %broadcast_in_dim3A_302 = vector.broadcast %jit3A_301 : f32 to vector<256x256xf32>
    %select_n3A_303 = arith.select %and3A_300, %broadcast_in_dim3A_302, %select_n3A_286 : vector<256x256xi1>, vector<256x256xf32>
    %reduce_min3A_304 = arith.constant dense<0x7F800000> : vector<256xf32>
    %reduce_min3A_305 = vector.multi_reduction <minimumf>, %select_n3A_303, %reduce_min3A_304 [1] : vector<256x256xf32> to vector<256xf32>
    %broadcast_in_dim3A_306 = vector.shape_cast %reduce_min3A_305 : vector<256xf32> to vector<256x1xf32>
    %eq3A_307 = vector.broadcast %broadcast_in_dim3A_306 : vector<256x1xf32> to vector<256x256xf32>
    %eq3A_308 = arith.cmpf oeq, %select_n3A_303, %eq3A_307 : vector<256x256xf32>
    %jit3A_309 = arith.constant -1 : i32
    %broadcast_in_dim3A_310 = vector.broadcast %jit3A_309 : i32 to vector<256x256xi32>
    %select_n3A_311 = arith.select %eq3A_308, %get3A_4, %broadcast_in_dim3A_310 : vector<256x256xi1>, vector<256x256xi32>
    %reduce_max3A_312 = arith.constant dense<-2147483648> : vector<256xi32>
    %reduce_max3A_313 = vector.multi_reduction <maxsi>, %select_n3A_311, %reduce_max3A_312 [1] : vector<256x256xi32> to vector<256xi32>
    %broadcast_in_dim3A_314 = vector.shape_cast %reduce_max3A_313 : vector<256xi32> to vector<256x1xi32>
    %eq3A_315 = vector.broadcast %broadcast_in_dim3A_314 : vector<256x1xi32> to vector<256x256xi32>
    %eq3A_316 = arith.cmpi eq, %get3A_4, %eq3A_315 : vector<256x256xi32>
    %and3A_317 = arith.andi %eq3A_308, %eq3A_316 : vector<256x256xi1>
    %jit3A_318 = arith.constant 0x7F800000 : f32
    %broadcast_in_dim3A_319 = vector.broadcast %jit3A_318 : f32 to vector<256x256xf32>
    %select_n3A_320 = arith.select %and3A_317, %broadcast_in_dim3A_319, %select_n3A_303 : vector<256x256xi1>, vector<256x256xf32>
    %reduce_min3A_321 = arith.constant dense<0x7F800000> : vector<256xf32>
    %reduce_min3A_322 = vector.multi_reduction <minimumf>, %select_n3A_320, %reduce_min3A_321 [1] : vector<256x256xf32> to vector<256xf32>
    %broadcast_in_dim3A_323 = vector.shape_cast %reduce_min3A_322 : vector<256xf32> to vector<256x1xf32>
    %eq3A_324 = vector.broadcast %broadcast_in_dim3A_323 : vector<256x1xf32> to vector<256x256xf32>
    %eq3A_325 = arith.cmpf oeq, %select_n3A_320, %eq3A_324 : vector<256x256xf32>
    %jit3A_326 = arith.constant -1 : i32
    %broadcast_in_dim3A_327 = vector.broadcast %jit3A_326 : i32 to vector<256x256xi32>
    %select_n3A_328 = arith.select %eq3A_325, %get3A_4, %broadcast_in_dim3A_327 : vector<256x256xi1>, vector<256x256xi32>
    %reduce_max3A_329 = arith.constant dense<-2147483648> : vector<256xi32>
    %reduce_max3A_330 = vector.multi_reduction <maxsi>, %select_n3A_328, %reduce_max3A_329 [1] : vector<256x256xi32> to vector<256xi32>
    %broadcast_in_dim3A_331 = vector.shape_cast %reduce_max3A_330 : vector<256xi32> to vector<256x1xi32>
    %eq3A_332 = vector.broadcast %broadcast_in_dim3A_331 : vector<256x1xi32> to vector<256x256xi32>
    %eq3A_333 = arith.cmpi eq, %get3A_4, %eq3A_332 : vector<256x256xi32>
    %and3A_334 = arith.andi %eq3A_325, %eq3A_333 : vector<256x256xi1>
    %jit3A_335 = arith.constant 0x7F800000 : f32
    %broadcast_in_dim3A_336 = vector.broadcast %jit3A_335 : f32 to vector<256x256xf32>
    %select_n3A_337 = arith.select %and3A_334, %broadcast_in_dim3A_336, %select_n3A_320 : vector<256x256xi1>, vector<256x256xf32>
    %reduce_min3A_338 = arith.constant dense<0x7F800000> : vector<256xf32>
    %reduce_min3A_339 = vector.multi_reduction <minimumf>, %select_n3A_337, %reduce_min3A_338 [1] : vector<256x256xf32> to vector<256xf32>
    %broadcast_in_dim3A_340 = vector.shape_cast %reduce_min3A_339 : vector<256xf32> to vector<256x1xf32>
    %eq3A_341 = vector.broadcast %broadcast_in_dim3A_340 : vector<256x1xf32> to vector<256x256xf32>
    %eq3A_342 = arith.cmpf oeq, %select_n3A_337, %eq3A_341 : vector<256x256xf32>
    %jit3A_343 = arith.constant -1 : i32
    %broadcast_in_dim3A_344 = vector.broadcast %jit3A_343 : i32 to vector<256x256xi32>
    %select_n3A_345 = arith.select %eq3A_342, %get3A_4, %broadcast_in_dim3A_344 : vector<256x256xi1>, vector<256x256xi32>
    %reduce_max3A_346 = arith.constant dense<-2147483648> : vector<256xi32>
    %reduce_max3A_347 = vector.multi_reduction <maxsi>, %select_n3A_345, %reduce_max3A_346 [1] : vector<256x256xi32> to vector<256xi32>
    %broadcast_in_dim3A_348 = vector.shape_cast %reduce_max3A_347 : vector<256xi32> to vector<256x1xi32>
    %eq3A_349 = vector.broadcast %broadcast_in_dim3A_348 : vector<256x1xi32> to vector<256x256xi32>
    %eq3A_350 = arith.cmpi eq, %get3A_4, %eq3A_349 : vector<256x256xi32>
    %and3A_351 = arith.andi %eq3A_342, %eq3A_350 : vector<256x256xi1>
    %jit3A_352 = arith.constant 0x7F800000 : f32
    %broadcast_in_dim3A_353 = vector.broadcast %jit3A_352 : f32 to vector<256x256xf32>
    %select_n3A_354 = arith.select %and3A_351, %broadcast_in_dim3A_353, %select_n3A_337 : vector<256x256xi1>, vector<256x256xf32>
    %reduce_min3A_355 = arith.constant dense<0x7F800000> : vector<256xf32>
    %reduce_min3A_356 = vector.multi_reduction <minimumf>, %select_n3A_354, %reduce_min3A_355 [1] : vector<256x256xf32> to vector<256xf32>
    %broadcast_in_dim3A_357 = vector.shape_cast %reduce_min3A_356 : vector<256xf32> to vector<256x1xf32>
    %eq3A_358 = vector.broadcast %broadcast_in_dim3A_357 : vector<256x1xf32> to vector<256x256xf32>
    %eq3A_359 = arith.cmpf oeq, %select_n3A_354, %eq3A_358 : vector<256x256xf32>
    %jit3A_360 = arith.constant -1 : i32
    %broadcast_in_dim3A_361 = vector.broadcast %jit3A_360 : i32 to vector<256x256xi32>
    %select_n3A_362 = arith.select %eq3A_359, %get3A_4, %broadcast_in_dim3A_361 : vector<256x256xi1>, vector<256x256xi32>
    %reduce_max3A_363 = arith.constant dense<-2147483648> : vector<256xi32>
    %reduce_max3A_364 = vector.multi_reduction <maxsi>, %select_n3A_362, %reduce_max3A_363 [1] : vector<256x256xi32> to vector<256xi32>
    %broadcast_in_dim3A_365 = vector.shape_cast %reduce_max3A_364 : vector<256xi32> to vector<256x1xi32>
    %eq3A_366 = vector.broadcast %broadcast_in_dim3A_365 : vector<256x1xi32> to vector<256x256xi32>
    %eq3A_367 = arith.cmpi eq, %get3A_4, %eq3A_366 : vector<256x256xi32>
    %and3A_368 = arith.andi %eq3A_359, %eq3A_367 : vector<256x256xi1>
    %jit3A_369 = arith.constant 0x7F800000 : f32
    %broadcast_in_dim3A_370 = vector.broadcast %jit3A_369 : f32 to vector<256x256xf32>
    %select_n3A_371 = arith.select %and3A_368, %broadcast_in_dim3A_370, %select_n3A_354 : vector<256x256xi1>, vector<256x256xf32>
    %reduce_min3A_372 = arith.constant dense<0x7F800000> : vector<256xf32>
    %reduce_min3A_373 = vector.multi_reduction <minimumf>, %select_n3A_371, %reduce_min3A_372 [1] : vector<256x256xf32> to vector<256xf32>
    %broadcast_in_dim3A_374 = vector.shape_cast %reduce_min3A_373 : vector<256xf32> to vector<256x1xf32>
    %eq3A_375 = vector.broadcast %broadcast_in_dim3A_374 : vector<256x1xf32> to vector<256x256xf32>
    %eq3A_376 = arith.cmpf oeq, %select_n3A_371, %eq3A_375 : vector<256x256xf32>
    %jit3A_377 = arith.constant -1 : i32
    %broadcast_in_dim3A_378 = vector.broadcast %jit3A_377 : i32 to vector<256x256xi32>
    %select_n3A_379 = arith.select %eq3A_376, %get3A_4, %broadcast_in_dim3A_378 : vector<256x256xi1>, vector<256x256xi32>
    %reduce_max3A_380 = arith.constant dense<-2147483648> : vector<256xi32>
    %reduce_max3A_381 = vector.multi_reduction <maxsi>, %select_n3A_379, %reduce_max3A_380 [1] : vector<256x256xi32> to vector<256xi32>
    %broadcast_in_dim3A_382 = vector.shape_cast %reduce_max3A_381 : vector<256xi32> to vector<256x1xi32>
    %eq3A_383 = vector.broadcast %broadcast_in_dim3A_382 : vector<256x1xi32> to vector<256x256xi32>
    %eq3A_384 = arith.cmpi eq, %get3A_4, %eq3A_383 : vector<256x256xi32>
    %and3A_385 = arith.andi %eq3A_376, %eq3A_384 : vector<256x256xi1>
    %jit3A_386 = arith.constant 0x7F800000 : f32
    %broadcast_in_dim3A_387 = vector.broadcast %jit3A_386 : f32 to vector<256x256xf32>
    %select_n3A_388 = arith.select %and3A_385, %broadcast_in_dim3A_387, %select_n3A_371 : vector<256x256xi1>, vector<256x256xf32>
    %reduce_min3A_389 = arith.constant dense<0x7F800000> : vector<256xf32>
    %reduce_min3A_390 = vector.multi_reduction <minimumf>, %select_n3A_388, %reduce_min3A_389 [1] : vector<256x256xf32> to vector<256xf32>
    %broadcast_in_dim3A_391 = vector.shape_cast %reduce_min3A_390 : vector<256xf32> to vector<256x1xf32>
    %eq3A_392 = vector.broadcast %broadcast_in_dim3A_391 : vector<256x1xf32> to vector<256x256xf32>
    %eq3A_393 = arith.cmpf oeq, %select_n3A_388, %eq3A_392 : vector<256x256xf32>
    %jit3A_394 = arith.constant -1 : i32
    %broadcast_in_dim3A_395 = vector.broadcast %jit3A_394 : i32 to vector<256x256xi32>
    %select_n3A_396 = arith.select %eq3A_393, %get3A_4, %broadcast_in_dim3A_395 : vector<256x256xi1>, vector<256x256xi32>
    %reduce_max3A_397 = arith.constant dense<-2147483648> : vector<256xi32>
    %reduce_max3A_398 = vector.multi_reduction <maxsi>, %select_n3A_396, %reduce_max3A_397 [1] : vector<256x256xi32> to vector<256xi32>
    %broadcast_in_dim3A_399 = vector.shape_cast %reduce_max3A_398 : vector<256xi32> to vector<256x1xi32>
    %eq3A_400 = vector.broadcast %broadcast_in_dim3A_399 : vector<256x1xi32> to vector<256x256xi32>
    %eq3A_401 = arith.cmpi eq, %get3A_4, %eq3A_400 : vector<256x256xi32>
    %and3A_402 = arith.andi %eq3A_393, %eq3A_401 : vector<256x256xi1>
    %jit3A_403 = arith.constant 0x7F800000 : f32
    %broadcast_in_dim3A_404 = vector.broadcast %jit3A_403 : f32 to vector<256x256xf32>
    %select_n3A_405 = arith.select %and3A_402, %broadcast_in_dim3A_404, %select_n3A_388 : vector<256x256xi1>, vector<256x256xf32>
    %reduce_min3A_406 = arith.constant dense<0x7F800000> : vector<256xf32>
    %reduce_min3A_407 = vector.multi_reduction <minimumf>, %select_n3A_405, %reduce_min3A_406 [1] : vector<256x256xf32> to vector<256xf32>
    %broadcast_in_dim3A_408 = vector.shape_cast %reduce_min3A_407 : vector<256xf32> to vector<256x1xf32>
    %eq3A_409 = vector.broadcast %broadcast_in_dim3A_408 : vector<256x1xf32> to vector<256x256xf32>
    %eq3A_410 = arith.cmpf oeq, %select_n3A_405, %eq3A_409 : vector<256x256xf32>
    %jit3A_411 = arith.constant -1 : i32
    %broadcast_in_dim3A_412 = vector.broadcast %jit3A_411 : i32 to vector<256x256xi32>
    %select_n3A_413 = arith.select %eq3A_410, %get3A_4, %broadcast_in_dim3A_412 : vector<256x256xi1>, vector<256x256xi32>
    %reduce_max3A_414 = arith.constant dense<-2147483648> : vector<256xi32>
    %reduce_max3A_415 = vector.multi_reduction <maxsi>, %select_n3A_413, %reduce_max3A_414 [1] : vector<256x256xi32> to vector<256xi32>
    %broadcast_in_dim3A_416 = vector.shape_cast %reduce_max3A_415 : vector<256xi32> to vector<256x1xi32>
    %eq3A_417 = vector.broadcast %broadcast_in_dim3A_416 : vector<256x1xi32> to vector<256x256xi32>
    %eq3A_418 = arith.cmpi eq, %get3A_4, %eq3A_417 : vector<256x256xi32>
    %and3A_419 = arith.andi %eq3A_410, %eq3A_418 : vector<256x256xi1>
    %jit3A_420 = arith.constant 0x7F800000 : f32
    %broadcast_in_dim3A_421 = vector.broadcast %jit3A_420 : f32 to vector<256x256xf32>
    %select_n3A_422 = arith.select %and3A_419, %broadcast_in_dim3A_421, %select_n3A_405 : vector<256x256xi1>, vector<256x256xf32>
    %reduce_min3A_423 = arith.constant dense<0x7F800000> : vector<256xf32>
    %reduce_min3A_424 = vector.multi_reduction <minimumf>, %select_n3A_422, %reduce_min3A_423 [1] : vector<256x256xf32> to vector<256xf32>
    %broadcast_in_dim3A_425 = vector.shape_cast %reduce_min3A_424 : vector<256xf32> to vector<256x1xf32>
    %eq3A_426 = vector.broadcast %broadcast_in_dim3A_425 : vector<256x1xf32> to vector<256x256xf32>
    %eq3A_427 = arith.cmpf oeq, %select_n3A_422, %eq3A_426 : vector<256x256xf32>
    %jit3A_428 = arith.constant -1 : i32
    %broadcast_in_dim3A_429 = vector.broadcast %jit3A_428 : i32 to vector<256x256xi32>
    %select_n3A_430 = arith.select %eq3A_427, %get3A_4, %broadcast_in_dim3A_429 : vector<256x256xi1>, vector<256x256xi32>
    %reduce_max3A_431 = arith.constant dense<-2147483648> : vector<256xi32>
    %reduce_max3A_432 = vector.multi_reduction <maxsi>, %select_n3A_430, %reduce_max3A_431 [1] : vector<256x256xi32> to vector<256xi32>
    %broadcast_in_dim3A_433 = vector.shape_cast %reduce_max3A_432 : vector<256xi32> to vector<256x1xi32>
    %eq3A_434 = vector.broadcast %broadcast_in_dim3A_433 : vector<256x1xi32> to vector<256x256xi32>
    %eq3A_435 = arith.cmpi eq, %get3A_4, %eq3A_434 : vector<256x256xi32>
    %and3A_436 = arith.andi %eq3A_427, %eq3A_435 : vector<256x256xi1>
    %jit3A_437 = arith.constant 0x7F800000 : f32
    %broadcast_in_dim3A_438 = vector.broadcast %jit3A_437 : f32 to vector<256x256xf32>
    %select_n3A_439 = arith.select %and3A_436, %broadcast_in_dim3A_438, %select_n3A_422 : vector<256x256xi1>, vector<256x256xf32>
    %reduce_min3A_440 = arith.constant dense<0x7F800000> : vector<256xf32>
    %reduce_min3A_441 = vector.multi_reduction <minimumf>, %select_n3A_439, %reduce_min3A_440 [1] : vector<256x256xf32> to vector<256xf32>
    %broadcast_in_dim3A_442 = vector.shape_cast %reduce_min3A_441 : vector<256xf32> to vector<256x1xf32>
    %eq3A_443 = vector.broadcast %broadcast_in_dim3A_442 : vector<256x1xf32> to vector<256x256xf32>
    %eq3A_444 = arith.cmpf oeq, %select_n3A_439, %eq3A_443 : vector<256x256xf32>
    %jit3A_445 = arith.constant -1 : i32
    %broadcast_in_dim3A_446 = vector.broadcast %jit3A_445 : i32 to vector<256x256xi32>
    %select_n3A_447 = arith.select %eq3A_444, %get3A_4, %broadcast_in_dim3A_446 : vector<256x256xi1>, vector<256x256xi32>
    %reduce_max3A_448 = arith.constant dense<-2147483648> : vector<256xi32>
    %reduce_max3A_449 = vector.multi_reduction <maxsi>, %select_n3A_447, %reduce_max3A_448 [1] : vector<256x256xi32> to vector<256xi32>
    %broadcast_in_dim3A_450 = vector.shape_cast %reduce_max3A_449 : vector<256xi32> to vector<256x1xi32>
    %eq3A_451 = vector.broadcast %broadcast_in_dim3A_450 : vector<256x1xi32> to vector<256x256xi32>
    %eq3A_452 = arith.cmpi eq, %get3A_4, %eq3A_451 : vector<256x256xi32>
    %and3A_453 = arith.andi %eq3A_444, %eq3A_452 : vector<256x256xi1>
    %jit3A_454 = arith.constant 0x7F800000 : f32
    %broadcast_in_dim3A_455 = vector.broadcast %jit3A_454 : f32 to vector<256x256xf32>
    %select_n3A_456 = arith.select %and3A_453, %broadcast_in_dim3A_455, %select_n3A_439 : vector<256x256xi1>, vector<256x256xf32>
    %reduce_min3A_457 = arith.constant dense<0x7F800000> : vector<256xf32>
    %reduce_min3A_458 = vector.multi_reduction <minimumf>, %select_n3A_456, %reduce_min3A_457 [1] : vector<256x256xf32> to vector<256xf32>
    %broadcast_in_dim3A_459 = vector.shape_cast %reduce_min3A_458 : vector<256xf32> to vector<256x1xf32>
    %eq3A_460 = vector.broadcast %broadcast_in_dim3A_459 : vector<256x1xf32> to vector<256x256xf32>
    %eq3A_461 = arith.cmpf oeq, %select_n3A_456, %eq3A_460 : vector<256x256xf32>
    %jit3A_462 = arith.constant -1 : i32
    %broadcast_in_dim3A_463 = vector.broadcast %jit3A_462 : i32 to vector<256x256xi32>
    %select_n3A_464 = arith.select %eq3A_461, %get3A_4, %broadcast_in_dim3A_463 : vector<256x256xi1>, vector<256x256xi32>
    %reduce_max3A_465 = arith.constant dense<-2147483648> : vector<256xi32>
    %reduce_max3A_466 = vector.multi_reduction <maxsi>, %select_n3A_464, %reduce_max3A_465 [1] : vector<256x256xi32> to vector<256xi32>
    %broadcast_in_dim3A_467 = vector.shape_cast %reduce_max3A_466 : vector<256xi32> to vector<256x1xi32>
    %eq3A_468 = vector.broadcast %broadcast_in_dim3A_467 : vector<256x1xi32> to vector<256x256xi32>
    %eq3A_469 = arith.cmpi eq, %get3A_4, %eq3A_468 : vector<256x256xi32>
    %and3A_470 = arith.andi %eq3A_461, %eq3A_469 : vector<256x256xi1>
    %jit3A_471 = arith.constant 0x7F800000 : f32
    %broadcast_in_dim3A_472 = vector.broadcast %jit3A_471 : f32 to vector<256x256xf32>
    %select_n3A_473 = arith.select %and3A_470, %broadcast_in_dim3A_472, %select_n3A_456 : vector<256x256xi1>, vector<256x256xf32>
    %reduce_min3A_474 = arith.constant dense<0x7F800000> : vector<256xf32>
    %reduce_min3A_475 = vector.multi_reduction <minimumf>, %select_n3A_473, %reduce_min3A_474 [1] : vector<256x256xf32> to vector<256xf32>
    %broadcast_in_dim3A_476 = vector.shape_cast %reduce_min3A_475 : vector<256xf32> to vector<256x1xf32>
    %eq3A_477 = vector.broadcast %broadcast_in_dim3A_476 : vector<256x1xf32> to vector<256x256xf32>
    %eq3A_478 = arith.cmpf oeq, %select_n3A_473, %eq3A_477 : vector<256x256xf32>
    %jit3A_479 = arith.constant -1 : i32
    %broadcast_in_dim3A_480 = vector.broadcast %jit3A_479 : i32 to vector<256x256xi32>
    %select_n3A_481 = arith.select %eq3A_478, %get3A_4, %broadcast_in_dim3A_480 : vector<256x256xi1>, vector<256x256xi32>
    %reduce_max3A_482 = arith.constant dense<-2147483648> : vector<256xi32>
    %reduce_max3A_483 = vector.multi_reduction <maxsi>, %select_n3A_481, %reduce_max3A_482 [1] : vector<256x256xi32> to vector<256xi32>
    %broadcast_in_dim3A_484 = vector.shape_cast %reduce_max3A_483 : vector<256xi32> to vector<256x1xi32>
    %eq3A_485 = vector.broadcast %broadcast_in_dim3A_484 : vector<256x1xi32> to vector<256x256xi32>
    %eq3A_486 = arith.cmpi eq, %get3A_4, %eq3A_485 : vector<256x256xi32>
    %and3A_487 = arith.andi %eq3A_478, %eq3A_486 : vector<256x256xi1>
    %jit3A_488 = arith.constant 0x7F800000 : f32
    %broadcast_in_dim3A_489 = vector.broadcast %jit3A_488 : f32 to vector<256x256xf32>
    %select_n3A_490 = arith.select %and3A_487, %broadcast_in_dim3A_489, %select_n3A_473 : vector<256x256xi1>, vector<256x256xf32>
    %reduce_min3A_491 = arith.constant dense<0x7F800000> : vector<256xf32>
    %reduce_min3A_492 = vector.multi_reduction <minimumf>, %select_n3A_490, %reduce_min3A_491 [1] : vector<256x256xf32> to vector<256xf32>
    %broadcast_in_dim3A_493 = vector.shape_cast %reduce_min3A_492 : vector<256xf32> to vector<256x1xf32>
    %eq3A_494 = vector.broadcast %broadcast_in_dim3A_493 : vector<256x1xf32> to vector<256x256xf32>
    %eq3A_495 = arith.cmpf oeq, %select_n3A_490, %eq3A_494 : vector<256x256xf32>
    %jit3A_496 = arith.constant -1 : i32
    %broadcast_in_dim3A_497 = vector.broadcast %jit3A_496 : i32 to vector<256x256xi32>
    %select_n3A_498 = arith.select %eq3A_495, %get3A_4, %broadcast_in_dim3A_497 : vector<256x256xi1>, vector<256x256xi32>
    %reduce_max3A_499 = arith.constant dense<-2147483648> : vector<256xi32>
    %reduce_max3A_500 = vector.multi_reduction <maxsi>, %select_n3A_498, %reduce_max3A_499 [1] : vector<256x256xi32> to vector<256xi32>
    %broadcast_in_dim3A_501 = vector.shape_cast %reduce_max3A_500 : vector<256xi32> to vector<256x1xi32>
    %eq3A_502 = vector.broadcast %broadcast_in_dim3A_501 : vector<256x1xi32> to vector<256x256xi32>
    %eq3A_503 = arith.cmpi eq, %get3A_4, %eq3A_502 : vector<256x256xi32>
    %and3A_504 = arith.andi %eq3A_495, %eq3A_503 : vector<256x256xi1>
    %jit3A_505 = arith.constant 0x7F800000 : f32
    %broadcast_in_dim3A_506 = vector.broadcast %jit3A_505 : f32 to vector<256x256xf32>
    %select_n3A_507 = arith.select %and3A_504, %broadcast_in_dim3A_506, %select_n3A_490 : vector<256x256xi1>, vector<256x256xf32>
    %reduce_min3A_508 = arith.constant dense<0x7F800000> : vector<256xf32>
    %reduce_min3A_509 = vector.multi_reduction <minimumf>, %select_n3A_507, %reduce_min3A_508 [1] : vector<256x256xf32> to vector<256xf32>
    %broadcast_in_dim3A_510 = vector.shape_cast %reduce_min3A_509 : vector<256xf32> to vector<256x1xf32>
    %eq3A_511 = vector.broadcast %broadcast_in_dim3A_510 : vector<256x1xf32> to vector<256x256xf32>
    %eq3A_512 = arith.cmpf oeq, %select_n3A_507, %eq3A_511 : vector<256x256xf32>
    %jit3A_513 = arith.constant -1 : i32
    %broadcast_in_dim3A_514 = vector.broadcast %jit3A_513 : i32 to vector<256x256xi32>
    %select_n3A_515 = arith.select %eq3A_512, %get3A_4, %broadcast_in_dim3A_514 : vector<256x256xi1>, vector<256x256xi32>
    %reduce_max3A_516 = arith.constant dense<-2147483648> : vector<256xi32>
    %reduce_max3A_517 = vector.multi_reduction <maxsi>, %select_n3A_515, %reduce_max3A_516 [1] : vector<256x256xi32> to vector<256xi32>
    %broadcast_in_dim3A_518 = vector.shape_cast %reduce_max3A_517 : vector<256xi32> to vector<256x1xi32>
    %eq3A_519 = vector.broadcast %broadcast_in_dim3A_518 : vector<256x1xi32> to vector<256x256xi32>
    %eq3A_520 = arith.cmpi eq, %get3A_4, %eq3A_519 : vector<256x256xi32>
    %and3A_521 = arith.andi %eq3A_512, %eq3A_520 : vector<256x256xi1>
    %jit3A_522 = arith.constant 0x7F800000 : f32
    %broadcast_in_dim3A_523 = vector.broadcast %jit3A_522 : f32 to vector<256x256xf32>
    %select_n3A_524 = arith.select %and3A_521, %broadcast_in_dim3A_523, %select_n3A_507 : vector<256x256xi1>, vector<256x256xf32>
    %reduce_min3A_525 = arith.constant dense<0x7F800000> : vector<256xf32>
    %reduce_min3A_526 = vector.multi_reduction <minimumf>, %select_n3A_524, %reduce_min3A_525 [1] : vector<256x256xf32> to vector<256xf32>
    %broadcast_in_dim3A_527 = vector.shape_cast %reduce_min3A_526 : vector<256xf32> to vector<256x1xf32>
    %eq3A_528 = vector.broadcast %broadcast_in_dim3A_527 : vector<256x1xf32> to vector<256x256xf32>
    %eq3A_529 = arith.cmpf oeq, %select_n3A_524, %eq3A_528 : vector<256x256xf32>
    %jit3A_530 = arith.constant -1 : i32
    %broadcast_in_dim3A_531 = vector.broadcast %jit3A_530 : i32 to vector<256x256xi32>
    %select_n3A_532 = arith.select %eq3A_529, %get3A_4, %broadcast_in_dim3A_531 : vector<256x256xi1>, vector<256x256xi32>
    %reduce_max3A_533 = arith.constant dense<-2147483648> : vector<256xi32>
    %reduce_max3A_534 = vector.multi_reduction <maxsi>, %select_n3A_532, %reduce_max3A_533 [1] : vector<256x256xi32> to vector<256xi32>
    %broadcast_in_dim3A_535 = vector.shape_cast %reduce_max3A_534 : vector<256xi32> to vector<256x1xi32>
    %eq3A_536 = vector.broadcast %broadcast_in_dim3A_535 : vector<256x1xi32> to vector<256x256xi32>
    %eq3A_537 = arith.cmpi eq, %get3A_4, %eq3A_536 : vector<256x256xi32>
    %and3A_538 = arith.andi %eq3A_529, %eq3A_537 : vector<256x256xi1>
    %jit3A_539 = arith.constant 0x7F800000 : f32
    %broadcast_in_dim3A_540 = vector.broadcast %jit3A_539 : f32 to vector<256x256xf32>
    %select_n3A_541 = arith.select %and3A_538, %broadcast_in_dim3A_540, %select_n3A_524 : vector<256x256xi1>, vector<256x256xf32>
    %reduce_min3A_542 = arith.constant dense<0x7F800000> : vector<256xf32>
    %reduce_min3A_543 = vector.multi_reduction <minimumf>, %select_n3A_541, %reduce_min3A_542 [1] : vector<256x256xf32> to vector<256xf32>
    %broadcast_in_dim3A_544 = vector.shape_cast %reduce_min3A_543 : vector<256xf32> to vector<256x1xf32>
    %eq3A_545 = vector.broadcast %broadcast_in_dim3A_544 : vector<256x1xf32> to vector<256x256xf32>
    %eq3A_546 = arith.cmpf oeq, %select_n3A_541, %eq3A_545 : vector<256x256xf32>
    %jit3A_547 = arith.constant -1 : i32
    %broadcast_in_dim3A_548 = vector.broadcast %jit3A_547 : i32 to vector<256x256xi32>
    %select_n3A_549 = arith.select %eq3A_546, %get3A_4, %broadcast_in_dim3A_548 : vector<256x256xi1>, vector<256x256xi32>
    %reduce_max3A_550 = arith.constant dense<-2147483648> : vector<256xi32>
    %reduce_max3A_551 = vector.multi_reduction <maxsi>, %select_n3A_549, %reduce_max3A_550 [1] : vector<256x256xi32> to vector<256xi32>
    %broadcast_in_dim3A_552 = vector.shape_cast %reduce_max3A_551 : vector<256xi32> to vector<256x1xi32>
    %eq3A_553 = vector.broadcast %broadcast_in_dim3A_552 : vector<256x1xi32> to vector<256x256xi32>
    %eq3A_554 = arith.cmpi eq, %get3A_4, %eq3A_553 : vector<256x256xi32>
    %and3A_555 = arith.andi %eq3A_546, %eq3A_554 : vector<256x256xi1>
    %jit3A_556 = arith.constant 0x7F800000 : f32
    %broadcast_in_dim3A_557 = vector.broadcast %jit3A_556 : f32 to vector<256x256xf32>
    %select_n3A_558 = arith.select %and3A_555, %broadcast_in_dim3A_557, %select_n3A_541 : vector<256x256xi1>, vector<256x256xf32>
    %reduce_min3A_559 = arith.constant dense<0x7F800000> : vector<256xf32>
    %reduce_min3A_560 = vector.multi_reduction <minimumf>, %select_n3A_558, %reduce_min3A_559 [1] : vector<256x256xf32> to vector<256xf32>
    %broadcast_in_dim3A_561 = vector.shape_cast %reduce_min3A_560 : vector<256xf32> to vector<256x1xf32>
    %eq3A_562 = vector.broadcast %broadcast_in_dim3A_561 : vector<256x1xf32> to vector<256x256xf32>
    %eq3A_563 = arith.cmpf oeq, %select_n3A_558, %eq3A_562 : vector<256x256xf32>
    %jit3A_564 = arith.constant -1 : i32
    %broadcast_in_dim3A_565 = vector.broadcast %jit3A_564 : i32 to vector<256x256xi32>
    %select_n3A_566 = arith.select %eq3A_563, %get3A_4, %broadcast_in_dim3A_565 : vector<256x256xi1>, vector<256x256xi32>
    %reduce_max3A_567 = arith.constant dense<-2147483648> : vector<256xi32>
    %reduce_max3A_568 = vector.multi_reduction <maxsi>, %select_n3A_566, %reduce_max3A_567 [1] : vector<256x256xi32> to vector<256xi32>
    %broadcast_in_dim3A_569 = vector.shape_cast %reduce_max3A_568 : vector<256xi32> to vector<256x1xi32>
    %eq3A_570 = vector.broadcast %broadcast_in_dim3A_569 : vector<256x1xi32> to vector<256x256xi32>
    %eq3A_571 = arith.cmpi eq, %get3A_4, %eq3A_570 : vector<256x256xi32>
    %and3A_572 = arith.andi %eq3A_563, %eq3A_571 : vector<256x256xi1>
    %jit3A_573 = arith.constant 0x7F800000 : f32
    %broadcast_in_dim3A_574 = vector.broadcast %jit3A_573 : f32 to vector<256x256xf32>
    %select_n3A_575 = arith.select %and3A_572, %broadcast_in_dim3A_574, %select_n3A_558 : vector<256x256xi1>, vector<256x256xf32>
    %reduce_min3A_576 = arith.constant dense<0x7F800000> : vector<256xf32>
    %reduce_min3A_577 = vector.multi_reduction <minimumf>, %select_n3A_575, %reduce_min3A_576 [1] : vector<256x256xf32> to vector<256xf32>
    %broadcast_in_dim3A_578 = vector.shape_cast %reduce_min3A_577 : vector<256xf32> to vector<256x1xf32>
    %eq3A_579 = vector.broadcast %broadcast_in_dim3A_578 : vector<256x1xf32> to vector<256x256xf32>
    %eq3A_580 = arith.cmpf oeq, %select_n3A_575, %eq3A_579 : vector<256x256xf32>
    %jit3A_581 = arith.constant -1 : i32
    %broadcast_in_dim3A_582 = vector.broadcast %jit3A_581 : i32 to vector<256x256xi32>
    %select_n3A_583 = arith.select %eq3A_580, %get3A_4, %broadcast_in_dim3A_582 : vector<256x256xi1>, vector<256x256xi32>
    %reduce_max3A_584 = arith.constant dense<-2147483648> : vector<256xi32>
    %reduce_max3A_585 = vector.multi_reduction <maxsi>, %select_n3A_583, %reduce_max3A_584 [1] : vector<256x256xi32> to vector<256xi32>
    %broadcast_in_dim3A_586 = vector.shape_cast %reduce_max3A_585 : vector<256xi32> to vector<256x1xi32>
    %eq3A_587 = vector.broadcast %broadcast_in_dim3A_586 : vector<256x1xi32> to vector<256x256xi32>
    %eq3A_588 = arith.cmpi eq, %get3A_4, %eq3A_587 : vector<256x256xi32>
    %and3A_589 = arith.andi %eq3A_580, %eq3A_588 : vector<256x256xi1>
    %jit3A_590 = arith.constant 0x7F800000 : f32
    %broadcast_in_dim3A_591 = vector.broadcast %jit3A_590 : f32 to vector<256x256xf32>
    %select_n3A_592 = arith.select %and3A_589, %broadcast_in_dim3A_591, %select_n3A_575 : vector<256x256xi1>, vector<256x256xf32>
    %reduce_min3A_593 = arith.constant dense<0x7F800000> : vector<256xf32>
    %reduce_min3A_594 = vector.multi_reduction <minimumf>, %select_n3A_592, %reduce_min3A_593 [1] : vector<256x256xf32> to vector<256xf32>
    %broadcast_in_dim3A_595 = vector.shape_cast %reduce_min3A_594 : vector<256xf32> to vector<256x1xf32>
    %eq3A_596 = vector.broadcast %broadcast_in_dim3A_595 : vector<256x1xf32> to vector<256x256xf32>
    %eq3A_597 = arith.cmpf oeq, %select_n3A_592, %eq3A_596 : vector<256x256xf32>
    %jit3A_598 = arith.constant -1 : i32
    %broadcast_in_dim3A_599 = vector.broadcast %jit3A_598 : i32 to vector<256x256xi32>
    %select_n3A_600 = arith.select %eq3A_597, %get3A_4, %broadcast_in_dim3A_599 : vector<256x256xi1>, vector<256x256xi32>
    %reduce_max3A_601 = arith.constant dense<-2147483648> : vector<256xi32>
    %reduce_max3A_602 = vector.multi_reduction <maxsi>, %select_n3A_600, %reduce_max3A_601 [1] : vector<256x256xi32> to vector<256xi32>
    %broadcast_in_dim3A_603 = vector.shape_cast %reduce_max3A_602 : vector<256xi32> to vector<256x1xi32>
    %eq3A_604 = vector.broadcast %broadcast_in_dim3A_603 : vector<256x1xi32> to vector<256x256xi32>
    %eq3A_605 = arith.cmpi eq, %get3A_4, %eq3A_604 : vector<256x256xi32>
    %and3A_606 = arith.andi %eq3A_597, %eq3A_605 : vector<256x256xi1>
    %jit3A_607 = arith.constant 0x7F800000 : f32
    %broadcast_in_dim3A_608 = vector.broadcast %jit3A_607 : f32 to vector<256x256xf32>
    %select_n3A_609 = arith.select %and3A_606, %broadcast_in_dim3A_608, %select_n3A_592 : vector<256x256xi1>, vector<256x256xf32>
    %reduce_min3A_610 = arith.constant dense<0x7F800000> : vector<256xf32>
    %reduce_min3A_611 = vector.multi_reduction <minimumf>, %select_n3A_609, %reduce_min3A_610 [1] : vector<256x256xf32> to vector<256xf32>
    %broadcast_in_dim3A_612 = vector.shape_cast %reduce_min3A_611 : vector<256xf32> to vector<256x1xf32>
    %eq3A_613 = vector.broadcast %broadcast_in_dim3A_612 : vector<256x1xf32> to vector<256x256xf32>
    %eq3A_614 = arith.cmpf oeq, %select_n3A_609, %eq3A_613 : vector<256x256xf32>
    %jit3A_615 = arith.constant -1 : i32
    %broadcast_in_dim3A_616 = vector.broadcast %jit3A_615 : i32 to vector<256x256xi32>
    %select_n3A_617 = arith.select %eq3A_614, %get3A_4, %broadcast_in_dim3A_616 : vector<256x256xi1>, vector<256x256xi32>
    %reduce_max3A_618 = arith.constant dense<-2147483648> : vector<256xi32>
    %reduce_max3A_619 = vector.multi_reduction <maxsi>, %select_n3A_617, %reduce_max3A_618 [1] : vector<256x256xi32> to vector<256xi32>
    %broadcast_in_dim3A_620 = vector.shape_cast %reduce_max3A_619 : vector<256xi32> to vector<256x1xi32>
    %eq3A_621 = vector.broadcast %broadcast_in_dim3A_620 : vector<256x1xi32> to vector<256x256xi32>
    %eq3A_622 = arith.cmpi eq, %get3A_4, %eq3A_621 : vector<256x256xi32>
    %and3A_623 = arith.andi %eq3A_614, %eq3A_622 : vector<256x256xi1>
    %jit3A_624 = arith.constant 0x7F800000 : f32
    %broadcast_in_dim3A_625 = vector.broadcast %jit3A_624 : f32 to vector<256x256xf32>
    %select_n3A_626 = arith.select %and3A_623, %broadcast_in_dim3A_625, %select_n3A_609 : vector<256x256xi1>, vector<256x256xf32>
    %reduce_min3A_627 = arith.constant dense<0x7F800000> : vector<256xf32>
    %reduce_min3A_628 = vector.multi_reduction <minimumf>, %select_n3A_626, %reduce_min3A_627 [1] : vector<256x256xf32> to vector<256xf32>
    %broadcast_in_dim3A_629 = vector.shape_cast %reduce_min3A_628 : vector<256xf32> to vector<256x1xf32>
    %eq3A_630 = vector.broadcast %broadcast_in_dim3A_629 : vector<256x1xf32> to vector<256x256xf32>
    %eq3A_631 = arith.cmpf oeq, %select_n3A_626, %eq3A_630 : vector<256x256xf32>
    %jit3A_632 = arith.constant -1 : i32
    %broadcast_in_dim3A_633 = vector.broadcast %jit3A_632 : i32 to vector<256x256xi32>
    %select_n3A_634 = arith.select %eq3A_631, %get3A_4, %broadcast_in_dim3A_633 : vector<256x256xi1>, vector<256x256xi32>
    %reduce_max3A_635 = arith.constant dense<-2147483648> : vector<256xi32>
    %reduce_max3A_636 = vector.multi_reduction <maxsi>, %select_n3A_634, %reduce_max3A_635 [1] : vector<256x256xi32> to vector<256xi32>
    %broadcast_in_dim3A_637 = vector.shape_cast %reduce_max3A_636 : vector<256xi32> to vector<256x1xi32>
    %eq3A_638 = vector.broadcast %broadcast_in_dim3A_637 : vector<256x1xi32> to vector<256x256xi32>
    %eq3A_639 = arith.cmpi eq, %get3A_4, %eq3A_638 : vector<256x256xi32>
    %and3A_640 = arith.andi %eq3A_631, %eq3A_639 : vector<256x256xi1>
    %jit3A_641 = arith.constant 0x7F800000 : f32
    %broadcast_in_dim3A_642 = vector.broadcast %jit3A_641 : f32 to vector<256x256xf32>
    %select_n3A_643 = arith.select %and3A_640, %broadcast_in_dim3A_642, %select_n3A_626 : vector<256x256xi1>, vector<256x256xf32>
    %reduce_min3A_644 = arith.constant dense<0x7F800000> : vector<256xf32>
    %reduce_min3A_645 = vector.multi_reduction <minimumf>, %select_n3A_643, %reduce_min3A_644 [1] : vector<256x256xf32> to vector<256xf32>
    %broadcast_in_dim3A_646 = vector.shape_cast %reduce_min3A_645 : vector<256xf32> to vector<256x1xf32>
    %eq3A_647 = vector.broadcast %broadcast_in_dim3A_646 : vector<256x1xf32> to vector<256x256xf32>
    %eq3A_648 = arith.cmpf oeq, %select_n3A_643, %eq3A_647 : vector<256x256xf32>
    %jit3A_649 = arith.constant -1 : i32
    %broadcast_in_dim3A_650 = vector.broadcast %jit3A_649 : i32 to vector<256x256xi32>
    %select_n3A_651 = arith.select %eq3A_648, %get3A_4, %broadcast_in_dim3A_650 : vector<256x256xi1>, vector<256x256xi32>
    %reduce_max3A_652 = arith.constant dense<-2147483648> : vector<256xi32>
    %reduce_max3A_653 = vector.multi_reduction <maxsi>, %select_n3A_651, %reduce_max3A_652 [1] : vector<256x256xi32> to vector<256xi32>
    %broadcast_in_dim3A_654 = vector.shape_cast %reduce_max3A_653 : vector<256xi32> to vector<256x1xi32>
    %eq3A_655 = vector.broadcast %broadcast_in_dim3A_654 : vector<256x1xi32> to vector<256x256xi32>
    %eq3A_656 = arith.cmpi eq, %get3A_4, %eq3A_655 : vector<256x256xi32>
    %and3A_657 = arith.andi %eq3A_648, %eq3A_656 : vector<256x256xi1>
    %jit3A_658 = arith.constant 0x7F800000 : f32
    %broadcast_in_dim3A_659 = vector.broadcast %jit3A_658 : f32 to vector<256x256xf32>
    %select_n3A_660 = arith.select %and3A_657, %broadcast_in_dim3A_659, %select_n3A_643 : vector<256x256xi1>, vector<256x256xf32>
    %reduce_min3A_661 = arith.constant dense<0x7F800000> : vector<256xf32>
    %reduce_min3A_662 = vector.multi_reduction <minimumf>, %select_n3A_660, %reduce_min3A_661 [1] : vector<256x256xf32> to vector<256xf32>
    %broadcast_in_dim3A_663 = vector.shape_cast %reduce_min3A_662 : vector<256xf32> to vector<256x1xf32>
    %eq3A_664 = vector.broadcast %broadcast_in_dim3A_663 : vector<256x1xf32> to vector<256x256xf32>
    %eq3A_665 = arith.cmpf oeq, %select_n3A_660, %eq3A_664 : vector<256x256xf32>
    %jit3A_666 = arith.constant -1 : i32
    %broadcast_in_dim3A_667 = vector.broadcast %jit3A_666 : i32 to vector<256x256xi32>
    %select_n3A_668 = arith.select %eq3A_665, %get3A_4, %broadcast_in_dim3A_667 : vector<256x256xi1>, vector<256x256xi32>
    %reduce_max3A_669 = arith.constant dense<-2147483648> : vector<256xi32>
    %reduce_max3A_670 = vector.multi_reduction <maxsi>, %select_n3A_668, %reduce_max3A_669 [1] : vector<256x256xi32> to vector<256xi32>
    %broadcast_in_dim3A_671 = vector.shape_cast %reduce_max3A_670 : vector<256xi32> to vector<256x1xi32>
    %eq3A_672 = vector.broadcast %broadcast_in_dim3A_671 : vector<256x1xi32> to vector<256x256xi32>
    %eq3A_673 = arith.cmpi eq, %get3A_4, %eq3A_672 : vector<256x256xi32>
    %and3A_674 = arith.andi %eq3A_665, %eq3A_673 : vector<256x256xi1>
    %jit3A_675 = arith.constant 0x7F800000 : f32
    %broadcast_in_dim3A_676 = vector.broadcast %jit3A_675 : f32 to vector<256x256xf32>
    %select_n3A_677 = arith.select %and3A_674, %broadcast_in_dim3A_676, %select_n3A_660 : vector<256x256xi1>, vector<256x256xf32>
    %reduce_min3A_678 = arith.constant dense<0x7F800000> : vector<256xf32>
    %reduce_min3A_679 = vector.multi_reduction <minimumf>, %select_n3A_677, %reduce_min3A_678 [1] : vector<256x256xf32> to vector<256xf32>
    %broadcast_in_dim3A_680 = vector.shape_cast %reduce_min3A_679 : vector<256xf32> to vector<256x1xf32>
    %eq3A_681 = vector.broadcast %broadcast_in_dim3A_680 : vector<256x1xf32> to vector<256x256xf32>
    %eq3A_682 = arith.cmpf oeq, %select_n3A_677, %eq3A_681 : vector<256x256xf32>
    %jit3A_683 = arith.constant -1 : i32
    %broadcast_in_dim3A_684 = vector.broadcast %jit3A_683 : i32 to vector<256x256xi32>
    %select_n3A_685 = arith.select %eq3A_682, %get3A_4, %broadcast_in_dim3A_684 : vector<256x256xi1>, vector<256x256xi32>
    %reduce_max3A_686 = arith.constant dense<-2147483648> : vector<256xi32>
    %reduce_max3A_687 = vector.multi_reduction <maxsi>, %select_n3A_685, %reduce_max3A_686 [1] : vector<256x256xi32> to vector<256xi32>
    %broadcast_in_dim3A_688 = vector.shape_cast %reduce_max3A_687 : vector<256xi32> to vector<256x1xi32>
    %eq3A_689 = vector.broadcast %broadcast_in_dim3A_688 : vector<256x1xi32> to vector<256x256xi32>
    %eq3A_690 = arith.cmpi eq, %get3A_4, %eq3A_689 : vector<256x256xi32>
    %and3A_691 = arith.andi %eq3A_682, %eq3A_690 : vector<256x256xi1>
    %jit3A_692 = arith.constant 0x7F800000 : f32
    %broadcast_in_dim3A_693 = vector.broadcast %jit3A_692 : f32 to vector<256x256xf32>
    %select_n3A_694 = arith.select %and3A_691, %broadcast_in_dim3A_693, %select_n3A_677 : vector<256x256xi1>, vector<256x256xf32>
    %reduce_min3A_695 = arith.constant dense<0x7F800000> : vector<256xf32>
    %reduce_min3A_696 = vector.multi_reduction <minimumf>, %select_n3A_694, %reduce_min3A_695 [1] : vector<256x256xf32> to vector<256xf32>
    %broadcast_in_dim3A_697 = vector.shape_cast %reduce_min3A_696 : vector<256xf32> to vector<256x1xf32>
    %eq3A_698 = vector.broadcast %broadcast_in_dim3A_697 : vector<256x1xf32> to vector<256x256xf32>
    %eq3A_699 = arith.cmpf oeq, %select_n3A_694, %eq3A_698 : vector<256x256xf32>
    %jit3A_700 = arith.constant -1 : i32
    %broadcast_in_dim3A_701 = vector.broadcast %jit3A_700 : i32 to vector<256x256xi32>
    %select_n3A_702 = arith.select %eq3A_699, %get3A_4, %broadcast_in_dim3A_701 : vector<256x256xi1>, vector<256x256xi32>
    %reduce_max3A_703 = arith.constant dense<-2147483648> : vector<256xi32>
    %reduce_max3A_704 = vector.multi_reduction <maxsi>, %select_n3A_702, %reduce_max3A_703 [1] : vector<256x256xi32> to vector<256xi32>
    %broadcast_in_dim3A_705 = vector.shape_cast %reduce_max3A_704 : vector<256xi32> to vector<256x1xi32>
    %eq3A_706 = vector.broadcast %broadcast_in_dim3A_705 : vector<256x1xi32> to vector<256x256xi32>
    %eq3A_707 = arith.cmpi eq, %get3A_4, %eq3A_706 : vector<256x256xi32>
    %and3A_708 = arith.andi %eq3A_699, %eq3A_707 : vector<256x256xi1>
    %jit3A_709 = arith.constant 0x7F800000 : f32
    %broadcast_in_dim3A_710 = vector.broadcast %jit3A_709 : f32 to vector<256x256xf32>
    %select_n3A_711 = arith.select %and3A_708, %broadcast_in_dim3A_710, %select_n3A_694 : vector<256x256xi1>, vector<256x256xf32>
    %reduce_min3A_712 = arith.constant dense<0x7F800000> : vector<256xf32>
    %reduce_min3A_713 = vector.multi_reduction <minimumf>, %select_n3A_711, %reduce_min3A_712 [1] : vector<256x256xf32> to vector<256xf32>
    %broadcast_in_dim3A_714 = vector.shape_cast %reduce_min3A_713 : vector<256xf32> to vector<256x1xf32>
    %eq3A_715 = vector.broadcast %broadcast_in_dim3A_714 : vector<256x1xf32> to vector<256x256xf32>
    %eq3A_716 = arith.cmpf oeq, %select_n3A_711, %eq3A_715 : vector<256x256xf32>
    %jit3A_717 = arith.constant -1 : i32
    %broadcast_in_dim3A_718 = vector.broadcast %jit3A_717 : i32 to vector<256x256xi32>
    %select_n3A_719 = arith.select %eq3A_716, %get3A_4, %broadcast_in_dim3A_718 : vector<256x256xi1>, vector<256x256xi32>
    %reduce_max3A_720 = arith.constant dense<-2147483648> : vector<256xi32>
    %reduce_max3A_721 = vector.multi_reduction <maxsi>, %select_n3A_719, %reduce_max3A_720 [1] : vector<256x256xi32> to vector<256xi32>
    %broadcast_in_dim3A_722 = vector.shape_cast %reduce_max3A_721 : vector<256xi32> to vector<256x1xi32>
    %eq3A_723 = vector.broadcast %broadcast_in_dim3A_722 : vector<256x1xi32> to vector<256x256xi32>
    %eq3A_724 = arith.cmpi eq, %get3A_4, %eq3A_723 : vector<256x256xi32>
    %and3A_725 = arith.andi %eq3A_716, %eq3A_724 : vector<256x256xi1>
    %jit3A_726 = arith.constant 0x7F800000 : f32
    %broadcast_in_dim3A_727 = vector.broadcast %jit3A_726 : f32 to vector<256x256xf32>
    %select_n3A_728 = arith.select %and3A_725, %broadcast_in_dim3A_727, %select_n3A_711 : vector<256x256xi1>, vector<256x256xf32>
    %reduce_min3A_729 = arith.constant dense<0x7F800000> : vector<256xf32>
    %reduce_min3A_730 = vector.multi_reduction <minimumf>, %select_n3A_728, %reduce_min3A_729 [1] : vector<256x256xf32> to vector<256xf32>
    %broadcast_in_dim3A_731 = vector.shape_cast %reduce_min3A_730 : vector<256xf32> to vector<256x1xf32>
    %eq3A_732 = vector.broadcast %broadcast_in_dim3A_731 : vector<256x1xf32> to vector<256x256xf32>
    %eq3A_733 = arith.cmpf oeq, %select_n3A_728, %eq3A_732 : vector<256x256xf32>
    %jit3A_734 = arith.constant -1 : i32
    %broadcast_in_dim3A_735 = vector.broadcast %jit3A_734 : i32 to vector<256x256xi32>
    %select_n3A_736 = arith.select %eq3A_733, %get3A_4, %broadcast_in_dim3A_735 : vector<256x256xi1>, vector<256x256xi32>
    %reduce_max3A_737 = arith.constant dense<-2147483648> : vector<256xi32>
    %reduce_max3A_738 = vector.multi_reduction <maxsi>, %select_n3A_736, %reduce_max3A_737 [1] : vector<256x256xi32> to vector<256xi32>
    %broadcast_in_dim3A_739 = vector.shape_cast %reduce_max3A_738 : vector<256xi32> to vector<256x1xi32>
    %eq3A_740 = vector.broadcast %broadcast_in_dim3A_739 : vector<256x1xi32> to vector<256x256xi32>
    %eq3A_741 = arith.cmpi eq, %get3A_4, %eq3A_740 : vector<256x256xi32>
    %and3A_742 = arith.andi %eq3A_733, %eq3A_741 : vector<256x256xi1>
    %jit3A_743 = arith.constant 0x7F800000 : f32
    %broadcast_in_dim3A_744 = vector.broadcast %jit3A_743 : f32 to vector<256x256xf32>
    %select_n3A_745 = arith.select %and3A_742, %broadcast_in_dim3A_744, %select_n3A_728 : vector<256x256xi1>, vector<256x256xf32>
    %reduce_min3A_746 = arith.constant dense<0x7F800000> : vector<256xf32>
    %reduce_min3A_747 = vector.multi_reduction <minimumf>, %select_n3A_745, %reduce_min3A_746 [1] : vector<256x256xf32> to vector<256xf32>
    %broadcast_in_dim3A_748 = vector.shape_cast %reduce_min3A_747 : vector<256xf32> to vector<256x1xf32>
    %eq3A_749 = vector.broadcast %broadcast_in_dim3A_748 : vector<256x1xf32> to vector<256x256xf32>
    %eq3A_750 = arith.cmpf oeq, %select_n3A_745, %eq3A_749 : vector<256x256xf32>
    %jit3A_751 = arith.constant -1 : i32
    %broadcast_in_dim3A_752 = vector.broadcast %jit3A_751 : i32 to vector<256x256xi32>
    %select_n3A_753 = arith.select %eq3A_750, %get3A_4, %broadcast_in_dim3A_752 : vector<256x256xi1>, vector<256x256xi32>
    %reduce_max3A_754 = arith.constant dense<-2147483648> : vector<256xi32>
    %reduce_max3A_755 = vector.multi_reduction <maxsi>, %select_n3A_753, %reduce_max3A_754 [1] : vector<256x256xi32> to vector<256xi32>
    %broadcast_in_dim3A_756 = vector.shape_cast %reduce_max3A_755 : vector<256xi32> to vector<256x1xi32>
    %eq3A_757 = vector.broadcast %broadcast_in_dim3A_756 : vector<256x1xi32> to vector<256x256xi32>
    %eq3A_758 = arith.cmpi eq, %get3A_4, %eq3A_757 : vector<256x256xi32>
    %and3A_759 = arith.andi %eq3A_750, %eq3A_758 : vector<256x256xi1>
    %jit3A_760 = arith.constant 0x7F800000 : f32
    %broadcast_in_dim3A_761 = vector.broadcast %jit3A_760 : f32 to vector<256x256xf32>
    %select_n3A_762 = arith.select %and3A_759, %broadcast_in_dim3A_761, %select_n3A_745 : vector<256x256xi1>, vector<256x256xf32>
    %reduce_min3A_763 = arith.constant dense<0x7F800000> : vector<256xf32>
    %reduce_min3A_764 = vector.multi_reduction <minimumf>, %select_n3A_762, %reduce_min3A_763 [1] : vector<256x256xf32> to vector<256xf32>
    %broadcast_in_dim3A_765 = vector.shape_cast %reduce_min3A_764 : vector<256xf32> to vector<256x1xf32>
    %eq3A_766 = vector.broadcast %broadcast_in_dim3A_765 : vector<256x1xf32> to vector<256x256xf32>
    %eq3A_767 = arith.cmpf oeq, %select_n3A_762, %eq3A_766 : vector<256x256xf32>
    %jit3A_768 = arith.constant -1 : i32
    %broadcast_in_dim3A_769 = vector.broadcast %jit3A_768 : i32 to vector<256x256xi32>
    %select_n3A_770 = arith.select %eq3A_767, %get3A_4, %broadcast_in_dim3A_769 : vector<256x256xi1>, vector<256x256xi32>
    %reduce_max3A_771 = arith.constant dense<-2147483648> : vector<256xi32>
    %reduce_max3A_772 = vector.multi_reduction <maxsi>, %select_n3A_770, %reduce_max3A_771 [1] : vector<256x256xi32> to vector<256xi32>
    %broadcast_in_dim3A_773 = vector.shape_cast %reduce_max3A_772 : vector<256xi32> to vector<256x1xi32>
    %eq3A_774 = vector.broadcast %broadcast_in_dim3A_773 : vector<256x1xi32> to vector<256x256xi32>
    %eq3A_775 = arith.cmpi eq, %get3A_4, %eq3A_774 : vector<256x256xi32>
    %and3A_776 = arith.andi %eq3A_767, %eq3A_775 : vector<256x256xi1>
    %jit3A_777 = arith.constant 0x7F800000 : f32
    %broadcast_in_dim3A_778 = vector.broadcast %jit3A_777 : f32 to vector<256x256xf32>
    %select_n3A_779 = arith.select %and3A_776, %broadcast_in_dim3A_778, %select_n3A_762 : vector<256x256xi1>, vector<256x256xf32>
    %reduce_min3A_780 = arith.constant dense<0x7F800000> : vector<256xf32>
    %reduce_min3A_781 = vector.multi_reduction <minimumf>, %select_n3A_779, %reduce_min3A_780 [1] : vector<256x256xf32> to vector<256xf32>
    %broadcast_in_dim3A_782 = vector.shape_cast %reduce_min3A_781 : vector<256xf32> to vector<256x1xf32>
    %eq3A_783 = vector.broadcast %broadcast_in_dim3A_782 : vector<256x1xf32> to vector<256x256xf32>
    %eq3A_784 = arith.cmpf oeq, %select_n3A_779, %eq3A_783 : vector<256x256xf32>
    %jit3A_785 = arith.constant -1 : i32
    %broadcast_in_dim3A_786 = vector.broadcast %jit3A_785 : i32 to vector<256x256xi32>
    %select_n3A_787 = arith.select %eq3A_784, %get3A_4, %broadcast_in_dim3A_786 : vector<256x256xi1>, vector<256x256xi32>
    %reduce_max3A_788 = arith.constant dense<-2147483648> : vector<256xi32>
    %reduce_max3A_789 = vector.multi_reduction <maxsi>, %select_n3A_787, %reduce_max3A_788 [1] : vector<256x256xi32> to vector<256xi32>
    %broadcast_in_dim3A_790 = vector.shape_cast %reduce_max3A_789 : vector<256xi32> to vector<256x1xi32>
    %eq3A_791 = vector.broadcast %broadcast_in_dim3A_790 : vector<256x1xi32> to vector<256x256xi32>
    %eq3A_792 = arith.cmpi eq, %get3A_4, %eq3A_791 : vector<256x256xi32>
    %and3A_793 = arith.andi %eq3A_784, %eq3A_792 : vector<256x256xi1>
    %jit3A_794 = arith.constant 0x7F800000 : f32
    %broadcast_in_dim3A_795 = vector.broadcast %jit3A_794 : f32 to vector<256x256xf32>
    %select_n3A_796 = arith.select %and3A_793, %broadcast_in_dim3A_795, %select_n3A_779 : vector<256x256xi1>, vector<256x256xf32>
    %reduce_min3A_797 = arith.constant dense<0x7F800000> : vector<256xf32>
    %reduce_min3A_798 = vector.multi_reduction <minimumf>, %select_n3A_796, %reduce_min3A_797 [1] : vector<256x256xf32> to vector<256xf32>
    %broadcast_in_dim3A_799 = vector.shape_cast %reduce_min3A_798 : vector<256xf32> to vector<256x1xf32>
    %eq3A_800 = vector.broadcast %broadcast_in_dim3A_799 : vector<256x1xf32> to vector<256x256xf32>
    %eq3A_801 = arith.cmpf oeq, %select_n3A_796, %eq3A_800 : vector<256x256xf32>
    %jit3A_802 = arith.constant -1 : i32
    %broadcast_in_dim3A_803 = vector.broadcast %jit3A_802 : i32 to vector<256x256xi32>
    %select_n3A_804 = arith.select %eq3A_801, %get3A_4, %broadcast_in_dim3A_803 : vector<256x256xi1>, vector<256x256xi32>
    %reduce_max3A_805 = arith.constant dense<-2147483648> : vector<256xi32>
    %reduce_max3A_806 = vector.multi_reduction <maxsi>, %select_n3A_804, %reduce_max3A_805 [1] : vector<256x256xi32> to vector<256xi32>
    %broadcast_in_dim3A_807 = vector.shape_cast %reduce_max3A_806 : vector<256xi32> to vector<256x1xi32>
    %eq3A_808 = vector.broadcast %broadcast_in_dim3A_807 : vector<256x1xi32> to vector<256x256xi32>
    %eq3A_809 = arith.cmpi eq, %get3A_4, %eq3A_808 : vector<256x256xi32>
    %and3A_810 = arith.andi %eq3A_801, %eq3A_809 : vector<256x256xi1>
    %jit3A_811 = arith.constant 0x7F800000 : f32
    %broadcast_in_dim3A_812 = vector.broadcast %jit3A_811 : f32 to vector<256x256xf32>
    %select_n3A_813 = arith.select %and3A_810, %broadcast_in_dim3A_812, %select_n3A_796 : vector<256x256xi1>, vector<256x256xf32>
    %reduce_min3A_814 = arith.constant dense<0x7F800000> : vector<256xf32>
    %reduce_min3A_815 = vector.multi_reduction <minimumf>, %select_n3A_813, %reduce_min3A_814 [1] : vector<256x256xf32> to vector<256xf32>
    %broadcast_in_dim3A_816 = vector.shape_cast %reduce_min3A_815 : vector<256xf32> to vector<256x1xf32>
    %eq3A_817 = vector.broadcast %broadcast_in_dim3A_816 : vector<256x1xf32> to vector<256x256xf32>
    %eq3A_818 = arith.cmpf oeq, %select_n3A_813, %eq3A_817 : vector<256x256xf32>
    %jit3A_819 = arith.constant -1 : i32
    %broadcast_in_dim3A_820 = vector.broadcast %jit3A_819 : i32 to vector<256x256xi32>
    %select_n3A_821 = arith.select %eq3A_818, %get3A_4, %broadcast_in_dim3A_820 : vector<256x256xi1>, vector<256x256xi32>
    %reduce_max3A_822 = arith.constant dense<-2147483648> : vector<256xi32>
    %reduce_max3A_823 = vector.multi_reduction <maxsi>, %select_n3A_821, %reduce_max3A_822 [1] : vector<256x256xi32> to vector<256xi32>
    %broadcast_in_dim3A_824 = vector.shape_cast %reduce_max3A_823 : vector<256xi32> to vector<256x1xi32>
    %eq3A_825 = vector.broadcast %broadcast_in_dim3A_824 : vector<256x1xi32> to vector<256x256xi32>
    %eq3A_826 = arith.cmpi eq, %get3A_4, %eq3A_825 : vector<256x256xi32>
    %and3A_827 = arith.andi %eq3A_818, %eq3A_826 : vector<256x256xi1>
    %jit3A_828 = arith.constant 0x7F800000 : f32
    %broadcast_in_dim3A_829 = vector.broadcast %jit3A_828 : f32 to vector<256x256xf32>
    %select_n3A_830 = arith.select %and3A_827, %broadcast_in_dim3A_829, %select_n3A_813 : vector<256x256xi1>, vector<256x256xf32>
    %reduce_min3A_831 = arith.constant dense<0x7F800000> : vector<256xf32>
    %reduce_min3A_832 = vector.multi_reduction <minimumf>, %select_n3A_830, %reduce_min3A_831 [1] : vector<256x256xf32> to vector<256xf32>
    %broadcast_in_dim3A_833 = vector.shape_cast %reduce_min3A_832 : vector<256xf32> to vector<256x1xf32>
    %eq3A_834 = vector.broadcast %broadcast_in_dim3A_833 : vector<256x1xf32> to vector<256x256xf32>
    %eq3A_835 = arith.cmpf oeq, %select_n3A_830, %eq3A_834 : vector<256x256xf32>
    %jit3A_836 = arith.constant -1 : i32
    %broadcast_in_dim3A_837 = vector.broadcast %jit3A_836 : i32 to vector<256x256xi32>
    %select_n3A_838 = arith.select %eq3A_835, %get3A_4, %broadcast_in_dim3A_837 : vector<256x256xi1>, vector<256x256xi32>
    %reduce_max3A_839 = arith.constant dense<-2147483648> : vector<256xi32>
    %reduce_max3A_840 = vector.multi_reduction <maxsi>, %select_n3A_838, %reduce_max3A_839 [1] : vector<256x256xi32> to vector<256xi32>
    %broadcast_in_dim3A_841 = vector.shape_cast %reduce_max3A_840 : vector<256xi32> to vector<256x1xi32>
    %concatenate3A = tpu.concatenate %broadcast_in_dim3A_9, %broadcast_in_dim3A_25, %broadcast_in_dim3A_42, %broadcast_in_dim3A_59, %broadcast_in_dim3A_76, %broadcast_in_dim3A_93, %broadcast_in_dim3A_110, %broadcast_in_dim3A_127, %broadcast_in_dim3A_144, %broadcast_in_dim3A_161, %broadcast_in_dim3A_178, %broadcast_in_dim3A_195, %broadcast_in_dim3A_212, %broadcast_in_dim3A_229, %broadcast_in_dim3A_246, %broadcast_in_dim3A_263, %broadcast_in_dim3A_280, %broadcast_in_dim3A_297, %broadcast_in_dim3A_314, %broadcast_in_dim3A_331, %broadcast_in_dim3A_348, %broadcast_in_dim3A_365, %broadcast_in_dim3A_382, %broadcast_in_dim3A_399, %broadcast_in_dim3A_416, %broadcast_in_dim3A_433, %broadcast_in_dim3A_450, %broadcast_in_dim3A_467, %broadcast_in_dim3A_484, %broadcast_in_dim3A_501, %broadcast_in_dim3A_518, %broadcast_in_dim3A_535, %broadcast_in_dim3A_552, %broadcast_in_dim3A_569, %broadcast_in_dim3A_586, %broadcast_in_dim3A_603, %broadcast_in_dim3A_620, %broadcast_in_dim3A_637, %broadcast_in_dim3A_654, %broadcast_in_dim3A_671, %broadcast_in_dim3A_688, %broadcast_in_dim3A_705, %broadcast_in_dim3A_722, %broadcast_in_dim3A_739, %broadcast_in_dim3A_756, %broadcast_in_dim3A_773, %broadcast_in_dim3A_790, %broadcast_in_dim3A_807, %broadcast_in_dim3A_824, %broadcast_in_dim3A_841 in 1 : vector<256x1xi32>, vector<256x1xi32>, vector<256x1xi32>, vector<256x1xi32>, vector<256x1xi32>, vector<256x1xi32>, vector<256x1xi32>, vector<256x1xi32>, vector<256x1xi32>, vector<256x1xi32>, vector<256x1xi32>, vector<256x1xi32>, vector<256x1xi32>, vector<256x1xi32>, vector<256x1xi32>, vector<256x1xi32>, vector<256x1xi32>, vector<256x1xi32>, vector<256x1xi32>, vector<256x1xi32>, vector<256x1xi32>, vector<256x1xi32>, vector<256x1xi32>, vector<256x1xi32>, vector<256x1xi32>, vector<256x1xi32>, vector<256x1xi32>, vector<256x1xi32>, vector<256x1xi32>, vector<256x1xi32>, vector<256x1xi32>, vector<256x1xi32>, vector<256x1xi32>, vector<256x1xi32>, vector<256x1xi32>, vector<256x1xi32>, vector<256x1xi32>, vector<256x1xi32>, vector<256x1xi32>, vector<256x1xi32>, vector<256x1xi32>, vector<256x1xi32>, vector<256x1xi32>, vector<256x1xi32>, vector<256x1xi32>, vector<256x1xi32>, vector<256x1xi32>, vector<256x1xi32>, vector<256x1xi32>, vector<256x1xi32> -> vector<256x50xi32>
    %swap3A = arith.constant 0 : index
    %swap3A_842 = arith.constant 0 : index
    %swap3A_843 = vector.load %arg3[%swap3A, %swap3A_842] : memref<256x50xi32, #tpu.memory_space<vmem>>, vector<256x50xi32>
    tpu.vector_store %arg3[%swap3A, %swap3A_842], %concatenate3A {strides = array<i32>} : memref<256x50xi32, #tpu.memory_space<vmem>>, vector<256x50xi32>,
    return
  }
  func.func @transform_0(%arg0: i32) -> (i32, i32) {
    %c0_i32 = arith.constant 0 : i32
    %c0_i32_0 = arith.constant 0 : i32
    return %arg0, %c0_i32 : i32, i32
  }
  func.func @transform_1(%arg0: i32) -> (i32, i32) {
    %c0_i32 = arith.constant 0 : i32
    %c0_i32_0 = arith.constant 0 : i32
    return %arg0, %c0_i32 : i32, i32
  }
  func.func @transform_2(%arg0: i32) -> (i32, i32) {
    %c0_i32 = arith.constant 0 : i32
    %c0_i32_0 = arith.constant 0 : i32
    return %arg0, %c0_i32 : i32, i32
  }
}

</mosaic_0001>

<sc_bundles>
// kernel: kernel.7.cloned.1.call-start
scs
__scs_entry_jumppad:
0x0: {  	(pc) =	sbr.rel $0x88, $3  }
0x1: {  	(tag) =	ssettag $0x0;
	lr =	simm.s32 $0x1  }
0x2: {  	[smem:$0x3F9F] =	sst lr;
	_ =	strace $0xD0000000  }
0x3: {  	_ = 	snop  }
0x4: {  	_ = 	snop  }
0x5: {  	_ = 	snop  }
0x6: {  	_ = 	snop  }
0x7: {  	_ = 	snop  }
__scs_overlays_trampoline_lowered:
0x8: {  	[smem:$0x3FAE] =	sst s0  }
0x9: {  	[smem:$0x3FAF] =	sst s1  }
0xa: {  	[smem:$0x3FB0] =	sst s2  }
0xb: {  	[smem:$0x3FB1] =	sst s3  }
0xc: {  	[smem:$0x3FB2] =	sst s4  }
0xd: {  	[smem:$0x3FB3] =	sst s5  }
0xe: {  	[smem:$0x3FB4] =	sst s6  }
0xf: {  	[smem:$0x3FB5] =	sst s7  }
0x10: {  	[smem:$0x3FB6] =	sst s8  }
0x11: {  	[smem:$0x3FB7] =	sst s9;
	s0 =	simm.s32 @!p0 $0x0  }
0x12: {  	s1 =	sld [smem:$0x3F9D];
	s0 =	simm.s32 @p0 $0x1  }
0x13: {  	[smem:$0x3FB8] =	sst s0;
	s0 =	simm.s32 @!p1 $0x0  }
0x14: {  	s2 =	sld [smem:$0x3F9C];
	s0 =	simm.s32 @p1 $0x1  }
0x15: {  	[smem:$0x3FB9] =	sst s0;
	s0 =	simm.s32 @!p2 $0x0  }
0x16: {  	s3 =	sld [smem:$0x3FDB];
	s0 =	simm.s32 @p2 $0x1  }
0x17: {  	s4 =	simm.s32 $0x1BF5;
	[smem:$0x3FBB] =	sst s0  }
0x18: {  	s0 =	sld [smem:$0x3F9E];
	_ =	swait.ge [sflag:s4], $0x0  }
0x19: {  	s7 =	sld [smem:$0x3F9F]  }
0x1a: {  	s8 =	sadd.s32 $0xFFFFE003, lr  }
0x1b: {  	s9 =	sadd.s32 $0xFFFFFEF7, lr;
	s5 =	simm.s32 $0xFFFFFFFF;
	p2 =	slt.u32 s8, $0xFFFFF086  }
0x1c: {  	p1 =	slt.u32 s9, $0xF7A;
	s5 =	simm.s32 @!p2 $0x0  }
0x1d: {  	s5 =	simm.s32 @p1 $0x1;
	p0 =	seq.s32 s7, s2  }
0x1e: {  	s7 =	smul.u32 @!p0 $0xF7A, s2;
	p2 =	seq.s32 @!p0 s5, $0x0  }
0x1f: {  	s9 =	smul.u32 $0xF7A, s1;
	s8 =	simm.s32 @!p0 $0x1BF5;
	p2 =	por !p2, p0  }
0x20: {  	[sflag:s8] =	ssyncset.s32 @!p0 $0xFFFFF086;
	s6 =	sadd.s32 @!p0 s3, s7;
	s7 =	simm.s32 @!p0 $0x108  }
0x21: {  	s3 =	sadd.s32 s3, s9;
	s6 =	sadd.s32 @!p0 $0x88, s6;
	s7 =	simm.s32 @p2 $0x1082  }
0x22: {  	[simem:s7], [sflag:s8] =	dma.local @!p0 [hbm:s6], $0xF7A  }
0x23: {  	s9 =	sor.u32 $0xD0000000, s2;
	s6 =	simm.s32 $0x108;
	_ =	swait.ge @!p0 [sflag:s8], $0x0  }
0x24: {  	s3 =	sadd.s32 $0x88, s3;
	s6 =	simm.s32 @!p1 $0x1082;
	[sflag:s4] =	ssyncset.s32 $0xFFFFF086  }
0x25: {  	[simem:s6], [sflag:s4] =	dma.local [hbm:s3], $0xF7A  }
0x26: {  	[smem:$0x3F9F] =	sst s1;
	(tag) =	ssettag s2;
	_ =	strace s9  }
0x27: {  	s1 =	sld [smem:$0x3FAF]  }
0x28: {  	s2 =	sld [smem:$0x3FB0]  }
0x29: {  	s4 =	sld [smem:$0x3FB2]  }
0x2a: {  	p0 =	seq.s32 s5, $0x0;
	s5 =	sld [smem:$0x3FB3]  }
0x2b: {  	s6 =	sld [smem:$0x3FB4]  }
0x2c: {  	s7 =	sld [smem:$0x3FB5]  }
0x2d: {  	s3 =	simm.s32 $0x108;
	s8 =	sld [smem:$0x3FB6]  }
0x2e: {  	s3 =	simm.s32 @!p0 $0x1082;
	s9 =	sld [smem:$0x3FB7]  }
0x2f: {  	lr =	sadd.s32 s0, s3;
	s0 =	sld [smem:$0x3FAE]  }
0x30: {  	s3 =	sld [smem:$0x3FB1]  }
0x31: {  	[smem:$0x3FBA] =	sst s10  }
0x32: {  	s10 =	sld [smem:$0x3FB8];
	_ =	sdelay $0x3  }
0x33: {  	p0 =	seq.s32 s10, $0x1;
	s10 =	sld [smem:$0x3FBA];
	_ =	sdelay $0x3  }
0x34: {  	[smem:$0x3FBA] =	sst s10  }
0x35: {  	s10 =	sld [smem:$0x3FB9];
	_ =	sdelay $0x3  }
0x36: {  	p1 =	seq.s32 s10, $0x1;
	s10 =	sld [smem:$0x3FBA];
	_ =	sdelay $0x3  }
0x37: {  	[smem:$0x3FBA] =	sst s10  }
0x38: {  	s10 =	sld [smem:$0x3FBB]  }
0x39: {  	_ = 	snop;
	(pc) =	sbr.ind lr, $3  }
0x3a: {  	_ = 	snop  }
0x3b: {  	_ = 	snop  }
0x3c: {  	p2 =	seq.s32 s10, $0x1;
	s10 =	sld [smem:$0x3FBA]  }
0x3d: {  	_ =	shalt  }
0x3e: {  	_ =	shalt  }
0x3f: {  	_ =	shalt  }
0x40: {  	_ =	shalt  }
0x41: {  	_ =	shalt  }
0x42: {  	_ =	shalt  }
0x43: {  	_ =	shalt  }
0x44: {  	_ =	shalt  }
0x45: {  	_ =	shalt  }
0x46: {  	_ =	shalt  }
0x47: {  	_ =	shalt  }
0x48: {  	_ =	shalt  }
0x49: {  	_ =	shalt  }
0x4a: {  	_ =	shalt  }
0x4b: {  	_ =	shalt  }
0x4c: {  	_ =	shalt  }
0x4d: {  	_ =	shalt  }
0x4e: {  	_ =	shalt  }
0x4f: {  	_ =	shalt  }
0x50: {  	_ =	shalt  }
0x51: {  	_ =	shalt  }
0x52: {  	_ =	shalt  }
0x53: {  	_ =	shalt  }
0x54: {  	_ =	shalt  }
0x55: {  	_ =	shalt  }
0x56: {  	_ =	shalt  }
0x57: {  	_ =	shalt  }
0x58: {  	_ =	shalt  }
0x59: {  	_ =	shalt  }
0x5a: {  	_ =	shalt  }
0x5b: {  	_ =	shalt  }
0x5c: {  	_ =	shalt  }
0x5d: {  	_ =	shalt  }
0x5e: {  	_ =	shalt  }
0x5f: {  	_ =	shalt  }
0x60: {  	_ =	shalt  }
0x61: {  	_ =	shalt  }
0x62: {  	_ =	shalt  }
0x63: {  	_ =	shalt  }
0x64: {  	_ =	shalt  }
0x65: {  	_ =	shalt  }
0x66: {  	_ =	shalt  }
0x67: {  	_ =	shalt  }
0x68: {  	_ =	shalt  }
0x69: {  	_ =	shalt  }
0x6a: {  	_ =	shalt  }
0x6b: {  	_ =	shalt  }
0x6c: {  	_ =	shalt  }
0x6d: {  	_ =	shalt  }
0x6e: {  	_ =	shalt  }
0x6f: {  	_ =	shalt  }
0x70: {  	_ =	shalt  }
0x71: {  	_ =	shalt  }
0x72: {  	_ =	shalt  }
0x73: {  	_ =	shalt  }
0x74: {  	_ =	shalt  }
0x75: {  	_ =	shalt  }
0x76: {  	_ =	shalt  }
0x77: {  	_ =	shalt  }
0x78: {  	_ =	shalt  }
0x79: {  	_ =	shalt  }
0x7a: {  	_ =	shalt  }
0x7b: {  	_ =	shalt  }
0x7c: {  	_ =	shalt  }
0x7d: {  	_ =	shalt  }
0x7e: {  	_ =	shalt  }
0x7f: {  	_ =	shalt  }
0x80: {  	_ =	shalt  }
0x81: {  	_ =	shalt  }
0x82: {  	_ =	shalt  }
0x83: {  	_ =	shalt  }
0x84: {  	_ =	shalt  }
0x85: {  	_ =	shalt  }
0x86: {  	_ =	shalt  }
0x87: {  	_ =	shalt  }
.Lfunc_end0:
.L_simem_size_0:
called_computation.1_lowered:
.L_overlay_start_0:
0x88: {  	s2 =	sld [smem:$0x3FD9]  }
0x89: {  	s3 =	sld [smem:$0x3FFE];
	_ =	sdelay $0x1  }
0x8a: {  	s1 =	srdreg.scid  }
0x8b: {  	s0 =	sand.u32 $0x1, s1  }
0x8c: {  	s16 =	sshll.u32 s0, $0xA;
	s2 =	sadd.s32 s3, s2  }
0x8d: {  	s2 =	sadd.s32 s2, s16  }
0x8e: {  	[smem:$0x3FC6] =	sst s2  }
0x8f: {  	_ = 	snop  }
0x90: {  	(tm) =	ssettm $0x1  }
0x91: {  	s17 =	sld [smem:$0x3FFB];
	_ =	sdelay $0x3  }
0x92: {  	_ =	strace s17  }
0x93: {  	s2 =	sld [smem:$0x3FFC];
	_ =	sdelay $0x3  }
0x94: {  	_ =	strace s2  }
0x95: {  	s2 =	sld [smem:$0x3FFD];
	_ =	sdelay $0x3  }
0x96: {  	_ =	strace s2  }
0x97: {  	_ =	strace $0x8FFFFFFF  }
0x98: {  	s18 =	sld [smem:$0x3FDB];
	_ =	sdelay $0x1  }
0x99: {  	s19 =	simm.s32 $_scs_section_size  }
0x9a: {  	s4 =	simm.s32 $_size__tile_overlayer_lowered;
	s5 =	simm.s32 $_tile_overlayer_lowered  }
0x9b: {  	s22 =	simm.s32 $0x1BFF;
	s21 =	sshll.u32 s5, $0x1;
	s2 =	sadd.s32 s19, s18  }
0x9c: {  	s6 =	simm.s32 $0x0;
	s20 =	sshll.u32 s4, $0x1;
	s4 =	sadd.s32 s21, s2  }
0x9d: {  	[timem:s6], [sflag:s22] =	dma.local [hbm:s4], s20  }
0x9e: {  	_ =	swait.ge [sflag:s22], s20  }
0x9f: {  	s3 =	ssub.s32 $0x0, s20;
	[sflag:s22] =	ssyncset.done $0x0  }
0xa0: {  	[sflag:s22] =	ssyncadd.s32 s3;
	_ =	sdelay $0x1  }
0xa1: {  	s23 =	simm.s32 $0x1B8B  }
0xa2: {  	_ =	swait.ge [sflag:s23], $0x1  }
0xa3: {  	[sflag:s23] =	ssyncset.done $0x0  }
0xa4: {  	s25 =	simm.s32 $0x1B8E;
	s24 =	sld [smem:$0x3FFE];
	[sflag:s23] =	ssyncadd.s32 $0xFFFFFFFF  }
0xa5: {  	s26 =	simm.s32 $execute0_lowered;
	[smem:$0x3FD2] =	sst s25  }
0xa6: {  	s4 =	sshll.u32 s26, $0x1;
	_ =	strace $0x80000049;
	[dreg:$0x1] =	wrdreg $0xFFFFFFFF  }
0xa7: {  	s28 =	simm.s32 $_size_execute0_lowered;
	s2 =	sadd.s32 s2, s4;
	[dreg:$0x0] =	wrdreg $0x0  }
0xa8: {  	s4 =	sshll.u32 s28, $0x1;
	[dreg:$0x2] =	wrdreg s2  }
0xa9: {  	[dreg:$0x3] =	wrdreg s4  }
0xaa: {  	[dreg:$0x4] =	wrdreg $0xC0  }
0xab: {  	_ =	task [dreg:s6], $0x5FFFF  }
0xac: {  	[dreg:$0x1] =	wrdreg $0xFFFFFFFF  }
0xad: {  	[dreg:$0x0] =	wrdreg $0x60  }
0xae: {  	[dreg:$0x2] =	wrdreg s24  }
0xaf: {  	[dreg:$0x3] =	wrdreg $0x9  }
0xb0: {  	_ =	task.clear_ibuf [dreg:s6], $0x4FFFF;
	_ =	strace $0x90000049  }
0xb1: {  	s29 =	simm.s32 $0x9;
	_ =	strace $0x8000004B  }
0xb2: {  	_ =	swait.ge [sflag:s29], $0x1  }
0xb3: {  	[sflag:s29] =	ssyncadd.s32 $0xFFFFFFFF  }
0xb4: {  	_ =	strace $0x9000004B  }
0xb5: {  	_ =	sfence  }
0xb6: {  	s30 =	sld [smem:$0x0];
	_ =	sdelay $0x2  }
0xb7: {  	s31 =	sshll.u32 s1, $0xD;
	s1 =	sshrl.u32 s1, $0x2  }
0xb8: {  	s3 =	sand.u32 $0x4000, s31;
	s1 =	sadd.s32 s1, s30  }
0xb9: {  	s0 =	sor.u32 s3, s0;
	s1 =	sshll.u32 s1, $0x11  }
0xba: {  	s0 =	sor.u32 s1, s0  }
0xbb: {  	s0 =	sadd.s32 $0x8F2B, s0  }
0xbc: {  	[sflag:s0] =	ssyncadd.remote.s32 $0x1  }
0xbd: {  	_ =	sfence.sel $0xFFFF  }
0xbe: {  	[dreg:$0x0] =	wrdreg $0xFFFFFFFF;
	(pc) =	sbr.abs _section_cstart, $3  }
0xbf: {  	[dreg:$0x1] =	wrdreg $0xFFFFFFFF  }
0xc0: {  	_ =	task.clear_ibuf [dreg:s6], $0x2FFFF;
	_ =	strace $0x9FFFFFFF  }
0xc1: {  	(tm) =	ssettm $0x7FFFFFFF  }
tec
execute0_lowered:
.L_overlay_start_1:
0x0: {  	(tag) =	ssettag $0x1  }
0x1: {  	s7 =	rddreg [dreg:$0x0];
	s1 =	simm.s32 $0x0  }
0x2: {  	s3 =	srdreg.scid;
	s11 =	simm.s32 $0x2;
	s12 =	simm.s32 $0x80  }
0x3: {  	s13 =	simm.s32 $0x400;
	s14 =	simm.s32 $0x1880;
	s15 =	simm.s32 $0x1  }
0x4: {  	s16 =	simm.s32 $0x2B00;
	s17 =	simm.s32 $0x2C80;
	s18 =	simm.s32 $0x0  }
0x5: {  	[smem:$0x7FF] =	sst s1;
	s2 =	sadd.s32 $0xF4EC00, s7;
	s8 =	sand.u32 $0x1, s3  }
.Ltmp0:
0x6: {  	s4 =	sadd.s32 $0x200, s7;
	s5 =	sadd.s32 $0xC4200, s7;
	(pc) =	sbr.rel .LBB2_1-.Ltmp0, $4  }
0x7: {  	s6 =	sadd.s32 $0xC8200, s7;
	s3 =	stileid.u32;
	s9 =	ssub.s32 $0x2, s8  }
0x8: {  	s7 =	sadd.s32 $0xD0200, s7;
	_ =	strace $0x8000004A;
	s10 =	sshrl.u32 s9, $0x1  }
0x9: {  	v0 =	vimm.f32 $+Inf;
	v1 =	vlaneseq.u32;
	s31 =	sshll.u32 s3, $0x6;
	s8 =	sshll.u32 s8, $0x5;
	s9 =	ssub.s32 s9, s10  }
0xa: {  	v2 =	vimm.s32 $0x0;
	vm0 =	vmmov $0xffff;
	v3 =	vmul.u32 $0x80, v1;
	s8 =	sor.u32 s8, s31;
	s10 =	simm.s32 $0x2E00;
	s9 =	smax.u32 s9, $0x1  }
.LBB2_19:
0xb: {  	s18 =	sadd.s32 $0x1, s18  }
0xc: {  	p0 =	sne.s32 s18, s9  }
.Ltmp1:
0xd: {  	_ = 	snop;
	(pc) =	sbr.rel @!p0 .LBB2_20-.Ltmp1, $1  }
0xe: {  	_ =	sdelay $0x3  }
.LBB2_1:
.Ltmp2:
0xf: {  	(pc) =	sbr.rel .LBB2_2-.Ltmp2, $2  }
0x10: {  	_ =	sdelay $0x2  }
0x11: {  	s19 =	simm.s32 $0x0  }
.LBB2_13:
0x12: {  	s28 =	simm.s32 $0x1A00  }
.LBB2_17:
0x13: {  	_ =	sdelay $0x4  }
0x14: {  	[tilespmem:v5+s17+$0x0] =	vst.idx.msk @p0 vm1, v7  }
0x15: {  	v5 =	vld.idx.msk [tilespmem:v6+s14+$0x0], $0xffff;
	_ =	sdelay $0x4  }
0x16: {  	(v2sf) =	vpush v5, $0x0;
	_ =	sdelay $0x2  }
0x17: {  	s0 =	sadd.s32 @p0 $0x10, s28  }
0x18: {  	s24 =	smov.u32 @p0 s0  }
0x19: {  	v5 =	vld [tilespmem:s24+$0x0];
	_ =	sdelay $0x4  }
0x1a: {  	vm1 =	vle.f32 v5, v4  }
0x1b: {  	v4 =	vmpcnt.ones.xlane vm1;
	_ =	sdelay $0x1  }
0x1c: {  	(v2sf) =	vpush v4, $0x0  }
0x1d: {  	v4 =	vsel vm1, $0x1, v2  }
0x1e: {  	p1 =	por !p2, !p0;
	(xrf0) =	vadd.scan.msk.s32 $0xffff, v4;
	s29 =	spop (v2sf)  }
0x1f: {  	s25 =	simm.s32 @p1 $0x100;
	s22 =	sshra.s32 s29, $0x1F  }
0x20: {  	s23 =	smov.u32 @p0 s25;
	s22 =	sshrl.u32 s22, $0x19  }
0x21: {  	v4 =	vmov s23;
	s22 =	sadd.s32 s22, s29  }
0x22: {  	v4 =	vadd.s32 $0xFFFFFFFF, v4;
	s30 =	sand.u32 $0xFFFFFF80, s22  }
0x23: {  	v4 =	vbroadcast v4, $0x0;
	p5 =	slt.s32 s29, $0x1;
	p6 =	sne.s32 s29, s30  }
0x24: {  	v62, _, _ =	vpop (xrf0);
	p0 =	por !p5, !p6  }
0x25: {  	s23 =	simm.s32 $0x1;
	v4 =	vadd.s32 v62, v4;
	p0 =	por !p0, !p0  }
0x26: {  	s22 =	sshrl.u32 s22, $0x7;
	s23 =	simm.s32 @!p0 $0x0  }
0x27: {  	s22 =	ssub.s32 s22, s23  }
0x28: {  	s0 =	sand.u32 $0x7F, s29;
	s22 =	sshll.u32 s22, $0xB  }
0x29: {  	s0 =	sor.u32 s0, s22  }
0x2a: {  	[tilespmem:v4+s16+$0x0] =	vst.idx.msk vm1, v5;
	v63 =	vor.u32 s0, v3  }
0x2b: {  	s31 =	spop (v2sf);
	[tilespmem:v4+s17+$0x0] =	vst.idx.msk vm1, v63  }
.LBB2_18:
0x2c: {  	s0 =	sshll.u32 s20, $0xB  }
0x2d: {  	s0 =	sor.u32 s21, s0  }
0x2e: {  	s0 =	sshrl.u32 s0, $0x3  }
0x2f: {  	s31 =	sadd.s32 s6, s0  }
0x30: {  	[hbm4b:s31+s12] =	stream.strided.scatter [tilespmem:s16], [sflag:$0x2], $0x100, s13, s12, $0x38;
	[tilespmem:$0x2E80] =	vst v63  }
0x31: {  	s19 =	sadd.s32 $0x1, s19;
	_ =	swait.ge [sflag:s11], $0x100  }
0x32: {  	p0 =	sne.s32 s19, $0x20;
	[sflag:s11] =	ssyncset.done $0x0  }
.Ltmp3:
0x33: {  	s0 =	sadd.s32 s7, s0;
	[sflag:s11] =	ssyncadd.s32 $0xFFFFFF00;
	(pc) =	sbr.rel @!p0 .LBB2_19-.Ltmp3, $4  }
0x34: {  	[hbm4b:s0+s12] =	stream.strided.scatter [tilespmem:s17], [sflag:$0x2], $0x100, s13, s12, $0x38;
	[tilespmem:$0x2E80] =	vst v63  }
0x35: {  	_ =	swait.ge [sflag:s11], $0x100  }
0x36: {  	[sflag:s11] =	ssyncset.done $0x0  }
0x37: {  	[sflag:s11] =	ssyncadd.s32 $0xFFFFFF00  }
.LBB2_2:
0x38: {  	s23 =	sadd.s32 s8, s19  }
0x39: {  	s21 =	sshll.u32 s19, $0x7;
	s20 =	sshrl.u32 s23, $0x3  }
0x3a: {  	s21 =	sand.u32 $0x380, s21;
	s22 =	sshll.u32 s20, $0xA  }
0x3b: {  	s22 =	sor.u32 s21, s22  }
0x3c: {  	s22 =	sshrl.u32 s22, $0x3  }
0x3d: {  	s24 =	simm.s32 $0x0;
	s30 =	smul.u32 $0xC400, s20;
	s22 =	sadd.s32 s5, s22  }
0x3e: {  	[tilespmem:s10], [sflag:$0x2] =	stream.linear.gather [hbm4b:s22+s24], $0x80, $0x38;
	[tilespmem:$0x2E80] =	vst v63  }
0x3f: {  	s22 =	sor.u32 s21, s30;
	_ =	swait.ge [sflag:s11], $0x80  }
0x40: {  	s22 =	sshrl.u32 s22, $0x3;
	[sflag:s11] =	ssyncset.done $0x0  }
0x41: {  	s22 =	sadd.s32 s4, s22;
	[sflag:s11] =	ssyncadd.s32 $0xFFFFFF80  }
0x42: {  	v4 =	vld [tilespmem:$0x2E00];
	[tilespmem:s24], [sflag:$0x2] =	stream.strided.gather [hbm4b:s22+s12], $0x1880, s13, s12, $0x38  }
0x43: {  	_ =	swait.ge [sflag:s11], $0x1880  }
0x44: {  	[sflag:s11] =	ssyncset.done $0x0  }
0x45: {  	[sflag:s11] =	ssyncadd.s32 $0xFFFFE780  }
0x46: {  	[tilespmem:$0x2B00] =	vst v0  }
0x47: {  	[tilespmem:$0x2C80] =	vst v2  }
0x48: {  	[tilespmem:$0x2B10] =	vst v0  }
0x49: {  	[tilespmem:$0x2C90] =	vst v2  }
0x4a: {  	[tilespmem:$0x2B20] =	vst v0  }
0x4b: {  	[tilespmem:$0x2CA0] =	vst v2  }
0x4c: {  	[tilespmem:$0x2B30] =	vst v0  }
0x4d: {  	[tilespmem:$0x2CB0] =	vst v2  }
0x4e: {  	[tilespmem:$0x2B40] =	vst v0  }
0x4f: {  	[tilespmem:$0x2CC0] =	vst v2  }
0x50: {  	[tilespmem:$0x2B50] =	vst v0  }
0x51: {  	[tilespmem:$0x2CD0] =	vst v2  }
0x52: {  	[tilespmem:$0x2B60] =	vst v0  }
0x53: {  	[tilespmem:$0x2CE0] =	vst v2  }
0x54: {  	[tilespmem:$0x2B70] =	vst v0  }
0x55: {  	[tilespmem:$0x2CF0] =	vst v2  }
0x56: {  	[tilespmem:$0x2B80] =	vst v0  }
0x57: {  	[tilespmem:$0x2D00] =	vst v2  }
0x58: {  	[tilespmem:$0x2B90] =	vst v0  }
0x59: {  	[tilespmem:$0x2D10] =	vst v2  }
0x5a: {  	[tilespmem:$0x2BA0] =	vst v0  }
0x5b: {  	[tilespmem:$0x2D20] =	vst v2  }
0x5c: {  	[tilespmem:$0x2BB0] =	vst v0  }
0x5d: {  	[tilespmem:$0x2D30] =	vst v2  }
0x5e: {  	[tilespmem:$0x2BC0] =	vst v0  }
0x5f: {  	[tilespmem:$0x2D40] =	vst v2  }
0x60: {  	[tilespmem:$0x2BD0] =	vst v0  }
0x61: {  	[tilespmem:$0x2D50] =	vst v2  }
0x62: {  	[tilespmem:$0x2BE0] =	vst v0  }
0x63: {  	[tilespmem:$0x2D60] =	vst v2  }
0x64: {  	[tilespmem:$0x2BF0] =	vst v0  }
0x65: {  	[tilespmem:$0x2D70] =	vst v2  }
0x66: {  	[tilespmem:$0x2C00] =	vst v0  }
0x67: {  	[tilespmem:$0x2D80] =	vst v2  }
0x68: {  	v5 =	vld [tilespmem:s24+$0x0];
	_ =	sdelay $0x4  }
0x69: {  	vm1 =	vle.f32 v5, v4  }
0x6a: {  	v5 =	vsel vm1, $0x1, v2;
	v6 =	vmpcnt.ones.xlane vm1  }
0x6b: {  	(xrf0) =	vadd.scan.msk.s32 $0xffff, v5  }
0x6c: {  	(v2sf) =	vpush v6, $0x0;
	_ =	sdelay $0x1  }
0x6d: {  	v5 =	vmov s24  }
0x6e: {  	v5 =	vadd.s32 $0xFFFFFFFF, v5  }
0x6f: {  	v5 =	vbroadcast v5, $0x0  }
0x70: {  	v6, _, _ =	vpop (xrf0)  }
0x71: {  	v5 =	vadd.s32 v6, v5;
	_ =	sdelay $0x3  }
0x72: {  	v6 =	vor.u32 s24, v1  }
0x73: {  	s24 =	simm.s32 $0x10;
	[tilespmem:v5+s14+$0x0] =	vst.idx.msk vm1, v6  }
0x74: {  	v5 =	vld [tilespmem:s24+$0x0];
	_ =	sdelay $0x2  }
0x75: {  	s31 =	spop (v2sf)  }
0x76: {  	s22 =	sadd.s32 $0x0, s31  }
0x77: {  	s25 =	simm.s32 $0x20;
	s26 =	simm.s32 $0x10;
	vm1 =	vle.f32 v5, v4;
	p1 =	slt.s32 s22, $0x100  }
.LBB2_3:
0x78: {  	p0 =	sne.s32 s25, $0x1870  }
0x79: {  	v5 =	vsel vm1, $0x1, v2;
	v6 =	vmpcnt.ones.xlane vm1;
	s22 =	simm.s32 @!p1 $0x100;
	s28 =	smov.u32 s25;
	s25 =	sadd.s32 $0x10, s25  }
0x7a: {  	v7 =	vmov s22;
	(xrf0) =	vadd.scan.msk.s32 $0xffff, v5  }
0x7b: {  	v5 =	vadd.s32 $0xFFFFFFFF, v7;
	(v2sf) =	vpush v6, $0x0;
	_ =	sdelay $0x3  }
0x7c: {  	v5 =	vbroadcast v5, $0x0  }
0x7d: {  	v6, _, _ =	vpop (xrf0)  }
0x7e: {  	v5 =	vadd.s32 v6, v5;
	_ =	sdelay $0x3  }
0x7f: {  	v6 =	vor.u32 s24, v1;
	s24 =	smov.u32 s28  }
0x80: {  	s26 =	sadd.s32 $0x10, s26;
	[tilespmem:v5+s14+$0x0] =	vst.idx.msk vm1, v6  }
0x81: {  	v5 =	vld [tilespmem:s26+$0x0]  }
.Ltmp4:
0x82: {  	(pc) =	sbr.rel @p0 .LBB2_3-.Ltmp4, $4  }
0x83: {  	_ = 	snop  }
0x84: {  	s28 =	spop (v2sf)  }
0x85: {  	s22 =	sadd.s32 s22, s28  }
0x86: {  	vm1 =	vle.f32 v5, v4;
	p1 =	slt.s32 s22, $0x100  }
0x87: {  	v5 =	vmpcnt.ones.xlane vm1;
	_ =	sdelay $0x1  }
0x88: {  	(v2sf) =	vpush v5, $0x0;
	_ =	sdelay $0x8  }
0x89: {  	v5 =	vsel vm1, $0x1, v2  }
0x8a: {  	(xrf0) =	vadd.scan.msk.s32 $0xffff, v5;
	_ =	sdelay $0x1  }
0x8b: {  	s22 =	simm.s32 @!p1 $0x100  }
0x8c: {  	v5 =	vmov s22  }
0x8d: {  	v5 =	vadd.s32 $0xFFFFFFFF, v5  }
0x8e: {  	v5 =	vbroadcast v5, $0x0;
	s25 =	spop (v2sf)  }
0x8f: {  	v6, _, _ =	vpop (xrf0);
	s22 =	sadd.s32 s22, s25  }
0x90: {  	v5 =	vadd.s32 v6, v5;
	p1 =	slt.s32 s22, $0x1  }
.Ltmp5:
0x91: {  	_ = 	snop;
	(pc) =	sbr.rel @p1 .LBB2_18-.Ltmp5, $3  }
0x92: {  	_ =	sdelay $0x1  }
0x93: {  	v6 =	vor.u32 s24, v1;
	p0 =	slt.s32 s22, $0x100  }
0x94: {  	[tilespmem:v5+s14+$0x0] =	vst.idx.msk vm1, v6;
	s22 =	simm.s32 @!p0 $0x100  }
0x95: {  	s24 =	simm.s32 $0x0  }
0x96: {  	v5 =	vmov s24;
	_ =	sdelay $0x4  }
0x97: {  	v5 =	vld.idx.msk [tilespmem:v5+s14+$0x0], $0xffff;
	_ =	sdelay $0x4  }
0x98: {  	(v2sf) =	vpush v5, $0x0;
	_ =	sdelay $0xe  }
0x99: {  	s25 =	spop (v2sf)  }
0x9a: {  	s29 =	sshra.s32 s25, $0x1F  }
0x9b: {  	s24 =	sshrl.u32 s29, $0x19  }
0x9c: {  	s24 =	sadd.s32 s24, s25  }
0x9d: {  	s26 =	sand.u32 $0xFFFFFF80, s24  }
0x9e: {  	p0 =	slt.s32 s25, $0x1;
	p1 =	sne.s32 s25, s26  }
0x9f: {  	p0 =	por !p0, !p1  }
0xa0: {  	s28 =	sshrl.u32 s24, $0x7;
	s26 =	simm.s32 $0x1;
	p0 =	por !p0, !p0  }
0xa1: {  	s24 =	smul.u32 $0x18800, s23;
	p1 =	sne.s32 s22, $0x1;
	s26 =	simm.s32 @!p0 $0x0  }
.Ltmp6:
0xa2: {  	s30 =	ssub.s32 s28, s26;
	(pc) =	sbr.rel @!p1 .LBB2_6-.Ltmp6, $4  }
0xa3: {  	s23 =	sshll.u32 s30, $0xB  }
0xa4: {  	s25 =	sand.u32 $0x7F, s25;
	s23 =	sadd.s32 s24, s23  }
0xa5: {  	s31 =	sor.u32 s25, s23  }
0xa6: {  	p0 =	por $0x0, $0x0;
	s23 =	simm.s32 $0x1A00;
	s25 =	simm.s32 $0x1;
	v5 =	vor.u32 s31, v3  }
0xa7: {  	v6 =	vmov s25;
	_ =	sdelay $0x3  }
0xa8: {  	[tilespmem:s23], [sflag:$0x1] =	stream.indirect_vreg.gather [hbm4b:s2+s1], $0x1, v5, vm0, $0xb8;
	[tilespmem:$0x2E80] =	vst v63  }
0xa9: {  	v5 =	vld.idx.msk [tilespmem:v6+s14+$0x0], $0xffff;
	_ =	sdelay $0x4  }
0xaa: {  	(v2sf) =	vpush v5, $0x0;
	_ =	sdelay $0xe  }
0xab: {  	s31 =	spop (v2sf)  }
0xac: {  	s26 =	sshra.s32 s31, $0x1F  }
0xad: {  	s26 =	sshrl.u32 s26, $0x19  }
0xae: {  	s26 =	sadd.s32 s26, s31  }
0xaf: {  	s28 =	sand.u32 $0xFFFFFF80, s26  }
0xb0: {  	p0 =	slt.s32 s31, $0x1;
	p1 =	sne.s32 s31, s28  }
0xb1: {  	p0 =	por !p0, !p1  }
0xb2: {  	s28 =	simm.s32 $0x1;
	p0 =	por !p0, !p0  }
0xb3: {  	s26 =	sshrl.u32 s26, $0x7;
	p1 =	sne.s32 s22, $0x2;
	s28 =	simm.s32 @!p0 $0x0  }
.Ltmp7:
0xb4: {  	s26 =	ssub.s32 s26, s28;
	(pc) =	sbr.rel @!p1 .LBB2_8-.Ltmp7, $4  }
0xb5: {  	s26 =	sshll.u32 s26, $0xB  }
0xb6: {  	s25 =	sand.u32 $0x7F, s31;
	s26 =	sadd.s32 s24, s26  }
0xb7: {  	s25 =	sor.u32 s25, s26  }
0xb8: {  	p0 =	por $0x1, $0x1;
	s26 =	simm.s32 $0x2;
	v5 =	vor.u32 s25, v3;
	s25 =	simm.s32 $0x1A00  }
.LBB2_9:
0xb9: {  	v6 =	vmov s26;
	s26 =	sadd.s32 $0x1, s26  }
0xba: {  	p1 =	sne.s32 s22, s26;
	_ =	sdelay $0x1  }
0xbb: {  	s25 =	sadd.s32 $0x10, s25  }
0xbc: {  	[tilespmem:s25], [sflag:$0x1] =	stream.indirect_vreg.gather [hbm4b:s2+s1], $0x1, v5, vm0, $0xb8;
	[tilespmem:$0x2E80] =	vst v63  }
0xbd: {  	v5 =	vld.idx.msk [tilespmem:v6+s14+$0x0], $0xffff;
	_ =	sdelay $0x5  }
0xbe: {  	(v2sf) =	vpush v5, $0x0;
	_ =	sdelay $0xe  }
0xbf: {  	s28 =	spop (v2sf)  }
0xc0: {  	s29 =	sshra.s32 s28, $0x1F  }
0xc1: {  	s29 =	sshrl.u32 s29, $0x19  }
0xc2: {  	s29 =	sadd.s32 s29, s28  }
0xc3: {  	s30 =	sand.u32 $0xFFFFFF80, s29  }
0xc4: {  	p2 =	slt.s32 s28, $0x1;
	p3 =	sne.s32 s28, s30  }
0xc5: {  	p2 =	por !p2, !p3  }
0xc6: {  	s30 =	simm.s32 $0x1;
	p2 =	por !p2, !p2  }
0xc7: {  	s29 =	sshrl.u32 s29, $0x7;
	s30 =	simm.s32 @!p2 $0x0  }
.Ltmp8:
0xc8: {  	s29 =	ssub.s32 s29, s30;
	(pc) =	sbr.rel @p1 .LBB2_9-.Ltmp8, $4  }
0xc9: {  	s29 =	sshll.u32 s29, $0xB  }
0xca: {  	s28 =	sand.u32 $0x7F, s28;
	s29 =	sadd.s32 s24, s29  }
0xcb: {  	s28 =	sor.u32 s28, s29  }
0xcc: {  	v5 =	vor.u32 s28, v3  }
.LBB2_10:
0xcd: {  	_ =	sdelay $0x1  }
0xce: {  	s24 =	sadd.s32 @p0 $0x10, s25  }
0xcf: {  	s23 =	smov.u32 @p0 s24  }
0xd0: {  	[tilespmem:s23], [sflag:$0x1] =	stream.indirect_vreg.gather [hbm4b:s2+s1], $0x1, v5, vm0, $0xb8;
	[tilespmem:$0x2E80] =	vst v63  }
0xd1: {  	s23 =	smov.u32 s22  }
.LBB2_11:
0xd2: {  	p0 =	sne.s32 s23, $0x1  }
.Ltmp9:
0xd3: {  	_ = 	snop;
	(pc) =	sbr.rel @p0 .LBB2_11-.Ltmp9, $4  }
0xd4: {  	_ = 	snop  }
0xd5: {  	_ =	swait.ge [sflag:s15], $0x10  }
0xd6: {  	[sflag:s15] =	ssyncset.done $0x0  }
0xd7: {  	s23 =	sadd.s32 $0xFFFFFFFF, s23;
	[sflag:s15] =	ssyncadd.s32 $0xFFFFFFF0  }
0xd8: {  	p1 =	sne.s32 s22, $0x1  }
.Ltmp10:
0xd9: {  	_ = 	snop;
	(pc) =	sbr.rel @!p1 .LBB2_13-.Ltmp10, $3  }
0xda: {  	_ =	sdelay $0x1  }
0xdb: {  	s23 =	simm.s32 $0x0  }
0xdc: {  	s24 =	simm.s32 $0x1A00;
	s28 =	simm.s32 $0x1;
	p0 =	por $0x0, $0x0;
	v6 =	vmov s23  }
0xdd: {  	_ =	sdelay $0x3  }
0xde: {  	v5 =	vld.idx.msk [tilespmem:v6+s14+$0x0], $0xffff;
	_ =	sdelay $0x4  }
0xdf: {  	(v2sf) =	vpush v5, $0x0;
	_ =	sdelay $0x1  }
0xe0: {  	v8 =	vld [tilespmem:s24+$0x0];
	_ =	sdelay $0x4  }
0xe1: {  	vm1 =	vle.f32 v8, v4  }
0xe2: {  	v5 =	vmpcnt.ones.xlane vm1;
	_ =	sdelay $0x1  }
0xe3: {  	(v2sf) =	vpush v5, $0x0;
	_ =	sdelay $0x3  }
0xe4: {  	v5 =	vsel vm1, $0x1, v2  }
0xe5: {  	(xrf0) =	vadd.scan.msk.s32 $0xffff, v5;
	s25 =	spop (v2sf)  }
0xe6: {  	s26 =	sshra.s32 s25, $0x1F  }
0xe7: {  	s26 =	sshrl.u32 s26, $0x19  }
0xe8: {  	v5 =	vmov s23;
	s26 =	sadd.s32 s26, s25  }
0xe9: {  	v5 =	vadd.s32 $0xFFFFFFFF, v5;
	s29 =	sand.u32 $0xFFFFFF80, s26  }
0xea: {  	v5 =	vbroadcast v5, $0x0;
	p0 =	slt.s32 s25, $0x1;
	p1 =	sne.s32 s25, s29  }
0xeb: {  	v6, _, _ =	vpop (xrf0);
	p0 =	por !p0, !p1  }
0xec: {  	v5 =	vadd.s32 v6, v5;
	s29 =	simm.s32 $0x1;
	p1 =	sne.s32 s22, $0x2;
	p0 =	por !p0, !p0  }
.Ltmp11:
0xed: {  	s30 =	sshrl.u32 s26, $0x7;
	s29 =	simm.s32 @!p0 $0x0;
	(pc) =	sbr.rel @!p1 .LBB2_15-.Ltmp11, $4  }
0xee: {  	s29 =	ssub.s32 s30, s29  }
0xef: {  	v6 =	vmov s28;
	s31 =	spop (v2sf);
	s25 =	sand.u32 $0x7F, s25;
	s29 =	sshll.u32 s29, $0xB  }
0xf0: {  	s28 =	simm.s32 $0x1A00;
	s29 =	sor.u32 s25, s29;
	s25 =	sadd.s32 $0x0, s31  }
0xf1: {  	[tilespmem:v5+s16+$0x0] =	vst.idx.msk vm1, v8;
	s26 =	simm.s32 $0x2;
	p0 =	por $0x1, $0x1;
	v7 =	vor.u32 s29, v3;
	p2 =	slt.s32 s25, $0x100  }
.LBB2_16:
0xf2: {  	s25 =	simm.s32 @!p2 $0x100  }
0xf3: {  	[tilespmem:v5+s17+$0x0] =	vst.idx.msk vm1, v7;
	s28 =	sadd.s32 $0x10, s28;
	s29 =	smov.u32 s26;
	s26 =	sadd.s32 $0x1, s26  }
0xf4: {  	p1 =	sne.s32 s22, s26;
	v5 =	vld.idx.msk [tilespmem:v6+s14+$0x0], $0xffff;
	v6 =	vmov s25  }
0xf5: {  	v6 =	vadd.s32 $0xFFFFFFFF, v6;
	_ =	sdelay $0x4  }
0xf6: {  	(v2sf) =	vpush v5, $0x0;
	_ =	sdelay $0x1  }
0xf7: {  	v8 =	vld [tilespmem:s28+$0x0];
	_ =	sdelay $0x4  }
0xf8: {  	vm1 =	vle.f32 v8, v4  }
0xf9: {  	v5 =	vsel vm1, $0x1, v2;
	v7 =	vmpcnt.ones.xlane vm1  }
0xfa: {  	(xrf0) =	vadd.scan.msk.s32 $0xffff, v5  }
0xfb: {  	(v2sf) =	vpush v7, $0x0;
	_ =	sdelay $0x4  }
0xfc: {  	s30 =	spop (v2sf);
	v5, _, _ =	vpop (xrf0)  }
0xfd: {  	s31 =	sshra.s32 s30, $0x1F  }
0xfe: {  	s31 =	sshrl.u32 s31, $0x19  }
0xff: {  	s31 =	sadd.s32 s31, s30  }
0x100: {  	s0 =	sand.u32 $0xFFFFFF80, s31  }
0x101: {  	v6 =	vbroadcast v6, $0x0;
	p2 =	slt.s32 s30, $0x1;
	p3 =	sne.s32 s30, s0  }
0x102: {  	p2 =	por !p2, !p3  }
0x103: {  	v5 =	vadd.s32 v5, v6;
	s0 =	sshrl.u32 s31, $0x7;
	s31 =	simm.s32 $0x1;
	p2 =	por !p2, !p2  }
.Ltmp12:
0x104: {  	s31 =	simm.s32 @!p2 $0x0;
	(pc) =	sbr.rel @p1 .LBB2_16-.Ltmp12, $4  }
0x105: {  	v6 =	vmov s29;
	s0 =	ssub.s32 s0, s31  }
0x106: {  	s29 =	sand.u32 $0x7F, s30;
	s0 =	sshll.u32 s0, $0xB;
	s30 =	spop (v2sf)  }
0x107: {  	s0 =	sor.u32 s29, s0;
	s25 =	sadd.s32 s25, s30  }
0x108: {  	v7 =	vor.u32 s0, v3;
	[tilespmem:v5+s16+$0x0] =	vst.idx.msk vm1, v8;
	p2 =	slt.s32 s25, $0x100  }
.Ltmp13:
0x109: {  	_ = 	snop;
	(pc) =	sbr.rel .LBB2_17-.Ltmp13, $1  }
0x10a: {  	_ =	sdelay $0x3  }
.LBB2_6:
.Ltmp14:
0x10b: {  	(pc) =	sbr.rel .LBB2_10-.Ltmp14, $2  }
0x10c: {  	_ =	sdelay $0x2  }
0x10d: {  	s25 =	simm.s32 $0x1A00  }
.LBB2_8:
.Ltmp15:
0x10e: {  	(pc) =	sbr.rel .LBB2_10-.Ltmp15, $2  }
0x10f: {  	_ =	sdelay $0x2  }
0x110: {  	s25 =	simm.s32 $0x1A00  }
.LBB2_15:
.Ltmp16:
0x111: {  	(pc) =	sbr.rel .LBB2_17-.Ltmp16, $2  }
0x112: {  	_ =	sdelay $0x2  }
0x113: {  	s28 =	simm.s32 $0x1A00  }
.LBB2_20:
0x114: {  	_ =	sfence.sel $0x180000  }
0x115: {  	[bflag:$0x0] =	sbarrier.arrive $0xFFFF  }
0x116: {  	_ =	strace $0x9000004A  }
0x117: {  	[bflag:$0x2] =	sbarrier.arrive $0xFFFF  }
0x118: {  	p0 =	sne.s32 s3, $0x0;
	s0 =	rddreg [dreg:$0x1]  }
0x119: {  	s0 =	sadd.s32 @!p0 $0x100000, s0  }
0x11a: {  	[sflag:s0] =	ssyncadd.tile.s32 @!p0 $0x1;
	_ =	shalt  }
.Lfunc_end2:
_tile_overlayer_lowered:
.L_overlay_start_2:
0x11b: {  	(tag) =	ssettag $0x2  }
0x11c: {  	s0 =	rddreg [dreg:$0x0];
	s2 =	stileid.u32  }
0x11d: {  	s1 =	rddreg [dreg:$0x1];
	p0 =	sne.s32 s2, $0x0  }
0x11e: {  	s3 =	rddreg [dreg:$0x2];
	[bflag:$0x3] =	sbarrier.arrive $0xFFFF;
	s2 =	simm.s32 @!p0 $0x1C02  }
0x11f: {  	[timem:s3], [sflag:s2] =	dma.local @!p0 [hbm:s0], s1  }
0x120: {  	s0 =	simm.s32 @!p0 $0x2  }
0x121: {  	_ =	swait.ge @!p0 [sflag:s0], s1  }
0x122: {  	s1 =	ssub.s32 @!p0 $0x0, s1;
	[sflag:s0] =	ssyncset.done @!p0 $0x0  }
0x123: {  	[sflag:s0] =	ssyncadd.s32 @!p0 s1  }
0x124: {  	[bflag:$0x3] =	sbarrier.arrive $0xFFFF  }
0x125: {  	_ =	shalt  }

// kernel: sparse-core-data-format-call.cloned.1.call-start
scs
called_computation_lowered:
.L_overlay_start_0:
0x0: {  	s1 =	sld [smem:$0x3FD9]  }
0x1: {  	s2 =	sld [smem:$0x3FFE];
	_ =	sdelay $0x1  }
0x2: {  	s3 =	srdreg.scid  }
0x3: {  	s0 =	sand.u32 $0x1, s3  }
0x4: {  	s17 =	sshll.u32 s0, $0xA;
	s1 =	sadd.s32 s2, s1  }
0x5: {  	s1 =	sadd.s32 s1, s17  }
0x6: {  	[smem:$0x3FC6] =	sst s1  }
0x7: {  	_ = 	snop  }
0x8: {  	(tm) =	ssettm $0x1  }
0x9: {  	s18 =	sld [smem:$0x3FFB];
	_ =	sdelay $0x3  }
0xa: {  	_ =	strace s18  }
0xb: {  	s1 =	sld [smem:$0x3FFC];
	_ =	sdelay $0x3  }
0xc: {  	_ =	strace s1  }
0xd: {  	s1 =	sld [smem:$0x3FFD];
	_ =	sdelay $0x3  }
0xe: {  	_ =	strace s1  }
0xf: {  	_ =	strace $0x8FFFFFFF  }
0x10: {  	s19 =	sld [smem:$0x3FDB];
	_ =	sdelay $0x1  }
0x11: {  	s20 =	simm.s32 $_scs_section_size  }
0x12: {  	s4 =	simm.s32 $_size__tile_overlayer_lowered;
	s5 =	simm.s32 $_tile_overlayer_lowered  }
0x13: {  	s23 =	simm.s32 $0x1BFF;
	s22 =	sshll.u32 s5, $0x1;
	s1 =	sadd.s32 s20, s19  }
0x14: {  	s6 =	simm.s32 $0x0;
	s21 =	sshll.u32 s4, $0x1;
	s4 =	sadd.s32 s22, s1  }
0x15: {  	[timem:s6], [sflag:s23] =	dma.local [hbm:s4], s21  }
0x16: {  	_ =	swait.ge [sflag:s23], s21  }
0x17: {  	s2 =	ssub.s32 $0x0, s21;
	[sflag:s23] =	ssyncset.done $0x0  }
0x18: {  	[sflag:s23] =	ssyncadd.s32 s2;
	_ =	sdelay $0x1  }
0x19: {  	s24 =	simm.s32 $0x1B8B  }
0x1a: {  	_ =	swait.ge [sflag:s24], $0x1  }
0x1b: {  	[sflag:s24] =	ssyncset.done $0x0  }
0x1c: {  	s26 =	simm.s32 $0x1B8E;
	s25 =	sld [smem:$0x3FFE];
	[sflag:s24] =	ssyncadd.s32 $0xFFFFFFFF  }
0x1d: {  	s27 =	simm.s32 $execute0_lowered;
	[smem:$0x3FD2] =	sst s26  }
0x1e: {  	s4 =	sshll.u32 s27, $0x1;
	_ =	strace $0x80000046;
	[dreg:$0x1] =	wrdreg $0xFFFFFFFF  }
0x1f: {  	s28 =	simm.s32 $_size_execute0_lowered;
	s1 =	sadd.s32 s1, s4;
	[dreg:$0x0] =	wrdreg $0x0  }
0x20: {  	s4 =	sshll.u32 s28, $0x1;
	[dreg:$0x2] =	wrdreg s1  }
0x21: {  	[dreg:$0x3] =	wrdreg s4  }
0x22: {  	[dreg:$0x4] =	wrdreg $0xC0  }
0x23: {  	_ =	task [dreg:s6], $0x5FFFF  }
0x24: {  	[dreg:$0x1] =	wrdreg $0xFFFFFFFF  }
0x25: {  	[dreg:$0x0] =	wrdreg $0x60  }
0x26: {  	[dreg:$0x2] =	wrdreg s25  }
0x27: {  	[dreg:$0x3] =	wrdreg $0x9  }
0x28: {  	_ =	task.clear_ibuf [dreg:s6], $0x4FFFF;
	_ =	strace $0x90000046  }
0x29: {  	s29 =	simm.s32 $0x9;
	_ =	strace $0x80000048  }
0x2a: {  	_ =	swait.ge [sflag:s29], $0x1  }
0x2b: {  	[sflag:s29] =	ssyncadd.s32 $0xFFFFFFFF  }
0x2c: {  	_ =	strace $0x90000048  }
0x2d: {  	_ =	sfence  }
0x2e: {  	s30 =	sld [smem:$0x0];
	_ =	sdelay $0x2  }
0x2f: {  	s31 =	sshll.u32 s3, $0xD;
	s3 =	sshrl.u32 s3, $0x2  }
0x30: {  	s2 =	sand.u32 $0x4000, s31;
	s1 =	sadd.s32 s3, s30  }
0x31: {  	s0 =	sor.u32 s2, s0;
	s1 =	sshll.u32 s1, $0x11  }
0x32: {  	s0 =	sor.u32 s1, s0  }
0x33: {  	s0 =	sadd.s32 $0x8F2B, s0  }
0x34: {  	[sflag:s0] =	ssyncadd.remote.s32 $0x1  }
0x35: {  	_ =	sfence.sel $0xFFFF  }
0x36: {  	[dreg:$0x0] =	wrdreg $0xFFFFFFFF;
	(pc) =	sbr.abs _section_cstart, $3  }
0x37: {  	[dreg:$0x1] =	wrdreg $0xFFFFFFFF  }
0x38: {  	_ =	task.clear_ibuf [dreg:s6], $0x2FFFF;
	_ =	strace $0x9FFFFFFF  }
0x39: {  	(tm) =	ssettm $0x7FFFFFFF  }
tec
execute0_lowered:
.L_overlay_start_1:
0x0: {  	(tag) =	ssettag $0x1  }
0x1: {  	s1 =	rddreg [dreg:$0x0]  }
0x2: {  	s0 =	rddreg [dreg:$0x1]  }
0x3: {  	_ =	strace $0x80000047;
	s4 =	srdreg.scid;
	s6 =	simm.s32 $0x2  }
0x4: {  	s11 =	simm.s32 $0x0;
	p0 =	por $0x0, $0x0;
	s7 =	simm.s32 $0x18800  }
.Ltmp0:
0x5: {  	s12 =	simm.s32 $0x0;
	s9 =	simm.s32 $0x0;
	(pc) =	sbr.rel .LBB1_1-.Ltmp0, $4  }
0x6: {  	s2 =	sadd.s32 $0x30EC00, s1;
	s3 =	sadd.s32 $0xF4EC00, s1;
	s5 =	sshll.u32 s4, $0x4  }
0x7: {  	s1 =	stileid.u32;
	s4 =	simm.s32 $0x1;
	s5 =	sand.u32 $0x10, s5  }
0x8: {  	s8 =	simm.s32 $0x0;
	[sflag:s4] =	ssyncpa.u1 $0x0;
	s5 =	sor.u32 s1, s5  }
0x9: {  	[sflag:s6] =	ssyncpa.u1 $0x0;
	s6 =	simm.s32 $0x800;
	s10 =	smov.u32 s5  }
.LBB1_7:
0xa: {  	s13 =	sadd.s32 $0x10, s9  }
0xb: {  	s11 =	sadd.s32 $0x20, s10;
	s15 =	smov.u32 s10;
	p2 =	sgt.s32 s13, $0x30F  }
0xc: {  	p1 =	slt.u32 s8, $0x2;
	s15 =	smov.u32 @p2 s11  }
0xd: {  	s8 =	sadd.s32 $0x1, s8;
	s13 =	simm.s32 @p2 $0x0;
	p2 =	sgt.s32 s15, $0x7F  }
0xe: {  	s15 =	smov.u32 @p2 s5;
	p2 =	sne.s32 s8, $0xC6  }
.Ltmp1:
0xf: {  	_ = 	snop;
	(pc) =	sbr.rel @!p2 .LBB1_8-.Ltmp1, $4  }
0x10: {  	s14 =	simm.s32 @!p1 $0x2  }
0x11: {  	s12 =	smov.u32 s10;
	_ =	swait.ge @!p1 [sflag:s14], $0x4000  }
0x12: {  	p0 =	por !p0, !p0;
	s11 =	smov.u32 s9;
	[sflag:s14] =	ssyncset.done @!p1 $0x0  }
0x13: {  	s9 =	smov.u32 s13;
	[sflag:s14] =	ssyncadd.s32 @!p1 $0xFFFFC000;
	s10 =	smov.u32 s15  }
.LBB1_1:
0x14: {  	p1 =	sgt.u32 s8, $0xC3  }
0x15: {  	s13 =	smul.u32 @!p1 $0x18800, s10  }
0x16: {  	s14 =	sxor.u32 @!p1 $0xFFFFFFFF, s8  }
0x17: {  	s15 =	sshll.u32 @!p1 s9, $0x7;
	s14 =	sshll.u32 @!p1 s14, $0xE;
	s13 =	sadd.s32 @!p1 s2, s13  }
0x18: {  	s14 =	sand.u32 @!p1 $0x4000, s14;
	s13 =	sadd.s32 @!p1 s15, s13;
	s15 =	simm.s32 @!p1 $0x0  }
0x19: {  	[tilespmem:s14], [sflag:$0x1] =	stream.linear.gather @!p1 [hbm4b:s13+s15], $0x4000, $0x38;
	[tilespmem:$0x10000] =	vst v63  }
0x1a: {  	p1 =	seq.s32 s8, $0x0  }
0x1b: {  	p2 =	seq.s32 @!p1 s8, $0xC5  }
0x1c: {  	p1 =	por p1, p2  }
.Ltmp2:
0x1d: {  	_ = 	snop;
	(pc) =	sbr.rel @p1 .LBB1_7-.Ltmp2, $1  }
0x1e: {  	_ =	sdelay $0x3  }
0x1f: {  	s13 =	simm.s32 $0x1;
	_ =	swait.ge [sflag:s4], $0x4000;
	s16 =	sshll.u32 s8, $0xE  }
0x20: {  	s13 =	simm.s32 @!p0 $0x0;
	[sflag:s4] =	ssyncset.done $0x0;
	s31 =	sand.u32 $0x4000, s16  }
0x21: {  	s16 =	simm.s32 $0x0;
	s13 =	sshll.u32 s13, $0xE;
	[sflag:s4] =	ssyncadd.s32 $0xFFFFC000  }
0x22: {  	s14 =	sor.u32 $0x8040, s13;
	s15 =	sor.u32 $0x40, s13;
	s13 =	sor.u32 $0x8000, s31  }
.LBB1_3:
0x23: {  	v0 =	vmov s15;
	_ =	sdelay $0x3  }
0x24: {  	s18 =	simm.s32 $0x0  }
0x25: {  	v6 =	vld.idx.msk [tilespmem:v0+s18+$0x30 ss:$0x1], $0xffff  }
0x26: {  	v7 =	vld.idx.msk [tilespmem:v0+s18+$0xFFFFFFC0 ss:$0x1], $0xffff  }
0x27: {  	v5 =	vld.idx.msk [tilespmem:v0+s18+$0xFFFFFFD0 ss:$0x1], $0xffff  }
0x28: {  	v4 =	vld.idx.msk [tilespmem:v0+s18+$0xFFFFFFE0 ss:$0x1], $0xffff  }
0x29: {  	v3 =	vld.idx.msk [tilespmem:v0+s18+$0xFFFFFFF0 ss:$0x1], $0xffff  }
0x2a: {  	v1 =	vld.idx.msk [tilespmem:v0+s18+$0x0 ss:$0x1], $0xffff  }
0x2b: {  	v2 =	vld.idx.msk [tilespmem:v0+s18+$0x10 ss:$0x1], $0xffff;
	[tilespmem:s14+$0x30] =	vst v6  }
0x2c: {  	s17 =	simm.s32 $0x80;
	s19 =	simm.s32 $0x400;
	[tilespmem:s14+$0xFFFFFFC0] =	vst v7;
	v6 =	vld.idx.msk [tilespmem:v0+s18+$0x20 ss:$0x1], $0xffff;
	s18 =	smov.u32 s14  }
.LBB1_4:
0x2d: {  	p1 =	sne.s32 s19, $0xE00;
	v7 =	vld.idx.msk [tilespmem:v0+s17+$0x30 ss:$0x1], $0xffff;
	[tilespmem:s18+$0xFFFFFFD0] =	vst v5  }
0x2e: {  	v8 =	vld.idx.msk [tilespmem:v0+s17+$0xFFFFFFC0 ss:$0x1], $0xffff;
	[tilespmem:s18+$0xFFFFFFE0] =	vst v4  }
0x2f: {  	v5 =	vld.idx.msk [tilespmem:v0+s17+$0xFFFFFFD0 ss:$0x1], $0xffff;
	[tilespmem:s18+$0xFFFFFFF0] =	vst v3  }
.Ltmp3:
0x30: {  	v4 =	vld.idx.msk [tilespmem:v0+s17+$0xFFFFFFE0 ss:$0x1], $0xffff;
	[tilespmem:s18+$0x0] =	vst v1;
	(pc) =	sbr.rel @p1 .LBB1_4-.Ltmp3, $4  }
0x31: {  	v3 =	vld.idx.msk [tilespmem:v0+s17+$0xFFFFFFF0 ss:$0x1], $0xffff;
	[tilespmem:s18+$0x10] =	vst v2  }
0x32: {  	v1 =	vld.idx.msk [tilespmem:v0+s17+$0x0 ss:$0x1], $0xffff;
	[tilespmem:s18+$0x20] =	vst v6;
	s18 =	sadd.s32 $0x800, s18  }
0x33: {  	v2 =	vld.idx.msk [tilespmem:v0+s17+$0x10 ss:$0x1], $0xffff;
	[tilespmem:s18+$0x30] =	vst v7  }
0x34: {  	[tilespmem:s18+$0xFFFFFFC0] =	vst v8;
	v6 =	vld.idx.msk [tilespmem:v0+s17+$0x20 ss:$0x1], $0xffff;
	s17 =	sshra.s32 s19, $0x2;
	s19 =	sadd.s32 $0x200, s19  }
0x35: {  	_ =	sdelay $0x2  }
0x36: {  	[tilespmem:s18+$0xFFFFFFD0] =	vst v5  }
0x37: {  	v56 =	vld.idx.msk [tilespmem:v0+s17+$0x30 ss:$0x1], $0xffff;
	[tilespmem:s18+$0xFFFFFFE0] =	vst v4  }
0x38: {  	v57 =	vld.idx.msk [tilespmem:v0+s17+$0xFFFFFFC0 ss:$0x1], $0xffff;
	[tilespmem:s18+$0xFFFFFFF0] =	vst v3  }
0x39: {  	v58 =	vld.idx.msk [tilespmem:v0+s17+$0xFFFFFFD0 ss:$0x1], $0xffff;
	[tilespmem:s18+$0x0] =	vst v1  }
0x3a: {  	v59 =	vld.idx.msk [tilespmem:v0+s17+$0xFFFFFFE0 ss:$0x1], $0xffff;
	[tilespmem:s18+$0x10] =	vst v2  }
0x3b: {  	v60 =	vld.idx.msk [tilespmem:v0+s17+$0xFFFFFFF0 ss:$0x1], $0xffff;
	s31 =	sadd.s32 $0x800, s18;
	[tilespmem:s18+$0x20] =	vst v6  }
0x3c: {  	v61 =	vld.idx.msk [tilespmem:v0+s17+$0x0 ss:$0x1], $0xffff;
	[tilespmem:s31+$0x30] =	vst v56  }
0x3d: {  	v62 =	vld.idx.msk [tilespmem:v0+s17+$0x10 ss:$0x1], $0xffff;
	s16 =	sadd.s32 $0x1, s16;
	[tilespmem:s31+$0xFFFFFFC0] =	vst v57  }
0x3e: {  	v63 =	vld.idx.msk [tilespmem:v0+s17+$0x20 ss:$0x1], $0xffff;
	p1 =	sne.s32 s16, $0x10;
	[tilespmem:s31+$0xFFFFFFD0] =	vst v58  }
.Ltmp4:
0x3f: {  	[tilespmem:s31+$0xFFFFFFE0] =	vst v59;
	(pc) =	sbr.rel @p1 .LBB1_3-.Ltmp4, $4  }
0x40: {  	[tilespmem:s31+$0xFFFFFFF0] =	vst v60  }
0x41: {  	[tilespmem:s31+$0x0] =	vst v61  }
0x42: {  	[tilespmem:s31+$0x10] =	vst v62  }
0x43: {  	s14 =	sadd.s32 $0x80, s14;
	s15 =	sadd.s32 $0x400, s15;
	[tilespmem:s31+$0x20] =	vst v63  }
0x44: {  	s11 =	sand.u32 $0x1FFFFFF, s11  }
0x45: {  	s14 =	smulhi.u32 $0x14E5E0B, s11;
	_ =	sdelay $0x1  }
0x46: {  	s12 =	smul.u32 $0x18800, s12;
	s14 =	sshrl.u32 s14, $0x2  }
0x47: {  	s14 =	smul.u32 $0x310, s14  }
.Ltmp5:
0x48: {  	_ = 	snop;
	(pc) =	sbr.rel .LBB1_7-.Ltmp5, $4  }
0x49: {  	s11 =	ssub.s32 s11, s14  }
0x4a: {  	s12 =	sadd.s32 s3, s12;
	s11 =	sshll.u32 s11, $0x4  }
0x4b: {  	s11 =	sadd.s32 s11, s12  }
0x4c: {  	[hbm4b:s11+s6] =	stream.strided.scatter [tilespmem:s13], [sflag:$0x2], $0x4000, s7, s6, $0x38;
	[tilespmem:$0x10000] =	vst v63  }
.LBB1_8:
0x4d: {  	_ =	sfence.sel $0x180000  }
0x4e: {  	s2 =	simm.s32 $0x1;
	[bflag:$0x0] =	sbarrier.arrive $0xFFFF  }
0x4f: {  	s31 =	simm.s32 $0x2;
	[sflag:s2] =	ssyncpa.u1 $0x1  }
0x50: {  	[sflag:s31] =	ssyncpa.u1 $0x1  }
0x51: {  	p0 =	sne.s32 s1, $0x0;
	_ =	strace $0x90000047  }
0x52: {  	s0 =	sadd.s32 @!p0 $0x100000, s0;
	[bflag:$0x2] =	sbarrier.arrive $0xFFFF  }
0x53: {  	[sflag:s0] =	ssyncadd.tile.s32 @!p0 $0x1;
	_ =	shalt  }
.Lfunc_end1:
_tile_overlayer_lowered:
.L_overlay_start_2:
0x54: {  	(tag) =	ssettag $0x2  }
0x55: {  	s0 =	rddreg [dreg:$0x0];
	s2 =	stileid.u32  }
0x56: {  	s1 =	rddreg [dreg:$0x1];
	p0 =	sne.s32 s2, $0x0  }
0x57: {  	s3 =	rddreg [dreg:$0x2];
	[bflag:$0x3] =	sbarrier.arrive $0xFFFF;
	s2 =	simm.s32 @!p0 $0x1C01  }
0x58: {  	[timem:s3], [sflag:s2] =	dma.local @!p0 [hbm:s0], s1  }
0x59: {  	s0 =	simm.s32 @!p0 $0x1  }
0x5a: {  	_ =	swait.ge @!p0 [sflag:s0], s1  }
0x5b: {  	s1 =	ssub.s32 @!p0 $0x0, s1;
	[sflag:s0] =	ssyncset.done @!p0 $0x0  }
0x5c: {  	[sflag:s0] =	ssyncadd.s32 @!p0 s1  }
0x5d: {  	[bflag:$0x3] =	sbarrier.arrive $0xFFFF  }
0x5e: {  	_ =	shalt  }

</sc_bundles>
